<compile_context>
chip_gen: v7x
topology: tpu7x:2x2x1
jax: 0.10.2.dev20260603
libtpu: 0.0.44.dev20260713+nightly
codegen_flags: <defaults>
</compile_context>

<pallas_src>
import functools

import jax
import jax.numpy as jnp
from jax import lax
from jax.experimental import pallas as pl
from jax.experimental.pallas import tpu as pltpu
from jax.experimental.pallas import tpu_sc as plsc

_N, _C = 100000, 80

_SC_WORKERS = 32
_SC_CH = 160
_SC_NCH = 6
_SC_ROWS = _SC_WORKERS * _SC_CH * _SC_NCH
_K = _N - _SC_ROWS

_ROWS = 3464
_GRID = _K // _ROWS

_L1P5_COEF = (2.2117031200e-05, 9.9901044663e-01, -4.8915684720e-01,
              2.8330432452e-01, -1.3011941539e-01, 3.0102625012e-02)


def _polyval(coef, t):
    acc = jnp.full_like(t, coef[-1])
    for c in coef[-2::-1]:
        acc = acc * t + c
    return acc


def _sig_sp(x):
    t = jnp.exp(-jnp.abs(x))
    l1p = _polyval(_L1P5_COEF, t)
    sp = jnp.maximum(x, 0.0) + l1p
    sig = jnp.exp(x - sp)
    return sig, sp


def _tc_body(pred_ref, lab_ref, sc_ref, out_ref):
    i = pl.program_id(0)
    x = pred_ref[...]
    lab = lab_ref[0, 0, :]
    s = sc_ref[0, 0, :]

    sig = 0.5 * jnp.tanh(0.5 * x) + 0.5
    sp = jnp.where(x > 12.0, x, -jnp.log(1.0 - sig))

    neg = sp * sig * sig
    sb = s[:, None]
    d = sb - sig
    pos = (sp - x * sb) * d * d

    col = jax.lax.broadcasted_iota(jnp.int32, x.shape, 1)
    m = col == lab[:, None]
    part = jnp.sum(jnp.where(m, pos, neg))

    @pl.when(i == 0)
    def _init():
        out_ref[0, 0] = part

    @pl.when(i > 0)
    def _acc():
        out_ref[0, 0] += part


def _tc_part(pred, lab3, sc3):
    total = pl.pallas_call(
        _tc_body,
        grid=(_GRID,),
        in_specs=[
            pl.BlockSpec((_ROWS, _C), lambda i: (i, 0)),
            pl.BlockSpec((1, 1, _ROWS), lambda i: (i, 0, 0)),
            pl.BlockSpec((1, 1, _ROWS), lambda i: (i, 0, 0)),
        ],
        out_specs=pl.BlockSpec(memory_space=pltpu.SMEM),
        out_shape=jax.ShapeDtypeStruct((1, 1), jnp.float32),
    )(pred, lab3, sc3)
    return total[0, 0]


_SC_MESH = plsc.VectorSubcoreMesh(core_axis_name="c", subcore_axis_name="s")


@functools.partial(
    pl.kernel,
    mesh=_SC_MESH,
    compiler_params=pltpu.CompilerParams(use_tc_tiling_on_sc=True),
    out_type=jax.ShapeDtypeStruct((_SC_WORKERS * 16,), jnp.float32),
    scratch_types=[
        pltpu.VMEM((_SC_CH, _C), jnp.float32),
        pltpu.VMEM((_SC_CH,), jnp.int32),
        pltpu.VMEM((_SC_CH,), jnp.float32),
        pltpu.VMEM((16,), jnp.float32),
    ],
)
def _sc_tail(lab_hbm, sc_hbm, out_hbm, rows_v, lab_v, s_v, acc_v):
    wid = lax.axis_index("s") * 2 + lax.axis_index("c")
    base0 = _K + wid * (_SC_CH * _SC_NCH)
    ioff = lax.iota(jnp.int32, 16)
    acc = jnp.zeros((16,), jnp.float32)
    for j in range(_SC_NCH):
        base = base0 + j * _SC_CH
        pltpu.sync_copy(lab_hbm.at[pl.ds(base, _SC_CH)], lab_v)
        pltpu.sync_copy(sc_hbm.at[pl.ds(base, _SC_CH)], s_v)

        def dense_group(g, a):
            labs16 = lab_v[pl.ds(g * 16, 16)]
            ss16 = s_v[pl.ds(g * 16, 16)]

            def row_step(r16, aa):
                rsplat = jnp.full((16,), r16, jnp.int32)
                lab_b = labs16.at[rsplat].get(mode="promise_in_bounds")
                s_b = ss16.at[rsplat].get(mode="promise_in_bounds")
                r = g * 16 + r16
                for cblk in range(_C // 16):
                    x = rows_v[r, pl.ds(cblk * 16, 16)]
                    sig, sp = _sig_sp(x)
                    m = (cblk * 16 + ioff) == lab_b
                    sm = jnp.where(m, s_b, 0.0)
                    d = sig - sm
                    aa = aa + (sp - x * sm) * d * d
                return aa

            return lax.fori_loop(0, 16, row_step, a)

        acc = lax.fori_loop(0, _SC_CH // 16, dense_group, acc)

    acc_v[...] = acc
    pltpu.sync_copy(acc_v, out_hbm.at[pl.ds(wid * 16, 16)])


def kernel(pred, label, score):
    lab = label.astype(jnp.int32)
    lab3 = lab[:_K].reshape(_GRID, 1, _ROWS)
    sc3 = score[:_K].reshape(_GRID, 1, _ROWS)
    sc_parts = _sc_tail(lab, score)
    tc_total = _tc_part(pred, lab3, sc3)
    return (tc_total + jnp.sum(sc_parts)) / _N

# --- scband reference (transcript-rebuilt; emitter-appended) ---
"""Pipeline reference for scband-quality-focal-loss-47845935677841 (READ-ONLY COPY).

The authoritative reference and input builder live on the scoring server;
editing this copy changes nothing except your own understanding.
"""

import jax, jax.numpy as jnp
import numpy as np

N, C = 100000, 80
BETA = 2.0
LOSS_WEIGHT = 1.0


def _bce_with_logits(x, z):
    # numerically stable binary cross entropy with logits, reduction='none'
    return jnp.maximum(x, 0.0) - x * z + jnp.log1p(jnp.exp(-jnp.abs(x)))


def setup_inputs(seed: int = 0) -> dict:
    key = jax.random.key(seed)
    k1, k2, k3 = jax.random.split(key, 3)
    pred = jax.random.normal(k1, (N, C), dtype=jnp.float32)
    label = jax.random.randint(k2, (N,), 0, 81)  # 80 => background
    score = jax.random.uniform(k3, (N,), dtype=jnp.float32)
    return {"pred": pred, "label": label, "score": score}


def reference(pred, label, score):
    pred_sigmoid = jax.nn.sigmoid(pred)
    # negative part: BCE against all-zero labels, modulated by sigmoid(pred)^beta
    loss = _bce_with_logits(pred, jnp.zeros_like(pred)) * jnp.power(pred_sigmoid, BETA)
    bg_class_ind = pred.shape[1]
    pos_mask = (label >= 0) & (label < bg_class_ind)
    safe_label = jnp.where(pos_mask, label, 0).astype(jnp.int32)
    # gather predicted logit at the positive class for each anchor
    pred_pos = jnp.take_along_axis(pred, safe_label[:, None], axis=1)[:, 0]
    sig_pos = jax.nn.sigmoid(pred_pos)
    sf = score - sig_pos
    pos_loss = _bce_with_logits(pred_pos, score) * jnp.power(jnp.abs(sf), BETA)
    # scatter-overwrite loss[pos, pos_label] = pos_loss via one-hot masking
    onehot = jax.nn.one_hot(safe_label, bg_class_ind, dtype=pred.dtype) * pos_mask[:, None].astype(pred.dtype)
    loss = loss * (1.0 - onehot) + onehot * pos_loss[:, None]
    loss = loss.sum(axis=1)
    # BaseLoss: reduction='mean', weight=None, avg_factor=None
    return LOSS_WEIGHT * loss.mean()

if __name__ == "__main__":
    import jax
    _d = setup_inputs()
    print(jax.jit(kernel)(*tuple(_d.values())))

</pallas_src>

<mosaic_0001>
#map = affine_map<(d0, d1) -> (0)>
module attributes {stable_mosaic.version = 14 : i64} {
  func.func @_sc_tail(%arg0: i32, %arg1: i32, %arg2: memref<100000xi32, #tpu.memory_space<hbm>>, %arg3: memref<100000xf32, #tpu.memory_space<hbm>>, %arg4: memref<512xf32, #tpu.memory_space<hbm>>, %arg5: memref<160x80xf32, #tpu.memory_space<vmem>>, %arg6: memref<160xi32, #tpu.memory_space<vmem>>, %arg7: memref<160xf32, #tpu.memory_space<vmem>>, %arg8: memref<16xf32, #tpu.memory_space<vmem>>) attributes {dimension_semantics = [#tpu.dimension_semantics<core_parallel>, #tpu.dimension_semantics<subcore_parallel>], iteration_bounds = array<i64: 2, 16>, scalar_prefetch = 0 : i64, scratch_operands = 4 : i64, tpu.core_type = #tpu.core_type<sc_vector_subcore>, window_params = [{transform_indices = #map}, {transform_indices = #map}, {transform_indices = #map}]} {
    %mul3A = arith.constant 2 : i32
    %mul3A_0 = arith.muli %arg1, %mul3A : i32
    %add3A = arith.addi %mul3A_0, %arg0 : i32
    %mul3A_1 = arith.constant 960 : i32
    %mul3A_2 = arith.muli %add3A, %mul3A_1 : i32
    %add3A_3 = arith.constant 69280 : i32
    %add3A_4 = arith.addi %add3A_3, %mul3A_2 : i32
    %iota3A = tpu.iota {dimensions = array<i32: 0>} : vector<16xi32>
    %broadcast_in_dim3A = arith.constant 0.000000e+00 : f32
    %broadcast_in_dim3A_5 = vector.broadcast %broadcast_in_dim3A : f32 to vector<16xf32>
    %add3A_6 = arith.constant 0 : i32
    %add3A_7 = arith.addi %add3A_4, %add3A_6 : i32
    "tpu.region"() ({
      %run_scoped3A = tpu.sem_alloc : memref<!tpu.dma_semaphore, #tpu.memory_space<semaphore_mem>>
      %dma_start3A = tpu.memref_slice %arg2[%add3A_7] : memref<100000xi32, #tpu.memory_space<hbm>> -> memref<160xi32, #tpu.memory_space<hbm>>
      %dma_start3A_58 = tpu.memref_slice %arg2[%add3A_7] : memref<100000xi32, #tpu.memory_space<hbm>> -> memref<160xi32, #tpu.memory_space<hbm>>
      tpu.enqueue_dma source(%dma_start3A_58 : memref<160xi32, #tpu.memory_space<hbm>>) target(%arg6 : memref<160xi32, #tpu.memory_space<vmem>>) target_semaphore(%run_scoped3A : memref<!tpu.dma_semaphore, #tpu.memory_space<semaphore_mem>>)
      %dma_wait3A = tpu.memref_slice %arg2[%add3A_7] : memref<100000xi32, #tpu.memory_space<hbm>> -> memref<160xi32, #tpu.memory_space<hbm>>
      %dma_wait3A_59 = tpu.memref_slice %arg2[%add3A_7] : memref<100000xi32, #tpu.memory_space<hbm>> -> memref<160xi32, #tpu.memory_space<hbm>>
      tpu.wait_dma2 semaphore(%run_scoped3A : memref<!tpu.dma_semaphore, #tpu.memory_space<semaphore_mem>>) src(%dma_wait3A_59 : memref<160xi32, #tpu.memory_space<hbm>>) dst(%arg6 : memref<160xi32, #tpu.memory_space<vmem>>)
      tpu.yield
    }) : () -> ()
    "tpu.region"() ({
      %run_scoped3A = tpu.sem_alloc : memref<!tpu.dma_semaphore, #tpu.memory_space<semaphore_mem>>
      %dma_start3A = tpu.memref_slice %arg3[%add3A_7] : memref<100000xf32, #tpu.memory_space<hbm>> -> memref<160xf32, #tpu.memory_space<hbm>>
      %dma_start3A_58 = tpu.memref_slice %arg3[%add3A_7] : memref<100000xf32, #tpu.memory_space<hbm>> -> memref<160xf32, #tpu.memory_space<hbm>>
      tpu.enqueue_dma source(%dma_start3A_58 : memref<160xf32, #tpu.memory_space<hbm>>) target(%arg7 : memref<160xf32, #tpu.memory_space<vmem>>) target_semaphore(%run_scoped3A : memref<!tpu.dma_semaphore, #tpu.memory_space<semaphore_mem>>)
      %dma_wait3A = tpu.memref_slice %arg3[%add3A_7] : memref<100000xf32, #tpu.memory_space<hbm>> -> memref<160xf32, #tpu.memory_space<hbm>>
      %dma_wait3A_59 = tpu.memref_slice %arg3[%add3A_7] : memref<100000xf32, #tpu.memory_space<hbm>> -> memref<160xf32, #tpu.memory_space<hbm>>
      tpu.wait_dma2 semaphore(%run_scoped3A : memref<!tpu.dma_semaphore, #tpu.memory_space<semaphore_mem>>) src(%dma_wait3A_59 : memref<160xf32, #tpu.memory_space<hbm>>) dst(%arg7 : memref<160xf32, #tpu.memory_space<vmem>>)
      tpu.yield
    }) : () -> ()
    %scan3A = arith.constant 0 : i32
    %scan3A_8 = arith.constant 10 : i32
    %scan3A_9 = arith.addi %scan3A, %scan3A_8 : i32
    %scan3A_10 = arith.constant 1 : i32
    %scan3A_11 = scf.for %scan3A_58 = %scan3A to %scan3A_9 step %scan3A_10 iter_args(%scan3A_59 = %broadcast_in_dim3A_5) -> (vector<16xf32>)  : i32 {
      %mul3A_60 = arith.constant 16 : i32
      %mul3A_61 = arith.muli %scan3A_58, %mul3A_60 : i32
      %get3A = arith.index_cast %mul3A_61 : i32 to index
      %get3A_62 = tpu.vector_load %arg6[%get3A] {strides = array<i32>} : memref<160xi32, #tpu.memory_space<vmem>>, vector<16xi32>,
      %get3A_63 = vector.shape_cast %get3A_62 : vector<16xi32> to vector<16xi32>
      %mul3A_64 = arith.constant 16 : i32
      %mul3A_65 = arith.muli %scan3A_58, %mul3A_64 : i32
      %get3A_66 = arith.index_cast %mul3A_65 : i32 to index
      %get3A_67 = tpu.vector_load %arg7[%get3A_66] {strides = array<i32>} : memref<160xf32, #tpu.memory_space<vmem>>, vector<16xf32>,
      %get3A_68 = vector.shape_cast %get3A_67 : vector<16xf32> to vector<16xf32>
      %scan3A_69 = arith.constant 0 : i32
      %scan3A_70 = arith.constant 16 : i32
      %scan3A_71 = arith.addi %scan3A_69, %scan3A_70 : i32
      %scan3A_72 = arith.constant 1 : i32
      %scan3A_73 = scf.for %scan3A_75 = %scan3A_69 to %scan3A_71 step %scan3A_72 iter_args(%scan3A_76 = %scan3A_59) -> (vector<16xf32>)  : i32 {
        %broadcast_in_dim3A_77 = vector.broadcast %scan3A_75 : i32 to vector<16xi32>
        %lt3A = arith.constant 0 : i32
        %lt3A_78 = vector.broadcast %lt3A : i32 to vector<16xi32>
        %lt3A_79 = arith.cmpi slt, %broadcast_in_dim3A_77, %lt3A_78 : vector<16xi32>
        %add3A_80 = arith.constant 16 : i32
        %add3A_81 = vector.broadcast %add3A_80 : i32 to vector<16xi32>
        %add3A_82 = arith.addi %broadcast_in_dim3A_77, %add3A_81 : vector<16xi32>
        %select_n3A = arith.select %lt3A_79, %add3A_82, %broadcast_in_dim3A_77 : vector<16xi1>, vector<16xi32>
        %broadcast_in_dim3A_83 = vector.shape_cast %select_n3A : vector<16xi32> to vector<16x1xi32>
        %gather3A = vector.shape_cast %broadcast_in_dim3A_83 : vector<16x1xi32> to vector<16xi32>
        %gather3A_84 = tpu.dynamic_gather %get3A_63[%gather3A] in [0] : vector<16xi32>, vector<16xi32> -> vector<16xi32>
        %lt3A_85 = arith.constant 0 : i32
        %lt3A_86 = vector.broadcast %lt3A_85 : i32 to vector<16xi32>
        %lt3A_87 = arith.cmpi slt, %broadcast_in_dim3A_77, %lt3A_86 : vector<16xi32>
        %add3A_88 = arith.constant 16 : i32
        %add3A_89 = vector.broadcast %add3A_88 : i32 to vector<16xi32>
        %add3A_90 = arith.addi %broadcast_in_dim3A_77, %add3A_89 : vector<16xi32>
        %select_n3A_91 = arith.select %lt3A_87, %add3A_90, %broadcast_in_dim3A_77 : vector<16xi1>, vector<16xi32>
        %broadcast_in_dim3A_92 = vector.shape_cast %select_n3A_91 : vector<16xi32> to vector<16x1xi32>
        %gather3A_93 = vector.shape_cast %broadcast_in_dim3A_92 : vector<16x1xi32> to vector<16xi32>
        %gather3A_94 = tpu.dynamic_gather %get3A_68[%gather3A_93] in [0] : vector<16xf32>, vector<16xi32> -> vector<16xf32>
        %mul3A_95 = arith.constant 16 : i32
        %mul3A_96 = arith.muli %scan3A_58, %mul3A_95 : i32
        %add3A_97 = arith.addi %mul3A_96, %scan3A_75 : i32
        %get3A_98 = arith.index_cast %add3A_97 : i32 to index
        %get3A_99 = arith.constant 0 : index
        %get3A_100 = tpu.vector_load %arg5[%get3A_98, %get3A_99] {strides = array<i32>} : memref<160x80xf32, #tpu.memory_space<vmem>>, vector<1x16xf32>,
        %get3A_101 = vector.shape_cast %get3A_100 : vector<1x16xf32> to vector<16xf32>
        %abs3A = math.absf %get3A_101 : vector<16xf32>
        %neg3A = arith.constant 0.000000e+00 : f32
        %neg3A_102 = vector.broadcast %neg3A : f32 to vector<16xf32>
        %neg3A_103 = arith.subf %neg3A_102, %abs3A : vector<16xf32>
        %exp3A = math.exp %neg3A_103 : vector<16xf32>
        %broadcast_in_dim3A_104 = arith.constant 0.0301026255 : f32
        %broadcast_in_dim3A_105 = vector.broadcast %broadcast_in_dim3A_104 : f32 to vector<16xf32>
        %mul3A_106 = arith.mulf %broadcast_in_dim3A_105, %exp3A : vector<16xf32>
        %add3A_107 = arith.constant -0.130119413 : f32
        %add3A_108 = vector.broadcast %add3A_107 : f32 to vector<16xf32>
        %add3A_109 = arith.addf %mul3A_106, %add3A_108 : vector<16xf32>
        %mul3A_110 = arith.mulf %add3A_109, %exp3A : vector<16xf32>
        %add3A_111 = arith.constant 0.283304334 : f32
        %add3A_112 = vector.broadcast %add3A_111 : f32 to vector<16xf32>
        %add3A_113 = arith.addf %mul3A_110, %add3A_112 : vector<16xf32>
        %mul3A_114 = arith.mulf %add3A_113, %exp3A : vector<16xf32>
        %add3A_115 = arith.constant -0.489156842 : f32
        %add3A_116 = vector.broadcast %add3A_115 : f32 to vector<16xf32>
        %add3A_117 = arith.addf %mul3A_114, %add3A_116 : vector<16xf32>
        %mul3A_118 = arith.mulf %add3A_117, %exp3A : vector<16xf32>
        %add3A_119 = arith.constant 0.999010443 : f32
        %add3A_120 = vector.broadcast %add3A_119 : f32 to vector<16xf32>
        %add3A_121 = arith.addf %mul3A_118, %add3A_120 : vector<16xf32>
        %mul3A_122 = arith.mulf %add3A_121, %exp3A : vector<16xf32>
        %add3A_123 = arith.constant 2.21170303E-5 : f32
        %add3A_124 = vector.broadcast %add3A_123 : f32 to vector<16xf32>
        %add3A_125 = arith.addf %mul3A_122, %add3A_124 : vector<16xf32>
        %max3A = arith.constant 0.000000e+00 : f32
        %max3A_126 = vector.broadcast %max3A : f32 to vector<16xf32>
        %max3A_127 = arith.maximumf %get3A_101, %max3A_126 : vector<16xf32>
        %add3A_128 = arith.addf %max3A_127, %add3A_125 : vector<16xf32>
        %sub3A = arith.subf %get3A_101, %add3A_128 : vector<16xf32>
        %exp3A_129 = math.exp %sub3A : vector<16xf32>
        %add3A_130 = arith.constant 0 : i32
        %add3A_131 = vector.broadcast %add3A_130 : i32 to vector<16xi32>
        %add3A_132 = arith.addi %add3A_131, %iota3A : vector<16xi32>
        %eq3A = arith.cmpi eq, %add3A_132, %gather3A_84 : vector<16xi32>
        %jit3A = arith.constant 0.000000e+00 : f32
        %broadcast_in_dim3A_133 = vector.broadcast %jit3A : f32 to vector<16xf32>
        %select_n3A_134 = arith.select %eq3A, %gather3A_94, %broadcast_in_dim3A_133 : vector<16xi1>, vector<16xf32>
        %sub3A_135 = arith.subf %exp3A_129, %select_n3A_134 : vector<16xf32>
        %mul3A_136 = arith.mulf %get3A_101, %select_n3A_134 : vector<16xf32>
        %sub3A_137 = arith.subf %add3A_128, %mul3A_136 : vector<16xf32>
        %mul3A_138 = arith.mulf %sub3A_137, %sub3A_135 : vector<16xf32>
        %mul3A_139 = arith.mulf %mul3A_138, %sub3A_135 : vector<16xf32>
        %add3A_140 = arith.addf %scan3A_76, %mul3A_139 : vector<16xf32>
        %get3A_141 = arith.index_cast %add3A_97 : i32 to index
        %get3A_142 = arith.constant 16 : index
        %get3A_143 = tpu.vector_load %arg5[%get3A_141, %get3A_142] {strides = array<i32>} : memref<160x80xf32, #tpu.memory_space<vmem>>, vector<1x16xf32>,
        %get3A_144 = vector.shape_cast %get3A_143 : vector<1x16xf32> to vector<16xf32>
        %abs3A_145 = math.absf %get3A_144 : vector<16xf32>
        %neg3A_146 = arith.constant 0.000000e+00 : f32
        %neg3A_147 = vector.broadcast %neg3A_146 : f32 to vector<16xf32>
        %neg3A_148 = arith.subf %neg3A_147, %abs3A_145 : vector<16xf32>
        %exp3A_149 = math.exp %neg3A_148 : vector<16xf32>
        %broadcast_in_dim3A_150 = arith.constant 0.0301026255 : f32
        %broadcast_in_dim3A_151 = vector.broadcast %broadcast_in_dim3A_150 : f32 to vector<16xf32>
        %mul3A_152 = arith.mulf %broadcast_in_dim3A_151, %exp3A_149 : vector<16xf32>
        %add3A_153 = arith.constant -0.130119413 : f32
        %add3A_154 = vector.broadcast %add3A_153 : f32 to vector<16xf32>
        %add3A_155 = arith.addf %mul3A_152, %add3A_154 : vector<16xf32>
        %mul3A_156 = arith.mulf %add3A_155, %exp3A_149 : vector<16xf32>
        %add3A_157 = arith.constant 0.283304334 : f32
        %add3A_158 = vector.broadcast %add3A_157 : f32 to vector<16xf32>
        %add3A_159 = arith.addf %mul3A_156, %add3A_158 : vector<16xf32>
        %mul3A_160 = arith.mulf %add3A_159, %exp3A_149 : vector<16xf32>
        %add3A_161 = arith.constant -0.489156842 : f32
        %add3A_162 = vector.broadcast %add3A_161 : f32 to vector<16xf32>
        %add3A_163 = arith.addf %mul3A_160, %add3A_162 : vector<16xf32>
        %mul3A_164 = arith.mulf %add3A_163, %exp3A_149 : vector<16xf32>
        %add3A_165 = arith.constant 0.999010443 : f32
        %add3A_166 = vector.broadcast %add3A_165 : f32 to vector<16xf32>
        %add3A_167 = arith.addf %mul3A_164, %add3A_166 : vector<16xf32>
        %mul3A_168 = arith.mulf %add3A_167, %exp3A_149 : vector<16xf32>
        %add3A_169 = arith.constant 2.21170303E-5 : f32
        %add3A_170 = vector.broadcast %add3A_169 : f32 to vector<16xf32>
        %add3A_171 = arith.addf %mul3A_168, %add3A_170 : vector<16xf32>
        %max3A_172 = arith.constant 0.000000e+00 : f32
        %max3A_173 = vector.broadcast %max3A_172 : f32 to vector<16xf32>
        %max3A_174 = arith.maximumf %get3A_144, %max3A_173 : vector<16xf32>
        %add3A_175 = arith.addf %max3A_174, %add3A_171 : vector<16xf32>
        %sub3A_176 = arith.subf %get3A_144, %add3A_175 : vector<16xf32>
        %exp3A_177 = math.exp %sub3A_176 : vector<16xf32>
        %add3A_178 = arith.constant 16 : i32
        %add3A_179 = vector.broadcast %add3A_178 : i32 to vector<16xi32>
        %add3A_180 = arith.addi %add3A_179, %iota3A : vector<16xi32>
        %eq3A_181 = arith.cmpi eq, %add3A_180, %gather3A_84 : vector<16xi32>
        %jit3A_182 = arith.constant 0.000000e+00 : f32
        %broadcast_in_dim3A_183 = vector.broadcast %jit3A_182 : f32 to vector<16xf32>
        %select_n3A_184 = arith.select %eq3A_181, %gather3A_94, %broadcast_in_dim3A_183 : vector<16xi1>, vector<16xf32>
        %sub3A_185 = arith.subf %exp3A_177, %select_n3A_184 : vector<16xf32>
        %mul3A_186 = arith.mulf %get3A_144, %select_n3A_184 : vector<16xf32>
        %sub3A_187 = arith.subf %add3A_175, %mul3A_186 : vector<16xf32>
        %mul3A_188 = arith.mulf %sub3A_187, %sub3A_185 : vector<16xf32>
        %mul3A_189 = arith.mulf %mul3A_188, %sub3A_185 : vector<16xf32>
        %add3A_190 = arith.addf %add3A_140, %mul3A_189 : vector<16xf32>
        %get3A_191 = arith.index_cast %add3A_97 : i32 to index
        %get3A_192 = arith.constant 32 : index
        %get3A_193 = tpu.vector_load %arg5[%get3A_191, %get3A_192] {strides = array<i32>} : memref<160x80xf32, #tpu.memory_space<vmem>>, vector<1x16xf32>,
        %get3A_194 = vector.shape_cast %get3A_193 : vector<1x16xf32> to vector<16xf32>
        %abs3A_195 = math.absf %get3A_194 : vector<16xf32>
        %neg3A_196 = arith.constant 0.000000e+00 : f32
        %neg3A_197 = vector.broadcast %neg3A_196 : f32 to vector<16xf32>
        %neg3A_198 = arith.subf %neg3A_197, %abs3A_195 : vector<16xf32>
        %exp3A_199 = math.exp %neg3A_198 : vector<16xf32>
        %broadcast_in_dim3A_200 = arith.constant 0.0301026255 : f32
        %broadcast_in_dim3A_201 = vector.broadcast %broadcast_in_dim3A_200 : f32 to vector<16xf32>
        %mul3A_202 = arith.mulf %broadcast_in_dim3A_201, %exp3A_199 : vector<16xf32>
        %add3A_203 = arith.constant -0.130119413 : f32
        %add3A_204 = vector.broadcast %add3A_203 : f32 to vector<16xf32>
        %add3A_205 = arith.addf %mul3A_202, %add3A_204 : vector<16xf32>
        %mul3A_206 = arith.mulf %add3A_205, %exp3A_199 : vector<16xf32>
        %add3A_207 = arith.constant 0.283304334 : f32
        %add3A_208 = vector.broadcast %add3A_207 : f32 to vector<16xf32>
        %add3A_209 = arith.addf %mul3A_206, %add3A_208 : vector<16xf32>
        %mul3A_210 = arith.mulf %add3A_209, %exp3A_199 : vector<16xf32>
        %add3A_211 = arith.constant -0.489156842 : f32
        %add3A_212 = vector.broadcast %add3A_211 : f32 to vector<16xf32>
        %add3A_213 = arith.addf %mul3A_210, %add3A_212 : vector<16xf32>
        %mul3A_214 = arith.mulf %add3A_213, %exp3A_199 : vector<16xf32>
        %add3A_215 = arith.constant 0.999010443 : f32
        %add3A_216 = vector.broadcast %add3A_215 : f32 to vector<16xf32>
        %add3A_217 = arith.addf %mul3A_214, %add3A_216 : vector<16xf32>
        %mul3A_218 = arith.mulf %add3A_217, %exp3A_199 : vector<16xf32>
        %add3A_219 = arith.constant 2.21170303E-5 : f32
        %add3A_220 = vector.broadcast %add3A_219 : f32 to vector<16xf32>
        %add3A_221 = arith.addf %mul3A_218, %add3A_220 : vector<16xf32>
        %max3A_222 = arith.constant 0.000000e+00 : f32
        %max3A_223 = vector.broadcast %max3A_222 : f32 to vector<16xf32>
        %max3A_224 = arith.maximumf %get3A_194, %max3A_223 : vector<16xf32>
        %add3A_225 = arith.addf %max3A_224, %add3A_221 : vector<16xf32>
        %sub3A_226 = arith.subf %get3A_194, %add3A_225 : vector<16xf32>
        %exp3A_227 = math.exp %sub3A_226 : vector<16xf32>
        %add3A_228 = arith.constant 32 : i32
        %add3A_229 = vector.broadcast %add3A_228 : i32 to vector<16xi32>
        %add3A_230 = arith.addi %add3A_229, %iota3A : vector<16xi32>
        %eq3A_231 = arith.cmpi eq, %add3A_230, %gather3A_84 : vector<16xi32>
        %jit3A_232 = arith.constant 0.000000e+00 : f32
        %broadcast_in_dim3A_233 = vector.broadcast %jit3A_232 : f32 to vector<16xf32>
        %select_n3A_234 = arith.select %eq3A_231, %gather3A_94, %broadcast_in_dim3A_233 : vector<16xi1>, vector<16xf32>
        %sub3A_235 = arith.subf %exp3A_227, %select_n3A_234 : vector<16xf32>
        %mul3A_236 = arith.mulf %get3A_194, %select_n3A_234 : vector<16xf32>
        %sub3A_237 = arith.subf %add3A_225, %mul3A_236 : vector<16xf32>
        %mul3A_238 = arith.mulf %sub3A_237, %sub3A_235 : vector<16xf32>
        %mul3A_239 = arith.mulf %mul3A_238, %sub3A_235 : vector<16xf32>
        %add3A_240 = arith.addf %add3A_190, %mul3A_239 : vector<16xf32>
        %get3A_241 = arith.index_cast %add3A_97 : i32 to index
        %get3A_242 = arith.constant 48 : index
        %get3A_243 = tpu.vector_load %arg5[%get3A_241, %get3A_242] {strides = array<i32>} : memref<160x80xf32, #tpu.memory_space<vmem>>, vector<1x16xf32>,
        %get3A_244 = vector.shape_cast %get3A_243 : vector<1x16xf32> to vector<16xf32>
        %abs3A_245 = math.absf %get3A_244 : vector<16xf32>
        %neg3A_246 = arith.constant 0.000000e+00 : f32
        %neg3A_247 = vector.broadcast %neg3A_246 : f32 to vector<16xf32>
        %neg3A_248 = arith.subf %neg3A_247, %abs3A_245 : vector<16xf32>
        %exp3A_249 = math.exp %neg3A_248 : vector<16xf32>
        %broadcast_in_dim3A_250 = arith.constant 0.0301026255 : f32
        %broadcast_in_dim3A_251 = vector.broadcast %broadcast_in_dim3A_250 : f32 to vector<16xf32>
        %mul3A_252 = arith.mulf %broadcast_in_dim3A_251, %exp3A_249 : vector<16xf32>
        %add3A_253 = arith.constant -0.130119413 : f32
        %add3A_254 = vector.broadcast %add3A_253 : f32 to vector<16xf32>
        %add3A_255 = arith.addf %mul3A_252, %add3A_254 : vector<16xf32>
        %mul3A_256 = arith.mulf %add3A_255, %exp3A_249 : vector<16xf32>
        %add3A_257 = arith.constant 0.283304334 : f32
        %add3A_258 = vector.broadcast %add3A_257 : f32 to vector<16xf32>
        %add3A_259 = arith.addf %mul3A_256, %add3A_258 : vector<16xf32>
        %mul3A_260 = arith.mulf %add3A_259, %exp3A_249 : vector<16xf32>
        %add3A_261 = arith.constant -0.489156842 : f32
        %add3A_262 = vector.broadcast %add3A_261 : f32 to vector<16xf32>
        %add3A_263 = arith.addf %mul3A_260, %add3A_262 : vector<16xf32>
        %mul3A_264 = arith.mulf %add3A_263, %exp3A_249 : vector<16xf32>
        %add3A_265 = arith.constant 0.999010443 : f32
        %add3A_266 = vector.broadcast %add3A_265 : f32 to vector<16xf32>
        %add3A_267 = arith.addf %mul3A_264, %add3A_266 : vector<16xf32>
        %mul3A_268 = arith.mulf %add3A_267, %exp3A_249 : vector<16xf32>
        %add3A_269 = arith.constant 2.21170303E-5 : f32
        %add3A_270 = vector.broadcast %add3A_269 : f32 to vector<16xf32>
        %add3A_271 = arith.addf %mul3A_268, %add3A_270 : vector<16xf32>
        %max3A_272 = arith.constant 0.000000e+00 : f32
        %max3A_273 = vector.broadcast %max3A_272 : f32 to vector<16xf32>
        %max3A_274 = arith.maximumf %get3A_244, %max3A_273 : vector<16xf32>
        %add3A_275 = arith.addf %max3A_274, %add3A_271 : vector<16xf32>
        %sub3A_276 = arith.subf %get3A_244, %add3A_275 : vector<16xf32>
        %exp3A_277 = math.exp %sub3A_276 : vector<16xf32>
        %add3A_278 = arith.constant 48 : i32
        %add3A_279 = vector.broadcast %add3A_278 : i32 to vector<16xi32>
        %add3A_280 = arith.addi %add3A_279, %iota3A : vector<16xi32>
        %eq3A_281 = arith.cmpi eq, %add3A_280, %gather3A_84 : vector<16xi32>
        %jit3A_282 = arith.constant 0.000000e+00 : f32
        %broadcast_in_dim3A_283 = vector.broadcast %jit3A_282 : f32 to vector<16xf32>
        %select_n3A_284 = arith.select %eq3A_281, %gather3A_94, %broadcast_in_dim3A_283 : vector<16xi1>, vector<16xf32>
        %sub3A_285 = arith.subf %exp3A_277, %select_n3A_284 : vector<16xf32>
        %mul3A_286 = arith.mulf %get3A_244, %select_n3A_284 : vector<16xf32>
        %sub3A_287 = arith.subf %add3A_275, %mul3A_286 : vector<16xf32>
        %mul3A_288 = arith.mulf %sub3A_287, %sub3A_285 : vector<16xf32>
        %mul3A_289 = arith.mulf %mul3A_288, %sub3A_285 : vector<16xf32>
        %add3A_290 = arith.addf %add3A_240, %mul3A_289 : vector<16xf32>
        %get3A_291 = arith.index_cast %add3A_97 : i32 to index
        %get3A_292 = arith.constant 64 : index
        %get3A_293 = tpu.vector_load %arg5[%get3A_291, %get3A_292] {strides = array<i32>} : memref<160x80xf32, #tpu.memory_space<vmem>>, vector<1x16xf32>,
        %get3A_294 = vector.shape_cast %get3A_293 : vector<1x16xf32> to vector<16xf32>
        %abs3A_295 = math.absf %get3A_294 : vector<16xf32>
        %neg3A_296 = arith.constant 0.000000e+00 : f32
        %neg3A_297 = vector.broadcast %neg3A_296 : f32 to vector<16xf32>
        %neg3A_298 = arith.subf %neg3A_297, %abs3A_295 : vector<16xf32>
        %exp3A_299 = math.exp %neg3A_298 : vector<16xf32>
        %broadcast_in_dim3A_300 = arith.constant 0.0301026255 : f32
        %broadcast_in_dim3A_301 = vector.broadcast %broadcast_in_dim3A_300 : f32 to vector<16xf32>
        %mul3A_302 = arith.mulf %broadcast_in_dim3A_301, %exp3A_299 : vector<16xf32>
        %add3A_303 = arith.constant -0.130119413 : f32
        %add3A_304 = vector.broadcast %add3A_303 : f32 to vector<16xf32>
        %add3A_305 = arith.addf %mul3A_302, %add3A_304 : vector<16xf32>
        %mul3A_306 = arith.mulf %add3A_305, %exp3A_299 : vector<16xf32>
        %add3A_307 = arith.constant 0.283304334 : f32
        %add3A_308 = vector.broadcast %add3A_307 : f32 to vector<16xf32>
        %add3A_309 = arith.addf %mul3A_306, %add3A_308 : vector<16xf32>
        %mul3A_310 = arith.mulf %add3A_309, %exp3A_299 : vector<16xf32>
        %add3A_311 = arith.constant -0.489156842 : f32
        %add3A_312 = vector.broadcast %add3A_311 : f32 to vector<16xf32>
        %add3A_313 = arith.addf %mul3A_310, %add3A_312 : vector<16xf32>
        %mul3A_314 = arith.mulf %add3A_313, %exp3A_299 : vector<16xf32>
        %add3A_315 = arith.constant 0.999010443 : f32
        %add3A_316 = vector.broadcast %add3A_315 : f32 to vector<16xf32>
        %add3A_317 = arith.addf %mul3A_314, %add3A_316 : vector<16xf32>
        %mul3A_318 = arith.mulf %add3A_317, %exp3A_299 : vector<16xf32>
        %add3A_319 = arith.constant 2.21170303E-5 : f32
        %add3A_320 = vector.broadcast %add3A_319 : f32 to vector<16xf32>
        %add3A_321 = arith.addf %mul3A_318, %add3A_320 : vector<16xf32>
        %max3A_322 = arith.constant 0.000000e+00 : f32
        %max3A_323 = vector.broadcast %max3A_322 : f32 to vector<16xf32>
        %max3A_324 = arith.maximumf %get3A_294, %max3A_323 : vector<16xf32>
        %add3A_325 = arith.addf %max3A_324, %add3A_321 : vector<16xf32>
        %sub3A_326 = arith.subf %get3A_294, %add3A_325 : vector<16xf32>
        %exp3A_327 = math.exp %sub3A_326 : vector<16xf32>
        %add3A_328 = arith.constant 64 : i32
        %add3A_329 = vector.broadcast %add3A_328 : i32 to vector<16xi32>
        %add3A_330 = arith.addi %add3A_329, %iota3A : vector<16xi32>
        %eq3A_331 = arith.cmpi eq, %add3A_330, %gather3A_84 : vector<16xi32>
        %jit3A_332 = arith.constant 0.000000e+00 : f32
        %broadcast_in_dim3A_333 = vector.broadcast %jit3A_332 : f32 to vector<16xf32>
        %select_n3A_334 = arith.select %eq3A_331, %gather3A_94, %broadcast_in_dim3A_333 : vector<16xi1>, vector<16xf32>
        %sub3A_335 = arith.subf %exp3A_327, %select_n3A_334 : vector<16xf32>
        %mul3A_336 = arith.mulf %get3A_294, %select_n3A_334 : vector<16xf32>
        %sub3A_337 = arith.subf %add3A_325, %mul3A_336 : vector<16xf32>
        %mul3A_338 = arith.mulf %sub3A_337, %sub3A_335 : vector<16xf32>
        %mul3A_339 = arith.mulf %mul3A_338, %sub3A_335 : vector<16xf32>
        %add3A_340 = arith.addf %add3A_290, %mul3A_339 : vector<16xf32>
        scf.yield %add3A_340 : vector<16xf32>
      }
      %scan3A_74 = arith.constant 16 : i32
      scf.yield %scan3A_73 : vector<16xf32>
    }
    %scan3A_12 = arith.constant 10 : i32
    %add3A_13 = arith.constant 160 : i32
    %add3A_14 = arith.addi %add3A_4, %add3A_13 : i32
    "tpu.region"() ({
      %run_scoped3A = tpu.sem_alloc : memref<!tpu.dma_semaphore, #tpu.memory_space<semaphore_mem>>
      %dma_start3A = tpu.memref_slice %arg2[%add3A_14] : memref<100000xi32, #tpu.memory_space<hbm>> -> memref<160xi32, #tpu.memory_space<hbm>>
      %dma_start3A_58 = tpu.memref_slice %arg2[%add3A_14] : memref<100000xi32, #tpu.memory_space<hbm>> -> memref<160xi32, #tpu.memory_space<hbm>>
      tpu.enqueue_dma source(%dma_start3A_58 : memref<160xi32, #tpu.memory_space<hbm>>) target(%arg6 : memref<160xi32, #tpu.memory_space<vmem>>) target_semaphore(%run_scoped3A : memref<!tpu.dma_semaphore, #tpu.memory_space<semaphore_mem>>)
      %dma_wait3A = tpu.memref_slice %arg2[%add3A_14] : memref<100000xi32, #tpu.memory_space<hbm>> -> memref<160xi32, #tpu.memory_space<hbm>>
      %dma_wait3A_59 = tpu.memref_slice %arg2[%add3A_14] : memref<100000xi32, #tpu.memory_space<hbm>> -> memref<160xi32, #tpu.memory_space<hbm>>
      tpu.wait_dma2 semaphore(%run_scoped3A : memref<!tpu.dma_semaphore, #tpu.memory_space<semaphore_mem>>) src(%dma_wait3A_59 : memref<160xi32, #tpu.memory_space<hbm>>) dst(%arg6 : memref<160xi32, #tpu.memory_space<vmem>>)
      tpu.yield
    }) : () -> ()
    "tpu.region"() ({
      %run_scoped3A = tpu.sem_alloc : memref<!tpu.dma_semaphore, #tpu.memory_space<semaphore_mem>>
      %dma_start3A = tpu.memref_slice %arg3[%add3A_14] : memref<100000xf32, #tpu.memory_space<hbm>> -> memref<160xf32, #tpu.memory_space<hbm>>
      %dma_start3A_58 = tpu.memref_slice %arg3[%add3A_14] : memref<100000xf32, #tpu.memory_space<hbm>> -> memref<160xf32, #tpu.memory_space<hbm>>
      tpu.enqueue_dma source(%dma_start3A_58 : memref<160xf32, #tpu.memory_space<hbm>>) target(%arg7 : memref<160xf32, #tpu.memory_space<vmem>>) target_semaphore(%run_scoped3A : memref<!tpu.dma_semaphore, #tpu.memory_space<semaphore_mem>>)
      %dma_wait3A = tpu.memref_slice %arg3[%add3A_14] : memref<100000xf32, #tpu.memory_space<hbm>> -> memref<160xf32, #tpu.memory_space<hbm>>
      %dma_wait3A_59 = tpu.memref_slice %arg3[%add3A_14] : memref<100000xf32, #tpu.memory_space<hbm>> -> memref<160xf32, #tpu.memory_space<hbm>>
      tpu.wait_dma2 semaphore(%run_scoped3A : memref<!tpu.dma_semaphore, #tpu.memory_space<semaphore_mem>>) src(%dma_wait3A_59 : memref<160xf32, #tpu.memory_space<hbm>>) dst(%arg7 : memref<160xf32, #tpu.memory_space<vmem>>)
      tpu.yield
    }) : () -> ()
    %scan3A_15 = arith.constant 0 : i32
    %scan3A_16 = arith.constant 10 : i32
    %scan3A_17 = arith.addi %scan3A_15, %scan3A_16 : i32
    %scan3A_18 = arith.constant 1 : i32
    %scan3A_19 = scf.for %scan3A_58 = %scan3A_15 to %scan3A_17 step %scan3A_18 iter_args(%scan3A_59 = %scan3A_11) -> (vector<16xf32>)  : i32 {
      %mul3A_60 = arith.constant 16 : i32
      %mul3A_61 = arith.muli %scan3A_58, %mul3A_60 : i32
      %get3A = arith.index_cast %mul3A_61 : i32 to index
      %get3A_62 = tpu.vector_load %arg6[%get3A] {strides = array<i32>} : memref<160xi32, #tpu.memory_space<vmem>>, vector<16xi32>,
      %get3A_63 = vector.shape_cast %get3A_62 : vector<16xi32> to vector<16xi32>
      %mul3A_64 = arith.constant 16 : i32
      %mul3A_65 = arith.muli %scan3A_58, %mul3A_64 : i32
      %get3A_66 = arith.index_cast %mul3A_65 : i32 to index
      %get3A_67 = tpu.vector_load %arg7[%get3A_66] {strides = array<i32>} : memref<160xf32, #tpu.memory_space<vmem>>, vector<16xf32>,
      %get3A_68 = vector.shape_cast %get3A_67 : vector<16xf32> to vector<16xf32>
      %scan3A_69 = arith.constant 0 : i32
      %scan3A_70 = arith.constant 16 : i32
      %scan3A_71 = arith.addi %scan3A_69, %scan3A_70 : i32
      %scan3A_72 = arith.constant 1 : i32
      %scan3A_73 = scf.for %scan3A_75 = %scan3A_69 to %scan3A_71 step %scan3A_72 iter_args(%scan3A_76 = %scan3A_59) -> (vector<16xf32>)  : i32 {
        %broadcast_in_dim3A_77 = vector.broadcast %scan3A_75 : i32 to vector<16xi32>
        %lt3A = arith.constant 0 : i32
        %lt3A_78 = vector.broadcast %lt3A : i32 to vector<16xi32>
        %lt3A_79 = arith.cmpi slt, %broadcast_in_dim3A_77, %lt3A_78 : vector<16xi32>
        %add3A_80 = arith.constant 16 : i32
        %add3A_81 = vector.broadcast %add3A_80 : i32 to vector<16xi32>
        %add3A_82 = arith.addi %broadcast_in_dim3A_77, %add3A_81 : vector<16xi32>
        %select_n3A = arith.select %lt3A_79, %add3A_82, %broadcast_in_dim3A_77 : vector<16xi1>, vector<16xi32>
        %broadcast_in_dim3A_83 = vector.shape_cast %select_n3A : vector<16xi32> to vector<16x1xi32>
        %gather3A = vector.shape_cast %broadcast_in_dim3A_83 : vector<16x1xi32> to vector<16xi32>
        %gather3A_84 = tpu.dynamic_gather %get3A_63[%gather3A] in [0] : vector<16xi32>, vector<16xi32> -> vector<16xi32>
        %lt3A_85 = arith.constant 0 : i32
        %lt3A_86 = vector.broadcast %lt3A_85 : i32 to vector<16xi32>
        %lt3A_87 = arith.cmpi slt, %broadcast_in_dim3A_77, %lt3A_86 : vector<16xi32>
        %add3A_88 = arith.constant 16 : i32
        %add3A_89 = vector.broadcast %add3A_88 : i32 to vector<16xi32>
        %add3A_90 = arith.addi %broadcast_in_dim3A_77, %add3A_89 : vector<16xi32>
        %select_n3A_91 = arith.select %lt3A_87, %add3A_90, %broadcast_in_dim3A_77 : vector<16xi1>, vector<16xi32>
        %broadcast_in_dim3A_92 = vector.shape_cast %select_n3A_91 : vector<16xi32> to vector<16x1xi32>
        %gather3A_93 = vector.shape_cast %broadcast_in_dim3A_92 : vector<16x1xi32> to vector<16xi32>
        %gather3A_94 = tpu.dynamic_gather %get3A_68[%gather3A_93] in [0] : vector<16xf32>, vector<16xi32> -> vector<16xf32>
        %mul3A_95 = arith.constant 16 : i32
        %mul3A_96 = arith.muli %scan3A_58, %mul3A_95 : i32
        %add3A_97 = arith.addi %mul3A_96, %scan3A_75 : i32
        %get3A_98 = arith.index_cast %add3A_97 : i32 to index
        %get3A_99 = arith.constant 0 : index
        %get3A_100 = tpu.vector_load %arg5[%get3A_98, %get3A_99] {strides = array<i32>} : memref<160x80xf32, #tpu.memory_space<vmem>>, vector<1x16xf32>,
        %get3A_101 = vector.shape_cast %get3A_100 : vector<1x16xf32> to vector<16xf32>
        %abs3A = math.absf %get3A_101 : vector<16xf32>
        %neg3A = arith.constant 0.000000e+00 : f32
        %neg3A_102 = vector.broadcast %neg3A : f32 to vector<16xf32>
        %neg3A_103 = arith.subf %neg3A_102, %abs3A : vector<16xf32>
        %exp3A = math.exp %neg3A_103 : vector<16xf32>
        %broadcast_in_dim3A_104 = arith.constant 0.0301026255 : f32
        %broadcast_in_dim3A_105 = vector.broadcast %broadcast_in_dim3A_104 : f32 to vector<16xf32>
        %mul3A_106 = arith.mulf %broadcast_in_dim3A_105, %exp3A : vector<16xf32>
        %add3A_107 = arith.constant -0.130119413 : f32
        %add3A_108 = vector.broadcast %add3A_107 : f32 to vector<16xf32>
        %add3A_109 = arith.addf %mul3A_106, %add3A_108 : vector<16xf32>
        %mul3A_110 = arith.mulf %add3A_109, %exp3A : vector<16xf32>
        %add3A_111 = arith.constant 0.283304334 : f32
        %add3A_112 = vector.broadcast %add3A_111 : f32 to vector<16xf32>
        %add3A_113 = arith.addf %mul3A_110, %add3A_112 : vector<16xf32>
        %mul3A_114 = arith.mulf %add3A_113, %exp3A : vector<16xf32>
        %add3A_115 = arith.constant -0.489156842 : f32
        %add3A_116 = vector.broadcast %add3A_115 : f32 to vector<16xf32>
        %add3A_117 = arith.addf %mul3A_114, %add3A_116 : vector<16xf32>
        %mul3A_118 = arith.mulf %add3A_117, %exp3A : vector<16xf32>
        %add3A_119 = arith.constant 0.999010443 : f32
        %add3A_120 = vector.broadcast %add3A_119 : f32 to vector<16xf32>
        %add3A_121 = arith.addf %mul3A_118, %add3A_120 : vector<16xf32>
        %mul3A_122 = arith.mulf %add3A_121, %exp3A : vector<16xf32>
        %add3A_123 = arith.constant 2.21170303E-5 : f32
        %add3A_124 = vector.broadcast %add3A_123 : f32 to vector<16xf32>
        %add3A_125 = arith.addf %mul3A_122, %add3A_124 : vector<16xf32>
        %max3A = arith.constant 0.000000e+00 : f32
        %max3A_126 = vector.broadcast %max3A : f32 to vector<16xf32>
        %max3A_127 = arith.maximumf %get3A_101, %max3A_126 : vector<16xf32>
        %add3A_128 = arith.addf %max3A_127, %add3A_125 : vector<16xf32>
        %sub3A = arith.subf %get3A_101, %add3A_128 : vector<16xf32>
        %exp3A_129 = math.exp %sub3A : vector<16xf32>
        %add3A_130 = arith.constant 0 : i32
        %add3A_131 = vector.broadcast %add3A_130 : i32 to vector<16xi32>
        %add3A_132 = arith.addi %add3A_131, %iota3A : vector<16xi32>
        %eq3A = arith.cmpi eq, %add3A_132, %gather3A_84 : vector<16xi32>
        %jit3A = arith.constant 0.000000e+00 : f32
        %broadcast_in_dim3A_133 = vector.broadcast %jit3A : f32 to vector<16xf32>
        %select_n3A_134 = arith.select %eq3A, %gather3A_94, %broadcast_in_dim3A_133 : vector<16xi1>, vector<16xf32>
        %sub3A_135 = arith.subf %exp3A_129, %select_n3A_134 : vector<16xf32>
        %mul3A_136 = arith.mulf %get3A_101, %select_n3A_134 : vector<16xf32>
        %sub3A_137 = arith.subf %add3A_128, %mul3A_136 : vector<16xf32>
        %mul3A_138 = arith.mulf %sub3A_137, %sub3A_135 : vector<16xf32>
        %mul3A_139 = arith.mulf %mul3A_138, %sub3A_135 : vector<16xf32>
        %add3A_140 = arith.addf %scan3A_76, %mul3A_139 : vector<16xf32>
        %get3A_141 = arith.index_cast %add3A_97 : i32 to index
        %get3A_142 = arith.constant 16 : index
        %get3A_143 = tpu.vector_load %arg5[%get3A_141, %get3A_142] {strides = array<i32>} : memref<160x80xf32, #tpu.memory_space<vmem>>, vector<1x16xf32>,
        %get3A_144 = vector.shape_cast %get3A_143 : vector<1x16xf32> to vector<16xf32>
        %abs3A_145 = math.absf %get3A_144 : vector<16xf32>
        %neg3A_146 = arith.constant 0.000000e+00 : f32
        %neg3A_147 = vector.broadcast %neg3A_146 : f32 to vector<16xf32>
        %neg3A_148 = arith.subf %neg3A_147, %abs3A_145 : vector<16xf32>
        %exp3A_149 = math.exp %neg3A_148 : vector<16xf32>
        %broadcast_in_dim3A_150 = arith.constant 0.0301026255 : f32
        %broadcast_in_dim3A_151 = vector.broadcast %broadcast_in_dim3A_150 : f32 to vector<16xf32>
        %mul3A_152 = arith.mulf %broadcast_in_dim3A_151, %exp3A_149 : vector<16xf32>
        %add3A_153 = arith.constant -0.130119413 : f32
        %add3A_154 = vector.broadcast %add3A_153 : f32 to vector<16xf32>
        %add3A_155 = arith.addf %mul3A_152, %add3A_154 : vector<16xf32>
        %mul3A_156 = arith.mulf %add3A_155, %exp3A_149 : vector<16xf32>
        %add3A_157 = arith.constant 0.283304334 : f32
        %add3A_158 = vector.broadcast %add3A_157 : f32 to vector<16xf32>
        %add3A_159 = arith.addf %mul3A_156, %add3A_158 : vector<16xf32>
        %mul3A_160 = arith.mulf %add3A_159, %exp3A_149 : vector<16xf32>
        %add3A_161 = arith.constant -0.489156842 : f32
        %add3A_162 = vector.broadcast %add3A_161 : f32 to vector<16xf32>
        %add3A_163 = arith.addf %mul3A_160, %add3A_162 : vector<16xf32>
        %mul3A_164 = arith.mulf %add3A_163, %exp3A_149 : vector<16xf32>
        %add3A_165 = arith.constant 0.999010443 : f32
        %add3A_166 = vector.broadcast %add3A_165 : f32 to vector<16xf32>
        %add3A_167 = arith.addf %mul3A_164, %add3A_166 : vector<16xf32>
        %mul3A_168 = arith.mulf %add3A_167, %exp3A_149 : vector<16xf32>
        %add3A_169 = arith.constant 2.21170303E-5 : f32
        %add3A_170 = vector.broadcast %add3A_169 : f32 to vector<16xf32>
        %add3A_171 = arith.addf %mul3A_168, %add3A_170 : vector<16xf32>
        %max3A_172 = arith.constant 0.000000e+00 : f32
        %max3A_173 = vector.broadcast %max3A_172 : f32 to vector<16xf32>
        %max3A_174 = arith.maximumf %get3A_144, %max3A_173 : vector<16xf32>
        %add3A_175 = arith.addf %max3A_174, %add3A_171 : vector<16xf32>
        %sub3A_176 = arith.subf %get3A_144, %add3A_175 : vector<16xf32>
        %exp3A_177 = math.exp %sub3A_176 : vector<16xf32>
        %add3A_178 = arith.constant 16 : i32
        %add3A_179 = vector.broadcast %add3A_178 : i32 to vector<16xi32>
        %add3A_180 = arith.addi %add3A_179, %iota3A : vector<16xi32>
        %eq3A_181 = arith.cmpi eq, %add3A_180, %gather3A_84 : vector<16xi32>
        %jit3A_182 = arith.constant 0.000000e+00 : f32
        %broadcast_in_dim3A_183 = vector.broadcast %jit3A_182 : f32 to vector<16xf32>
        %select_n3A_184 = arith.select %eq3A_181, %gather3A_94, %broadcast_in_dim3A_183 : vector<16xi1>, vector<16xf32>
        %sub3A_185 = arith.subf %exp3A_177, %select_n3A_184 : vector<16xf32>
        %mul3A_186 = arith.mulf %get3A_144, %select_n3A_184 : vector<16xf32>
        %sub3A_187 = arith.subf %add3A_175, %mul3A_186 : vector<16xf32>
        %mul3A_188 = arith.mulf %sub3A_187, %sub3A_185 : vector<16xf32>
        %mul3A_189 = arith.mulf %mul3A_188, %sub3A_185 : vector<16xf32>
        %add3A_190 = arith.addf %add3A_140, %mul3A_189 : vector<16xf32>
        %get3A_191 = arith.index_cast %add3A_97 : i32 to index
        %get3A_192 = arith.constant 32 : index
        %get3A_193 = tpu.vector_load %arg5[%get3A_191, %get3A_192] {strides = array<i32>} : memref<160x80xf32, #tpu.memory_space<vmem>>, vector<1x16xf32>,
        %get3A_194 = vector.shape_cast %get3A_193 : vector<1x16xf32> to vector<16xf32>
        %abs3A_195 = math.absf %get3A_194 : vector<16xf32>
        %neg3A_196 = arith.constant 0.000000e+00 : f32
        %neg3A_197 = vector.broadcast %neg3A_196 : f32 to vector<16xf32>
        %neg3A_198 = arith.subf %neg3A_197, %abs3A_195 : vector<16xf32>
        %exp3A_199 = math.exp %neg3A_198 : vector<16xf32>
        %broadcast_in_dim3A_200 = arith.constant 0.0301026255 : f32
        %broadcast_in_dim3A_201 = vector.broadcast %broadcast_in_dim3A_200 : f32 to vector<16xf32>
        %mul3A_202 = arith.mulf %broadcast_in_dim3A_201, %exp3A_199 : vector<16xf32>
        %add3A_203 = arith.constant -0.130119413 : f32
        %add3A_204 = vector.broadcast %add3A_203 : f32 to vector<16xf32>
        %add3A_205 = arith.addf %mul3A_202, %add3A_204 : vector<16xf32>
        %mul3A_206 = arith.mulf %add3A_205, %exp3A_199 : vector<16xf32>
        %add3A_207 = arith.constant 0.283304334 : f32
        %add3A_208 = vector.broadcast %add3A_207 : f32 to vector<16xf32>
        %add3A_209 = arith.addf %mul3A_206, %add3A_208 : vector<16xf32>
        %mul3A_210 = arith.mulf %add3A_209, %exp3A_199 : vector<16xf32>
        %add3A_211 = arith.constant -0.489156842 : f32
        %add3A_212 = vector.broadcast %add3A_211 : f32 to vector<16xf32>
        %add3A_213 = arith.addf %mul3A_210, %add3A_212 : vector<16xf32>
        %mul3A_214 = arith.mulf %add3A_213, %exp3A_199 : vector<16xf32>
        %add3A_215 = arith.constant 0.999010443 : f32
        %add3A_216 = vector.broadcast %add3A_215 : f32 to vector<16xf32>
        %add3A_217 = arith.addf %mul3A_214, %add3A_216 : vector<16xf32>
        %mul3A_218 = arith.mulf %add3A_217, %exp3A_199 : vector<16xf32>
        %add3A_219 = arith.constant 2.21170303E-5 : f32
        %add3A_220 = vector.broadcast %add3A_219 : f32 to vector<16xf32>
        %add3A_221 = arith.addf %mul3A_218, %add3A_220 : vector<16xf32>
        %max3A_222 = arith.constant 0.000000e+00 : f32
        %max3A_223 = vector.broadcast %max3A_222 : f32 to vector<16xf32>
        %max3A_224 = arith.maximumf %get3A_194, %max3A_223 : vector<16xf32>
        %add3A_225 = arith.addf %max3A_224, %add3A_221 : vector<16xf32>
        %sub3A_226 = arith.subf %get3A_194, %add3A_225 : vector<16xf32>
        %exp3A_227 = math.exp %sub3A_226 : vector<16xf32>
        %add3A_228 = arith.constant 32 : i32
        %add3A_229 = vector.broadcast %add3A_228 : i32 to vector<16xi32>
        %add3A_230 = arith.addi %add3A_229, %iota3A : vector<16xi32>
        %eq3A_231 = arith.cmpi eq, %add3A_230, %gather3A_84 : vector<16xi32>
        %jit3A_232 = arith.constant 0.000000e+00 : f32
        %broadcast_in_dim3A_233 = vector.broadcast %jit3A_232 : f32 to vector<16xf32>
        %select_n3A_234 = arith.select %eq3A_231, %gather3A_94, %broadcast_in_dim3A_233 : vector<16xi1>, vector<16xf32>
        %sub3A_235 = arith.subf %exp3A_227, %select_n3A_234 : vector<16xf32>
        %mul3A_236 = arith.mulf %get3A_194, %select_n3A_234 : vector<16xf32>
        %sub3A_237 = arith.subf %add3A_225, %mul3A_236 : vector<16xf32>
        %mul3A_238 = arith.mulf %sub3A_237, %sub3A_235 : vector<16xf32>
        %mul3A_239 = arith.mulf %mul3A_238, %sub3A_235 : vector<16xf32>
        %add3A_240 = arith.addf %add3A_190, %mul3A_239 : vector<16xf32>
        %get3A_241 = arith.index_cast %add3A_97 : i32 to index
        %get3A_242 = arith.constant 48 : index
        %get3A_243 = tpu.vector_load %arg5[%get3A_241, %get3A_242] {strides = array<i32>} : memref<160x80xf32, #tpu.memory_space<vmem>>, vector<1x16xf32>,
        %get3A_244 = vector.shape_cast %get3A_243 : vector<1x16xf32> to vector<16xf32>
        %abs3A_245 = math.absf %get3A_244 : vector<16xf32>
        %neg3A_246 = arith.constant 0.000000e+00 : f32
        %neg3A_247 = vector.broadcast %neg3A_246 : f32 to vector<16xf32>
        %neg3A_248 = arith.subf %neg3A_247, %abs3A_245 : vector<16xf32>
        %exp3A_249 = math.exp %neg3A_248 : vector<16xf32>
        %broadcast_in_dim3A_250 = arith.constant 0.0301026255 : f32
        %broadcast_in_dim3A_251 = vector.broadcast %broadcast_in_dim3A_250 : f32 to vector<16xf32>
        %mul3A_252 = arith.mulf %broadcast_in_dim3A_251, %exp3A_249 : vector<16xf32>
        %add3A_253 = arith.constant -0.130119413 : f32
        %add3A_254 = vector.broadcast %add3A_253 : f32 to vector<16xf32>
        %add3A_255 = arith.addf %mul3A_252, %add3A_254 : vector<16xf32>
        %mul3A_256 = arith.mulf %add3A_255, %exp3A_249 : vector<16xf32>
        %add3A_257 = arith.constant 0.283304334 : f32
        %add3A_258 = vector.broadcast %add3A_257 : f32 to vector<16xf32>
        %add3A_259 = arith.addf %mul3A_256, %add3A_258 : vector<16xf32>
        %mul3A_260 = arith.mulf %add3A_259, %exp3A_249 : vector<16xf32>
        %add3A_261 = arith.constant -0.489156842 : f32
        %add3A_262 = vector.broadcast %add3A_261 : f32 to vector<16xf32>
        %add3A_263 = arith.addf %mul3A_260, %add3A_262 : vector<16xf32>
        %mul3A_264 = arith.mulf %add3A_263, %exp3A_249 : vector<16xf32>
        %add3A_265 = arith.constant 0.999010443 : f32
        %add3A_266 = vector.broadcast %add3A_265 : f32 to vector<16xf32>
        %add3A_267 = arith.addf %mul3A_264, %add3A_266 : vector<16xf32>
        %mul3A_268 = arith.mulf %add3A_267, %exp3A_249 : vector<16xf32>
        %add3A_269 = arith.constant 2.21170303E-5 : f32
        %add3A_270 = vector.broadcast %add3A_269 : f32 to vector<16xf32>
        %add3A_271 = arith.addf %mul3A_268, %add3A_270 : vector<16xf32>
        %max3A_272 = arith.constant 0.000000e+00 : f32
        %max3A_273 = vector.broadcast %max3A_272 : f32 to vector<16xf32>
        %max3A_274 = arith.maximumf %get3A_244, %max3A_273 : vector<16xf32>
        %add3A_275 = arith.addf %max3A_274, %add3A_271 : vector<16xf32>
        %sub3A_276 = arith.subf %get3A_244, %add3A_275 : vector<16xf32>
        %exp3A_277 = math.exp %sub3A_276 : vector<16xf32>
        %add3A_278 = arith.constant 48 : i32
        %add3A_279 = vector.broadcast %add3A_278 : i32 to vector<16xi32>
        %add3A_280 = arith.addi %add3A_279, %iota3A : vector<16xi32>
        %eq3A_281 = arith.cmpi eq, %add3A_280, %gather3A_84 : vector<16xi32>
        %jit3A_282 = arith.constant 0.000000e+00 : f32
        %broadcast_in_dim3A_283 = vector.broadcast %jit3A_282 : f32 to vector<16xf32>
        %select_n3A_284 = arith.select %eq3A_281, %gather3A_94, %broadcast_in_dim3A_283 : vector<16xi1>, vector<16xf32>
        %sub3A_285 = arith.subf %exp3A_277, %select_n3A_284 : vector<16xf32>
        %mul3A_286 = arith.mulf %get3A_244, %select_n3A_284 : vector<16xf32>
        %sub3A_287 = arith.subf %add3A_275, %mul3A_286 : vector<16xf32>
        %mul3A_288 = arith.mulf %sub3A_287, %sub3A_285 : vector<16xf32>
        %mul3A_289 = arith.mulf %mul3A_288, %sub3A_285 : vector<16xf32>
        %add3A_290 = arith.addf %add3A_240, %mul3A_289 : vector<16xf32>
        %get3A_291 = arith.index_cast %add3A_97 : i32 to index
        %get3A_292 = arith.constant 64 : index
        %get3A_293 = tpu.vector_load %arg5[%get3A_291, %get3A_292] {strides = array<i32>} : memref<160x80xf32, #tpu.memory_space<vmem>>, vector<1x16xf32>,
        %get3A_294 = vector.shape_cast %get3A_293 : vector<1x16xf32> to vector<16xf32>
        %abs3A_295 = math.absf %get3A_294 : vector<16xf32>
        %neg3A_296 = arith.constant 0.000000e+00 : f32
        %neg3A_297 = vector.broadcast %neg3A_296 : f32 to vector<16xf32>
        %neg3A_298 = arith.subf %neg3A_297, %abs3A_295 : vector<16xf32>
        %exp3A_299 = math.exp %neg3A_298 : vector<16xf32>
        %broadcast_in_dim3A_300 = arith.constant 0.0301026255 : f32
        %broadcast_in_dim3A_301 = vector.broadcast %broadcast_in_dim3A_300 : f32 to vector<16xf32>
        %mul3A_302 = arith.mulf %broadcast_in_dim3A_301, %exp3A_299 : vector<16xf32>
        %add3A_303 = arith.constant -0.130119413 : f32
        %add3A_304 = vector.broadcast %add3A_303 : f32 to vector<16xf32>
        %add3A_305 = arith.addf %mul3A_302, %add3A_304 : vector<16xf32>
        %mul3A_306 = arith.mulf %add3A_305, %exp3A_299 : vector<16xf32>
        %add3A_307 = arith.constant 0.283304334 : f32
        %add3A_308 = vector.broadcast %add3A_307 : f32 to vector<16xf32>
        %add3A_309 = arith.addf %mul3A_306, %add3A_308 : vector<16xf32>
        %mul3A_310 = arith.mulf %add3A_309, %exp3A_299 : vector<16xf32>
        %add3A_311 = arith.constant -0.489156842 : f32
        %add3A_312 = vector.broadcast %add3A_311 : f32 to vector<16xf32>
        %add3A_313 = arith.addf %mul3A_310, %add3A_312 : vector<16xf32>
        %mul3A_314 = arith.mulf %add3A_313, %exp3A_299 : vector<16xf32>
        %add3A_315 = arith.constant 0.999010443 : f32
        %add3A_316 = vector.broadcast %add3A_315 : f32 to vector<16xf32>
        %add3A_317 = arith.addf %mul3A_314, %add3A_316 : vector<16xf32>
        %mul3A_318 = arith.mulf %add3A_317, %exp3A_299 : vector<16xf32>
        %add3A_319 = arith.constant 2.21170303E-5 : f32
        %add3A_320 = vector.broadcast %add3A_319 : f32 to vector<16xf32>
        %add3A_321 = arith.addf %mul3A_318, %add3A_320 : vector<16xf32>
        %max3A_322 = arith.constant 0.000000e+00 : f32
        %max3A_323 = vector.broadcast %max3A_322 : f32 to vector<16xf32>
        %max3A_324 = arith.maximumf %get3A_294, %max3A_323 : vector<16xf32>
        %add3A_325 = arith.addf %max3A_324, %add3A_321 : vector<16xf32>
        %sub3A_326 = arith.subf %get3A_294, %add3A_325 : vector<16xf32>
        %exp3A_327 = math.exp %sub3A_326 : vector<16xf32>
        %add3A_328 = arith.constant 64 : i32
        %add3A_329 = vector.broadcast %add3A_328 : i32 to vector<16xi32>
        %add3A_330 = arith.addi %add3A_329, %iota3A : vector<16xi32>
        %eq3A_331 = arith.cmpi eq, %add3A_330, %gather3A_84 : vector<16xi32>
        %jit3A_332 = arith.constant 0.000000e+00 : f32
        %broadcast_in_dim3A_333 = vector.broadcast %jit3A_332 : f32 to vector<16xf32>
        %select_n3A_334 = arith.select %eq3A_331, %gather3A_94, %broadcast_in_dim3A_333 : vector<16xi1>, vector<16xf32>
        %sub3A_335 = arith.subf %exp3A_327, %select_n3A_334 : vector<16xf32>
        %mul3A_336 = arith.mulf %get3A_294, %select_n3A_334 : vector<16xf32>
        %sub3A_337 = arith.subf %add3A_325, %mul3A_336 : vector<16xf32>
        %mul3A_338 = arith.mulf %sub3A_337, %sub3A_335 : vector<16xf32>
        %mul3A_339 = arith.mulf %mul3A_338, %sub3A_335 : vector<16xf32>
        %add3A_340 = arith.addf %add3A_290, %mul3A_339 : vector<16xf32>
        scf.yield %add3A_340 : vector<16xf32>
      }
      %scan3A_74 = arith.constant 16 : i32
      scf.yield %scan3A_73 : vector<16xf32>
    }
    %scan3A_20 = arith.constant 10 : i32
    %add3A_21 = arith.constant 320 : i32
    %add3A_22 = arith.addi %add3A_4, %add3A_21 : i32
    "tpu.region"() ({
      %run_scoped3A = tpu.sem_alloc : memref<!tpu.dma_semaphore, #tpu.memory_space<semaphore_mem>>
      %dma_start3A = tpu.memref_slice %arg2[%add3A_22] : memref<100000xi32, #tpu.memory_space<hbm>> -> memref<160xi32, #tpu.memory_space<hbm>>
      %dma_start3A_58 = tpu.memref_slice %arg2[%add3A_22] : memref<100000xi32, #tpu.memory_space<hbm>> -> memref<160xi32, #tpu.memory_space<hbm>>
      tpu.enqueue_dma source(%dma_start3A_58 : memref<160xi32, #tpu.memory_space<hbm>>) target(%arg6 : memref<160xi32, #tpu.memory_space<vmem>>) target_semaphore(%run_scoped3A : memref<!tpu.dma_semaphore, #tpu.memory_space<semaphore_mem>>)
      %dma_wait3A = tpu.memref_slice %arg2[%add3A_22] : memref<100000xi32, #tpu.memory_space<hbm>> -> memref<160xi32, #tpu.memory_space<hbm>>
      %dma_wait3A_59 = tpu.memref_slice %arg2[%add3A_22] : memref<100000xi32, #tpu.memory_space<hbm>> -> memref<160xi32, #tpu.memory_space<hbm>>
      tpu.wait_dma2 semaphore(%run_scoped3A : memref<!tpu.dma_semaphore, #tpu.memory_space<semaphore_mem>>) src(%dma_wait3A_59 : memref<160xi32, #tpu.memory_space<hbm>>) dst(%arg6 : memref<160xi32, #tpu.memory_space<vmem>>)
      tpu.yield
    }) : () -> ()
    "tpu.region"() ({
      %run_scoped3A = tpu.sem_alloc : memref<!tpu.dma_semaphore, #tpu.memory_space<semaphore_mem>>
      %dma_start3A = tpu.memref_slice %arg3[%add3A_22] : memref<100000xf32, #tpu.memory_space<hbm>> -> memref<160xf32, #tpu.memory_space<hbm>>
      %dma_start3A_58 = tpu.memref_slice %arg3[%add3A_22] : memref<100000xf32, #tpu.memory_space<hbm>> -> memref<160xf32, #tpu.memory_space<hbm>>
      tpu.enqueue_dma source(%dma_start3A_58 : memref<160xf32, #tpu.memory_space<hbm>>) target(%arg7 : memref<160xf32, #tpu.memory_space<vmem>>) target_semaphore(%run_scoped3A : memref<!tpu.dma_semaphore, #tpu.memory_space<semaphore_mem>>)
      %dma_wait3A = tpu.memref_slice %arg3[%add3A_22] : memref<100000xf32, #tpu.memory_space<hbm>> -> memref<160xf32, #tpu.memory_space<hbm>>
      %dma_wait3A_59 = tpu.memref_slice %arg3[%add3A_22] : memref<100000xf32, #tpu.memory_space<hbm>> -> memref<160xf32, #tpu.memory_space<hbm>>
      tpu.wait_dma2 semaphore(%run_scoped3A : memref<!tpu.dma_semaphore, #tpu.memory_space<semaphore_mem>>) src(%dma_wait3A_59 : memref<160xf32, #tpu.memory_space<hbm>>) dst(%arg7 : memref<160xf32, #tpu.memory_space<vmem>>)
      tpu.yield
    }) : () -> ()
    %scan3A_23 = arith.constant 0 : i32
    %scan3A_24 = arith.constant 10 : i32
    %scan3A_25 = arith.addi %scan3A_23, %scan3A_24 : i32
    %scan3A_26 = arith.constant 1 : i32
    %scan3A_27 = scf.for %scan3A_58 = %scan3A_23 to %scan3A_25 step %scan3A_26 iter_args(%scan3A_59 = %scan3A_19) -> (vector<16xf32>)  : i32 {
      %mul3A_60 = arith.constant 16 : i32
      %mul3A_61 = arith.muli %scan3A_58, %mul3A_60 : i32
      %get3A = arith.index_cast %mul3A_61 : i32 to index
      %get3A_62 = tpu.vector_load %arg6[%get3A] {strides = array<i32>} : memref<160xi32, #tpu.memory_space<vmem>>, vector<16xi32>,
      %get3A_63 = vector.shape_cast %get3A_62 : vector<16xi32> to vector<16xi32>
      %mul3A_64 = arith.constant 16 : i32
      %mul3A_65 = arith.muli %scan3A_58, %mul3A_64 : i32
      %get3A_66 = arith.index_cast %mul3A_65 : i32 to index
      %get3A_67 = tpu.vector_load %arg7[%get3A_66] {strides = array<i32>} : memref<160xf32, #tpu.memory_space<vmem>>, vector<16xf32>,
      %get3A_68 = vector.shape_cast %get3A_67 : vector<16xf32> to vector<16xf32>
      %scan3A_69 = arith.constant 0 : i32
      %scan3A_70 = arith.constant 16 : i32
      %scan3A_71 = arith.addi %scan3A_69, %scan3A_70 : i32
      %scan3A_72 = arith.constant 1 : i32
      %scan3A_73 = scf.for %scan3A_75 = %scan3A_69 to %scan3A_71 step %scan3A_72 iter_args(%scan3A_76 = %scan3A_59) -> (vector<16xf32>)  : i32 {
        %broadcast_in_dim3A_77 = vector.broadcast %scan3A_75 : i32 to vector<16xi32>
        %lt3A = arith.constant 0 : i32
        %lt3A_78 = vector.broadcast %lt3A : i32 to vector<16xi32>
        %lt3A_79 = arith.cmpi slt, %broadcast_in_dim3A_77, %lt3A_78 : vector<16xi32>
        %add3A_80 = arith.constant 16 : i32
        %add3A_81 = vector.broadcast %add3A_80 : i32 to vector<16xi32>
        %add3A_82 = arith.addi %broadcast_in_dim3A_77, %add3A_81 : vector<16xi32>
        %select_n3A = arith.select %lt3A_79, %add3A_82, %broadcast_in_dim3A_77 : vector<16xi1>, vector<16xi32>
        %broadcast_in_dim3A_83 = vector.shape_cast %select_n3A : vector<16xi32> to vector<16x1xi32>
        %gather3A = vector.shape_cast %broadcast_in_dim3A_83 : vector<16x1xi32> to vector<16xi32>
        %gather3A_84 = tpu.dynamic_gather %get3A_63[%gather3A] in [0] : vector<16xi32>, vector<16xi32> -> vector<16xi32>
        %lt3A_85 = arith.constant 0 : i32
        %lt3A_86 = vector.broadcast %lt3A_85 : i32 to vector<16xi32>
        %lt3A_87 = arith.cmpi slt, %broadcast_in_dim3A_77, %lt3A_86 : vector<16xi32>
        %add3A_88 = arith.constant 16 : i32
        %add3A_89 = vector.broadcast %add3A_88 : i32 to vector<16xi32>
        %add3A_90 = arith.addi %broadcast_in_dim3A_77, %add3A_89 : vector<16xi32>
        %select_n3A_91 = arith.select %lt3A_87, %add3A_90, %broadcast_in_dim3A_77 : vector<16xi1>, vector<16xi32>
        %broadcast_in_dim3A_92 = vector.shape_cast %select_n3A_91 : vector<16xi32> to vector<16x1xi32>
        %gather3A_93 = vector.shape_cast %broadcast_in_dim3A_92 : vector<16x1xi32> to vector<16xi32>
        %gather3A_94 = tpu.dynamic_gather %get3A_68[%gather3A_93] in [0] : vector<16xf32>, vector<16xi32> -> vector<16xf32>
        %mul3A_95 = arith.constant 16 : i32
        %mul3A_96 = arith.muli %scan3A_58, %mul3A_95 : i32
        %add3A_97 = arith.addi %mul3A_96, %scan3A_75 : i32
        %get3A_98 = arith.index_cast %add3A_97 : i32 to index
        %get3A_99 = arith.constant 0 : index
        %get3A_100 = tpu.vector_load %arg5[%get3A_98, %get3A_99] {strides = array<i32>} : memref<160x80xf32, #tpu.memory_space<vmem>>, vector<1x16xf32>,
        %get3A_101 = vector.shape_cast %get3A_100 : vector<1x16xf32> to vector<16xf32>
        %abs3A = math.absf %get3A_101 : vector<16xf32>
        %neg3A = arith.constant 0.000000e+00 : f32
        %neg3A_102 = vector.broadcast %neg3A : f32 to vector<16xf32>
        %neg3A_103 = arith.subf %neg3A_102, %abs3A : vector<16xf32>
        %exp3A = math.exp %neg3A_103 : vector<16xf32>
        %broadcast_in_dim3A_104 = arith.constant 0.0301026255 : f32
        %broadcast_in_dim3A_105 = vector.broadcast %broadcast_in_dim3A_104 : f32 to vector<16xf32>
        %mul3A_106 = arith.mulf %broadcast_in_dim3A_105, %exp3A : vector<16xf32>
        %add3A_107 = arith.constant -0.130119413 : f32
        %add3A_108 = vector.broadcast %add3A_107 : f32 to vector<16xf32>
        %add3A_109 = arith.addf %mul3A_106, %add3A_108 : vector<16xf32>
        %mul3A_110 = arith.mulf %add3A_109, %exp3A : vector<16xf32>
        %add3A_111 = arith.constant 0.283304334 : f32
        %add3A_112 = vector.broadcast %add3A_111 : f32 to vector<16xf32>
        %add3A_113 = arith.addf %mul3A_110, %add3A_112 : vector<16xf32>
        %mul3A_114 = arith.mulf %add3A_113, %exp3A : vector<16xf32>
        %add3A_115 = arith.constant -0.489156842 : f32
        %add3A_116 = vector.broadcast %add3A_115 : f32 to vector<16xf32>
        %add3A_117 = arith.addf %mul3A_114, %add3A_116 : vector<16xf32>
        %mul3A_118 = arith.mulf %add3A_117, %exp3A : vector<16xf32>
        %add3A_119 = arith.constant 0.999010443 : f32
        %add3A_120 = vector.broadcast %add3A_119 : f32 to vector<16xf32>
        %add3A_121 = arith.addf %mul3A_118, %add3A_120 : vector<16xf32>
        %mul3A_122 = arith.mulf %add3A_121, %exp3A : vector<16xf32>
        %add3A_123 = arith.constant 2.21170303E-5 : f32
        %add3A_124 = vector.broadcast %add3A_123 : f32 to vector<16xf32>
        %add3A_125 = arith.addf %mul3A_122, %add3A_124 : vector<16xf32>
        %max3A = arith.constant 0.000000e+00 : f32
        %max3A_126 = vector.broadcast %max3A : f32 to vector<16xf32>
        %max3A_127 = arith.maximumf %get3A_101, %max3A_126 : vector<16xf32>
        %add3A_128 = arith.addf %max3A_127, %add3A_125 : vector<16xf32>
        %sub3A = arith.subf %get3A_101, %add3A_128 : vector<16xf32>
        %exp3A_129 = math.exp %sub3A : vector<16xf32>
        %add3A_130 = arith.constant 0 : i32
        %add3A_131 = vector.broadcast %add3A_130 : i32 to vector<16xi32>
        %add3A_132 = arith.addi %add3A_131, %iota3A : vector<16xi32>
        %eq3A = arith.cmpi eq, %add3A_132, %gather3A_84 : vector<16xi32>
        %jit3A = arith.constant 0.000000e+00 : f32
        %broadcast_in_dim3A_133 = vector.broadcast %jit3A : f32 to vector<16xf32>
        %select_n3A_134 = arith.select %eq3A, %gather3A_94, %broadcast_in_dim3A_133 : vector<16xi1>, vector<16xf32>
        %sub3A_135 = arith.subf %exp3A_129, %select_n3A_134 : vector<16xf32>
        %mul3A_136 = arith.mulf %get3A_101, %select_n3A_134 : vector<16xf32>
        %sub3A_137 = arith.subf %add3A_128, %mul3A_136 : vector<16xf32>
        %mul3A_138 = arith.mulf %sub3A_137, %sub3A_135 : vector<16xf32>
        %mul3A_139 = arith.mulf %mul3A_138, %sub3A_135 : vector<16xf32>
        %add3A_140 = arith.addf %scan3A_76, %mul3A_139 : vector<16xf32>
        %get3A_141 = arith.index_cast %add3A_97 : i32 to index
        %get3A_142 = arith.constant 16 : index
        %get3A_143 = tpu.vector_load %arg5[%get3A_141, %get3A_142] {strides = array<i32>} : memref<160x80xf32, #tpu.memory_space<vmem>>, vector<1x16xf32>,
        %get3A_144 = vector.shape_cast %get3A_143 : vector<1x16xf32> to vector<16xf32>
        %abs3A_145 = math.absf %get3A_144 : vector<16xf32>
        %neg3A_146 = arith.constant 0.000000e+00 : f32
        %neg3A_147 = vector.broadcast %neg3A_146 : f32 to vector<16xf32>
        %neg3A_148 = arith.subf %neg3A_147, %abs3A_145 : vector<16xf32>
        %exp3A_149 = math.exp %neg3A_148 : vector<16xf32>
        %broadcast_in_dim3A_150 = arith.constant 0.0301026255 : f32
        %broadcast_in_dim3A_151 = vector.broadcast %broadcast_in_dim3A_150 : f32 to vector<16xf32>
        %mul3A_152 = arith.mulf %broadcast_in_dim3A_151, %exp3A_149 : vector<16xf32>
        %add3A_153 = arith.constant -0.130119413 : f32
        %add3A_154 = vector.broadcast %add3A_153 : f32 to vector<16xf32>
        %add3A_155 = arith.addf %mul3A_152, %add3A_154 : vector<16xf32>
        %mul3A_156 = arith.mulf %add3A_155, %exp3A_149 : vector<16xf32>
        %add3A_157 = arith.constant 0.283304334 : f32
        %add3A_158 = vector.broadcast %add3A_157 : f32 to vector<16xf32>
        %add3A_159 = arith.addf %mul3A_156, %add3A_158 : vector<16xf32>
        %mul3A_160 = arith.mulf %add3A_159, %exp3A_149 : vector<16xf32>
        %add3A_161 = arith.constant -0.489156842 : f32
        %add3A_162 = vector.broadcast %add3A_161 : f32 to vector<16xf32>
        %add3A_163 = arith.addf %mul3A_160, %add3A_162 : vector<16xf32>
        %mul3A_164 = arith.mulf %add3A_163, %exp3A_149 : vector<16xf32>
        %add3A_165 = arith.constant 0.999010443 : f32
        %add3A_166 = vector.broadcast %add3A_165 : f32 to vector<16xf32>
        %add3A_167 = arith.addf %mul3A_164, %add3A_166 : vector<16xf32>
        %mul3A_168 = arith.mulf %add3A_167, %exp3A_149 : vector<16xf32>
        %add3A_169 = arith.constant 2.21170303E-5 : f32
        %add3A_170 = vector.broadcast %add3A_169 : f32 to vector<16xf32>
        %add3A_171 = arith.addf %mul3A_168, %add3A_170 : vector<16xf32>
        %max3A_172 = arith.constant 0.000000e+00 : f32
        %max3A_173 = vector.broadcast %max3A_172 : f32 to vector<16xf32>
        %max3A_174 = arith.maximumf %get3A_144, %max3A_173 : vector<16xf32>
        %add3A_175 = arith.addf %max3A_174, %add3A_171 : vector<16xf32>
        %sub3A_176 = arith.subf %get3A_144, %add3A_175 : vector<16xf32>
        %exp3A_177 = math.exp %sub3A_176 : vector<16xf32>
        %add3A_178 = arith.constant 16 : i32
        %add3A_179 = vector.broadcast %add3A_178 : i32 to vector<16xi32>
        %add3A_180 = arith.addi %add3A_179, %iota3A : vector<16xi32>
        %eq3A_181 = arith.cmpi eq, %add3A_180, %gather3A_84 : vector<16xi32>
        %jit3A_182 = arith.constant 0.000000e+00 : f32
        %broadcast_in_dim3A_183 = vector.broadcast %jit3A_182 : f32 to vector<16xf32>
        %select_n3A_184 = arith.select %eq3A_181, %gather3A_94, %broadcast_in_dim3A_183 : vector<16xi1>, vector<16xf32>
        %sub3A_185 = arith.subf %exp3A_177, %select_n3A_184 : vector<16xf32>
        %mul3A_186 = arith.mulf %get3A_144, %select_n3A_184 : vector<16xf32>
        %sub3A_187 = arith.subf %add3A_175, %mul3A_186 : vector<16xf32>
        %mul3A_188 = arith.mulf %sub3A_187, %sub3A_185 : vector<16xf32>
        %mul3A_189 = arith.mulf %mul3A_188, %sub3A_185 : vector<16xf32>
        %add3A_190 = arith.addf %add3A_140, %mul3A_189 : vector<16xf32>
        %get3A_191 = arith.index_cast %add3A_97 : i32 to index
        %get3A_192 = arith.constant 32 : index
        %get3A_193 = tpu.vector_load %arg5[%get3A_191, %get3A_192] {strides = array<i32>} : memref<160x80xf32, #tpu.memory_space<vmem>>, vector<1x16xf32>,
        %get3A_194 = vector.shape_cast %get3A_193 : vector<1x16xf32> to vector<16xf32>
        %abs3A_195 = math.absf %get3A_194 : vector<16xf32>
        %neg3A_196 = arith.constant 0.000000e+00 : f32
        %neg3A_197 = vector.broadcast %neg3A_196 : f32 to vector<16xf32>
        %neg3A_198 = arith.subf %neg3A_197, %abs3A_195 : vector<16xf32>
        %exp3A_199 = math.exp %neg3A_198 : vector<16xf32>
        %broadcast_in_dim3A_200 = arith.constant 0.0301026255 : f32
        %broadcast_in_dim3A_201 = vector.broadcast %broadcast_in_dim3A_200 : f32 to vector<16xf32>
        %mul3A_202 = arith.mulf %broadcast_in_dim3A_201, %exp3A_199 : vector<16xf32>
        %add3A_203 = arith.constant -0.130119413 : f32
        %add3A_204 = vector.broadcast %add3A_203 : f32 to vector<16xf32>
        %add3A_205 = arith.addf %mul3A_202, %add3A_204 : vector<16xf32>
        %mul3A_206 = arith.mulf %add3A_205, %exp3A_199 : vector<16xf32>
        %add3A_207 = arith.constant 0.283304334 : f32
        %add3A_208 = vector.broadcast %add3A_207 : f32 to vector<16xf32>
        %add3A_209 = arith.addf %mul3A_206, %add3A_208 : vector<16xf32>
        %mul3A_210 = arith.mulf %add3A_209, %exp3A_199 : vector<16xf32>
        %add3A_211 = arith.constant -0.489156842 : f32
        %add3A_212 = vector.broadcast %add3A_211 : f32 to vector<16xf32>
        %add3A_213 = arith.addf %mul3A_210, %add3A_212 : vector<16xf32>
        %mul3A_214 = arith.mulf %add3A_213, %exp3A_199 : vector<16xf32>
        %add3A_215 = arith.constant 0.999010443 : f32
        %add3A_216 = vector.broadcast %add3A_215 : f32 to vector<16xf32>
        %add3A_217 = arith.addf %mul3A_214, %add3A_216 : vector<16xf32>
        %mul3A_218 = arith.mulf %add3A_217, %exp3A_199 : vector<16xf32>
        %add3A_219 = arith.constant 2.21170303E-5 : f32
        %add3A_220 = vector.broadcast %add3A_219 : f32 to vector<16xf32>
        %add3A_221 = arith.addf %mul3A_218, %add3A_220 : vector<16xf32>
        %max3A_222 = arith.constant 0.000000e+00 : f32
        %max3A_223 = vector.broadcast %max3A_222 : f32 to vector<16xf32>
        %max3A_224 = arith.maximumf %get3A_194, %max3A_223 : vector<16xf32>
        %add3A_225 = arith.addf %max3A_224, %add3A_221 : vector<16xf32>
        %sub3A_226 = arith.subf %get3A_194, %add3A_225 : vector<16xf32>
        %exp3A_227 = math.exp %sub3A_226 : vector<16xf32>
        %add3A_228 = arith.constant 32 : i32
        %add3A_229 = vector.broadcast %add3A_228 : i32 to vector<16xi32>
        %add3A_230 = arith.addi %add3A_229, %iota3A : vector<16xi32>
        %eq3A_231 = arith.cmpi eq, %add3A_230, %gather3A_84 : vector<16xi32>
        %jit3A_232 = arith.constant 0.000000e+00 : f32
        %broadcast_in_dim3A_233 = vector.broadcast %jit3A_232 : f32 to vector<16xf32>
        %select_n3A_234 = arith.select %eq3A_231, %gather3A_94, %broadcast_in_dim3A_233 : vector<16xi1>, vector<16xf32>
        %sub3A_235 = arith.subf %exp3A_227, %select_n3A_234 : vector<16xf32>
        %mul3A_236 = arith.mulf %get3A_194, %select_n3A_234 : vector<16xf32>
        %sub3A_237 = arith.subf %add3A_225, %mul3A_236 : vector<16xf32>
        %mul3A_238 = arith.mulf %sub3A_237, %sub3A_235 : vector<16xf32>
        %mul3A_239 = arith.mulf %mul3A_238, %sub3A_235 : vector<16xf32>
        %add3A_240 = arith.addf %add3A_190, %mul3A_239 : vector<16xf32>
        %get3A_241 = arith.index_cast %add3A_97 : i32 to index
        %get3A_242 = arith.constant 48 : index
        %get3A_243 = tpu.vector_load %arg5[%get3A_241, %get3A_242] {strides = array<i32>} : memref<160x80xf32, #tpu.memory_space<vmem>>, vector<1x16xf32>,
        %get3A_244 = vector.shape_cast %get3A_243 : vector<1x16xf32> to vector<16xf32>
        %abs3A_245 = math.absf %get3A_244 : vector<16xf32>
        %neg3A_246 = arith.constant 0.000000e+00 : f32
        %neg3A_247 = vector.broadcast %neg3A_246 : f32 to vector<16xf32>
        %neg3A_248 = arith.subf %neg3A_247, %abs3A_245 : vector<16xf32>
        %exp3A_249 = math.exp %neg3A_248 : vector<16xf32>
        %broadcast_in_dim3A_250 = arith.constant 0.0301026255 : f32
        %broadcast_in_dim3A_251 = vector.broadcast %broadcast_in_dim3A_250 : f32 to vector<16xf32>
        %mul3A_252 = arith.mulf %broadcast_in_dim3A_251, %exp3A_249 : vector<16xf32>
        %add3A_253 = arith.constant -0.130119413 : f32
        %add3A_254 = vector.broadcast %add3A_253 : f32 to vector<16xf32>
        %add3A_255 = arith.addf %mul3A_252, %add3A_254 : vector<16xf32>
        %mul3A_256 = arith.mulf %add3A_255, %exp3A_249 : vector<16xf32>
        %add3A_257 = arith.constant 0.283304334 : f32
        %add3A_258 = vector.broadcast %add3A_257 : f32 to vector<16xf32>
        %add3A_259 = arith.addf %mul3A_256, %add3A_258 : vector<16xf32>
        %mul3A_260 = arith.mulf %add3A_259, %exp3A_249 : vector<16xf32>
        %add3A_261 = arith.constant -0.489156842 : f32
        %add3A_262 = vector.broadcast %add3A_261 : f32 to vector<16xf32>
        %add3A_263 = arith.addf %mul3A_260, %add3A_262 : vector<16xf32>
        %mul3A_264 = arith.mulf %add3A_263, %exp3A_249 : vector<16xf32>
        %add3A_265 = arith.constant 0.999010443 : f32
        %add3A_266 = vector.broadcast %add3A_265 : f32 to vector<16xf32>
        %add3A_267 = arith.addf %mul3A_264, %add3A_266 : vector<16xf32>
        %mul3A_268 = arith.mulf %add3A_267, %exp3A_249 : vector<16xf32>
        %add3A_269 = arith.constant 2.21170303E-5 : f32
        %add3A_270 = vector.broadcast %add3A_269 : f32 to vector<16xf32>
        %add3A_271 = arith.addf %mul3A_268, %add3A_270 : vector<16xf32>
        %max3A_272 = arith.constant 0.000000e+00 : f32
        %max3A_273 = vector.broadcast %max3A_272 : f32 to vector<16xf32>
        %max3A_274 = arith.maximumf %get3A_244, %max3A_273 : vector<16xf32>
        %add3A_275 = arith.addf %max3A_274, %add3A_271 : vector<16xf32>
        %sub3A_276 = arith.subf %get3A_244, %add3A_275 : vector<16xf32>
        %exp3A_277 = math.exp %sub3A_276 : vector<16xf32>
        %add3A_278 = arith.constant 48 : i32
        %add3A_279 = vector.broadcast %add3A_278 : i32 to vector<16xi32>
        %add3A_280 = arith.addi %add3A_279, %iota3A : vector<16xi32>
        %eq3A_281 = arith.cmpi eq, %add3A_280, %gather3A_84 : vector<16xi32>
        %jit3A_282 = arith.constant 0.000000e+00 : f32
        %broadcast_in_dim3A_283 = vector.broadcast %jit3A_282 : f32 to vector<16xf32>
        %select_n3A_284 = arith.select %eq3A_281, %gather3A_94, %broadcast_in_dim3A_283 : vector<16xi1>, vector<16xf32>
        %sub3A_285 = arith.subf %exp3A_277, %select_n3A_284 : vector<16xf32>
        %mul3A_286 = arith.mulf %get3A_244, %select_n3A_284 : vector<16xf32>
        %sub3A_287 = arith.subf %add3A_275, %mul3A_286 : vector<16xf32>
        %mul3A_288 = arith.mulf %sub3A_287, %sub3A_285 : vector<16xf32>
        %mul3A_289 = arith.mulf %mul3A_288, %sub3A_285 : vector<16xf32>
        %add3A_290 = arith.addf %add3A_240, %mul3A_289 : vector<16xf32>
        %get3A_291 = arith.index_cast %add3A_97 : i32 to index
        %get3A_292 = arith.constant 64 : index
        %get3A_293 = tpu.vector_load %arg5[%get3A_291, %get3A_292] {strides = array<i32>} : memref<160x80xf32, #tpu.memory_space<vmem>>, vector<1x16xf32>,
        %get3A_294 = vector.shape_cast %get3A_293 : vector<1x16xf32> to vector<16xf32>
        %abs3A_295 = math.absf %get3A_294 : vector<16xf32>
        %neg3A_296 = arith.constant 0.000000e+00 : f32
        %neg3A_297 = vector.broadcast %neg3A_296 : f32 to vector<16xf32>
        %neg3A_298 = arith.subf %neg3A_297, %abs3A_295 : vector<16xf32>
        %exp3A_299 = math.exp %neg3A_298 : vector<16xf32>
        %broadcast_in_dim3A_300 = arith.constant 0.0301026255 : f32
        %broadcast_in_dim3A_301 = vector.broadcast %broadcast_in_dim3A_300 : f32 to vector<16xf32>
        %mul3A_302 = arith.mulf %broadcast_in_dim3A_301, %exp3A_299 : vector<16xf32>
        %add3A_303 = arith.constant -0.130119413 : f32
        %add3A_304 = vector.broadcast %add3A_303 : f32 to vector<16xf32>
        %add3A_305 = arith.addf %mul3A_302, %add3A_304 : vector<16xf32>
        %mul3A_306 = arith.mulf %add3A_305, %exp3A_299 : vector<16xf32>
        %add3A_307 = arith.constant 0.283304334 : f32
        %add3A_308 = vector.broadcast %add3A_307 : f32 to vector<16xf32>
        %add3A_309 = arith.addf %mul3A_306, %add3A_308 : vector<16xf32>
        %mul3A_310 = arith.mulf %add3A_309, %exp3A_299 : vector<16xf32>
        %add3A_311 = arith.constant -0.489156842 : f32
        %add3A_312 = vector.broadcast %add3A_311 : f32 to vector<16xf32>
        %add3A_313 = arith.addf %mul3A_310, %add3A_312 : vector<16xf32>
        %mul3A_314 = arith.mulf %add3A_313, %exp3A_299 : vector<16xf32>
        %add3A_315 = arith.constant 0.999010443 : f32
        %add3A_316 = vector.broadcast %add3A_315 : f32 to vector<16xf32>
        %add3A_317 = arith.addf %mul3A_314, %add3A_316 : vector<16xf32>
        %mul3A_318 = arith.mulf %add3A_317, %exp3A_299 : vector<16xf32>
        %add3A_319 = arith.constant 2.21170303E-5 : f32
        %add3A_320 = vector.broadcast %add3A_319 : f32 to vector<16xf32>
        %add3A_321 = arith.addf %mul3A_318, %add3A_320 : vector<16xf32>
        %max3A_322 = arith.constant 0.000000e+00 : f32
        %max3A_323 = vector.broadcast %max3A_322 : f32 to vector<16xf32>
        %max3A_324 = arith.maximumf %get3A_294, %max3A_323 : vector<16xf32>
        %add3A_325 = arith.addf %max3A_324, %add3A_321 : vector<16xf32>
        %sub3A_326 = arith.subf %get3A_294, %add3A_325 : vector<16xf32>
        %exp3A_327 = math.exp %sub3A_326 : vector<16xf32>
        %add3A_328 = arith.constant 64 : i32
        %add3A_329 = vector.broadcast %add3A_328 : i32 to vector<16xi32>
        %add3A_330 = arith.addi %add3A_329, %iota3A : vector<16xi32>
        %eq3A_331 = arith.cmpi eq, %add3A_330, %gather3A_84 : vector<16xi32>
        %jit3A_332 = arith.constant 0.000000e+00 : f32
        %broadcast_in_dim3A_333 = vector.broadcast %jit3A_332 : f32 to vector<16xf32>
        %select_n3A_334 = arith.select %eq3A_331, %gather3A_94, %broadcast_in_dim3A_333 : vector<16xi1>, vector<16xf32>
        %sub3A_335 = arith.subf %exp3A_327, %select_n3A_334 : vector<16xf32>
        %mul3A_336 = arith.mulf %get3A_294, %select_n3A_334 : vector<16xf32>
        %sub3A_337 = arith.subf %add3A_325, %mul3A_336 : vector<16xf32>
        %mul3A_338 = arith.mulf %sub3A_337, %sub3A_335 : vector<16xf32>
        %mul3A_339 = arith.mulf %mul3A_338, %sub3A_335 : vector<16xf32>
        %add3A_340 = arith.addf %add3A_290, %mul3A_339 : vector<16xf32>
        scf.yield %add3A_340 : vector<16xf32>
      }
      %scan3A_74 = arith.constant 16 : i32
      scf.yield %scan3A_73 : vector<16xf32>
    }
    %scan3A_28 = arith.constant 10 : i32
    %add3A_29 = arith.constant 480 : i32
    %add3A_30 = arith.addi %add3A_4, %add3A_29 : i32
    "tpu.region"() ({
      %run_scoped3A = tpu.sem_alloc : memref<!tpu.dma_semaphore, #tpu.memory_space<semaphore_mem>>
      %dma_start3A = tpu.memref_slice %arg2[%add3A_30] : memref<100000xi32, #tpu.memory_space<hbm>> -> memref<160xi32, #tpu.memory_space<hbm>>
      %dma_start3A_58 = tpu.memref_slice %arg2[%add3A_30] : memref<100000xi32, #tpu.memory_space<hbm>> -> memref<160xi32, #tpu.memory_space<hbm>>
      tpu.enqueue_dma source(%dma_start3A_58 : memref<160xi32, #tpu.memory_space<hbm>>) target(%arg6 : memref<160xi32, #tpu.memory_space<vmem>>) target_semaphore(%run_scoped3A : memref<!tpu.dma_semaphore, #tpu.memory_space<semaphore_mem>>)
      %dma_wait3A = tpu.memref_slice %arg2[%add3A_30] : memref<100000xi32, #tpu.memory_space<hbm>> -> memref<160xi32, #tpu.memory_space<hbm>>
      %dma_wait3A_59 = tpu.memref_slice %arg2[%add3A_30] : memref<100000xi32, #tpu.memory_space<hbm>> -> memref<160xi32, #tpu.memory_space<hbm>>
      tpu.wait_dma2 semaphore(%run_scoped3A : memref<!tpu.dma_semaphore, #tpu.memory_space<semaphore_mem>>) src(%dma_wait3A_59 : memref<160xi32, #tpu.memory_space<hbm>>) dst(%arg6 : memref<160xi32, #tpu.memory_space<vmem>>)
      tpu.yield
    }) : () -> ()
    "tpu.region"() ({
      %run_scoped3A = tpu.sem_alloc : memref<!tpu.dma_semaphore, #tpu.memory_space<semaphore_mem>>
      %dma_start3A = tpu.memref_slice %arg3[%add3A_30] : memref<100000xf32, #tpu.memory_space<hbm>> -> memref<160xf32, #tpu.memory_space<hbm>>
      %dma_start3A_58 = tpu.memref_slice %arg3[%add3A_30] : memref<100000xf32, #tpu.memory_space<hbm>> -> memref<160xf32, #tpu.memory_space<hbm>>
      tpu.enqueue_dma source(%dma_start3A_58 : memref<160xf32, #tpu.memory_space<hbm>>) target(%arg7 : memref<160xf32, #tpu.memory_space<vmem>>) target_semaphore(%run_scoped3A : memref<!tpu.dma_semaphore, #tpu.memory_space<semaphore_mem>>)
      %dma_wait3A = tpu.memref_slice %arg3[%add3A_30] : memref<100000xf32, #tpu.memory_space<hbm>> -> memref<160xf32, #tpu.memory_space<hbm>>
      %dma_wait3A_59 = tpu.memref_slice %arg3[%add3A_30] : memref<100000xf32, #tpu.memory_space<hbm>> -> memref<160xf32, #tpu.memory_space<hbm>>
      tpu.wait_dma2 semaphore(%run_scoped3A : memref<!tpu.dma_semaphore, #tpu.memory_space<semaphore_mem>>) src(%dma_wait3A_59 : memref<160xf32, #tpu.memory_space<hbm>>) dst(%arg7 : memref<160xf32, #tpu.memory_space<vmem>>)
      tpu.yield
    }) : () -> ()
    %scan3A_31 = arith.constant 0 : i32
    %scan3A_32 = arith.constant 10 : i32
    %scan3A_33 = arith.addi %scan3A_31, %scan3A_32 : i32
    %scan3A_34 = arith.constant 1 : i32
    %scan3A_35 = scf.for %scan3A_58 = %scan3A_31 to %scan3A_33 step %scan3A_34 iter_args(%scan3A_59 = %scan3A_27) -> (vector<16xf32>)  : i32 {
      %mul3A_60 = arith.constant 16 : i32
      %mul3A_61 = arith.muli %scan3A_58, %mul3A_60 : i32
      %get3A = arith.index_cast %mul3A_61 : i32 to index
      %get3A_62 = tpu.vector_load %arg6[%get3A] {strides = array<i32>} : memref<160xi32, #tpu.memory_space<vmem>>, vector<16xi32>,
      %get3A_63 = vector.shape_cast %get3A_62 : vector<16xi32> to vector<16xi32>
      %mul3A_64 = arith.constant 16 : i32
      %mul3A_65 = arith.muli %scan3A_58, %mul3A_64 : i32
      %get3A_66 = arith.index_cast %mul3A_65 : i32 to index
      %get3A_67 = tpu.vector_load %arg7[%get3A_66] {strides = array<i32>} : memref<160xf32, #tpu.memory_space<vmem>>, vector<16xf32>,
      %get3A_68 = vector.shape_cast %get3A_67 : vector<16xf32> to vector<16xf32>
      %scan3A_69 = arith.constant 0 : i32
      %scan3A_70 = arith.constant 16 : i32
      %scan3A_71 = arith.addi %scan3A_69, %scan3A_70 : i32
      %scan3A_72 = arith.constant 1 : i32
      %scan3A_73 = scf.for %scan3A_75 = %scan3A_69 to %scan3A_71 step %scan3A_72 iter_args(%scan3A_76 = %scan3A_59) -> (vector<16xf32>)  : i32 {
        %broadcast_in_dim3A_77 = vector.broadcast %scan3A_75 : i32 to vector<16xi32>
        %lt3A = arith.constant 0 : i32
        %lt3A_78 = vector.broadcast %lt3A : i32 to vector<16xi32>
        %lt3A_79 = arith.cmpi slt, %broadcast_in_dim3A_77, %lt3A_78 : vector<16xi32>
        %add3A_80 = arith.constant 16 : i32
        %add3A_81 = vector.broadcast %add3A_80 : i32 to vector<16xi32>
        %add3A_82 = arith.addi %broadcast_in_dim3A_77, %add3A_81 : vector<16xi32>
        %select_n3A = arith.select %lt3A_79, %add3A_82, %broadcast_in_dim3A_77 : vector<16xi1>, vector<16xi32>
        %broadcast_in_dim3A_83 = vector.shape_cast %select_n3A : vector<16xi32> to vector<16x1xi32>
        %gather3A = vector.shape_cast %broadcast_in_dim3A_83 : vector<16x1xi32> to vector<16xi32>
        %gather3A_84 = tpu.dynamic_gather %get3A_63[%gather3A] in [0] : vector<16xi32>, vector<16xi32> -> vector<16xi32>
        %lt3A_85 = arith.constant 0 : i32
        %lt3A_86 = vector.broadcast %lt3A_85 : i32 to vector<16xi32>
        %lt3A_87 = arith.cmpi slt, %broadcast_in_dim3A_77, %lt3A_86 : vector<16xi32>
        %add3A_88 = arith.constant 16 : i32
        %add3A_89 = vector.broadcast %add3A_88 : i32 to vector<16xi32>
        %add3A_90 = arith.addi %broadcast_in_dim3A_77, %add3A_89 : vector<16xi32>
        %select_n3A_91 = arith.select %lt3A_87, %add3A_90, %broadcast_in_dim3A_77 : vector<16xi1>, vector<16xi32>
        %broadcast_in_dim3A_92 = vector.shape_cast %select_n3A_91 : vector<16xi32> to vector<16x1xi32>
        %gather3A_93 = vector.shape_cast %broadcast_in_dim3A_92 : vector<16x1xi32> to vector<16xi32>
        %gather3A_94 = tpu.dynamic_gather %get3A_68[%gather3A_93] in [0] : vector<16xf32>, vector<16xi32> -> vector<16xf32>
        %mul3A_95 = arith.constant 16 : i32
        %mul3A_96 = arith.muli %scan3A_58, %mul3A_95 : i32
        %add3A_97 = arith.addi %mul3A_96, %scan3A_75 : i32
        %get3A_98 = arith.index_cast %add3A_97 : i32 to index
        %get3A_99 = arith.constant 0 : index
        %get3A_100 = tpu.vector_load %arg5[%get3A_98, %get3A_99] {strides = array<i32>} : memref<160x80xf32, #tpu.memory_space<vmem>>, vector<1x16xf32>,
        %get3A_101 = vector.shape_cast %get3A_100 : vector<1x16xf32> to vector<16xf32>
        %abs3A = math.absf %get3A_101 : vector<16xf32>
        %neg3A = arith.constant 0.000000e+00 : f32
        %neg3A_102 = vector.broadcast %neg3A : f32 to vector<16xf32>
        %neg3A_103 = arith.subf %neg3A_102, %abs3A : vector<16xf32>
        %exp3A = math.exp %neg3A_103 : vector<16xf32>
        %broadcast_in_dim3A_104 = arith.constant 0.0301026255 : f32
        %broadcast_in_dim3A_105 = vector.broadcast %broadcast_in_dim3A_104 : f32 to vector<16xf32>
        %mul3A_106 = arith.mulf %broadcast_in_dim3A_105, %exp3A : vector<16xf32>
        %add3A_107 = arith.constant -0.130119413 : f32
        %add3A_108 = vector.broadcast %add3A_107 : f32 to vector<16xf32>
        %add3A_109 = arith.addf %mul3A_106, %add3A_108 : vector<16xf32>
        %mul3A_110 = arith.mulf %add3A_109, %exp3A : vector<16xf32>
        %add3A_111 = arith.constant 0.283304334 : f32
        %add3A_112 = vector.broadcast %add3A_111 : f32 to vector<16xf32>
        %add3A_113 = arith.addf %mul3A_110, %add3A_112 : vector<16xf32>
        %mul3A_114 = arith.mulf %add3A_113, %exp3A : vector<16xf32>
        %add3A_115 = arith.constant -0.489156842 : f32
        %add3A_116 = vector.broadcast %add3A_115 : f32 to vector<16xf32>
        %add3A_117 = arith.addf %mul3A_114, %add3A_116 : vector<16xf32>
        %mul3A_118 = arith.mulf %add3A_117, %exp3A : vector<16xf32>
        %add3A_119 = arith.constant 0.999010443 : f32
        %add3A_120 = vector.broadcast %add3A_119 : f32 to vector<16xf32>
        %add3A_121 = arith.addf %mul3A_118, %add3A_120 : vector<16xf32>
        %mul3A_122 = arith.mulf %add3A_121, %exp3A : vector<16xf32>
        %add3A_123 = arith.constant 2.21170303E-5 : f32
        %add3A_124 = vector.broadcast %add3A_123 : f32 to vector<16xf32>
        %add3A_125 = arith.addf %mul3A_122, %add3A_124 : vector<16xf32>
        %max3A = arith.constant 0.000000e+00 : f32
        %max3A_126 = vector.broadcast %max3A : f32 to vector<16xf32>
        %max3A_127 = arith.maximumf %get3A_101, %max3A_126 : vector<16xf32>
        %add3A_128 = arith.addf %max3A_127, %add3A_125 : vector<16xf32>
        %sub3A = arith.subf %get3A_101, %add3A_128 : vector<16xf32>
        %exp3A_129 = math.exp %sub3A : vector<16xf32>
        %add3A_130 = arith.constant 0 : i32
        %add3A_131 = vector.broadcast %add3A_130 : i32 to vector<16xi32>
        %add3A_132 = arith.addi %add3A_131, %iota3A : vector<16xi32>
        %eq3A = arith.cmpi eq, %add3A_132, %gather3A_84 : vector<16xi32>
        %jit3A = arith.constant 0.000000e+00 : f32
        %broadcast_in_dim3A_133 = vector.broadcast %jit3A : f32 to vector<16xf32>
        %select_n3A_134 = arith.select %eq3A, %gather3A_94, %broadcast_in_dim3A_133 : vector<16xi1>, vector<16xf32>
        %sub3A_135 = arith.subf %exp3A_129, %select_n3A_134 : vector<16xf32>
        %mul3A_136 = arith.mulf %get3A_101, %select_n3A_134 : vector<16xf32>
        %sub3A_137 = arith.subf %add3A_128, %mul3A_136 : vector<16xf32>
        %mul3A_138 = arith.mulf %sub3A_137, %sub3A_135 : vector<16xf32>
        %mul3A_139 = arith.mulf %mul3A_138, %sub3A_135 : vector<16xf32>
        %add3A_140 = arith.addf %scan3A_76, %mul3A_139 : vector<16xf32>
        %get3A_141 = arith.index_cast %add3A_97 : i32 to index
        %get3A_142 = arith.constant 16 : index
        %get3A_143 = tpu.vector_load %arg5[%get3A_141, %get3A_142] {strides = array<i32>} : memref<160x80xf32, #tpu.memory_space<vmem>>, vector<1x16xf32>,
        %get3A_144 = vector.shape_cast %get3A_143 : vector<1x16xf32> to vector<16xf32>
        %abs3A_145 = math.absf %get3A_144 : vector<16xf32>
        %neg3A_146 = arith.constant 0.000000e+00 : f32
        %neg3A_147 = vector.broadcast %neg3A_146 : f32 to vector<16xf32>
        %neg3A_148 = arith.subf %neg3A_147, %abs3A_145 : vector<16xf32>
        %exp3A_149 = math.exp %neg3A_148 : vector<16xf32>
        %broadcast_in_dim3A_150 = arith.constant 0.0301026255 : f32
        %broadcast_in_dim3A_151 = vector.broadcast %broadcast_in_dim3A_150 : f32 to vector<16xf32>
        %mul3A_152 = arith.mulf %broadcast_in_dim3A_151, %exp3A_149 : vector<16xf32>
        %add3A_153 = arith.constant -0.130119413 : f32
        %add3A_154 = vector.broadcast %add3A_153 : f32 to vector<16xf32>
        %add3A_155 = arith.addf %mul3A_152, %add3A_154 : vector<16xf32>
        %mul3A_156 = arith.mulf %add3A_155, %exp3A_149 : vector<16xf32>
        %add3A_157 = arith.constant 0.283304334 : f32
        %add3A_158 = vector.broadcast %add3A_157 : f32 to vector<16xf32>
        %add3A_159 = arith.addf %mul3A_156, %add3A_158 : vector<16xf32>
        %mul3A_160 = arith.mulf %add3A_159, %exp3A_149 : vector<16xf32>
        %add3A_161 = arith.constant -0.489156842 : f32
        %add3A_162 = vector.broadcast %add3A_161 : f32 to vector<16xf32>
        %add3A_163 = arith.addf %mul3A_160, %add3A_162 : vector<16xf32>
        %mul3A_164 = arith.mulf %add3A_163, %exp3A_149 : vector<16xf32>
        %add3A_165 = arith.constant 0.999010443 : f32
        %add3A_166 = vector.broadcast %add3A_165 : f32 to vector<16xf32>
        %add3A_167 = arith.addf %mul3A_164, %add3A_166 : vector<16xf32>
        %mul3A_168 = arith.mulf %add3A_167, %exp3A_149 : vector<16xf32>
        %add3A_169 = arith.constant 2.21170303E-5 : f32
        %add3A_170 = vector.broadcast %add3A_169 : f32 to vector<16xf32>
        %add3A_171 = arith.addf %mul3A_168, %add3A_170 : vector<16xf32>
        %max3A_172 = arith.constant 0.000000e+00 : f32
        %max3A_173 = vector.broadcast %max3A_172 : f32 to vector<16xf32>
        %max3A_174 = arith.maximumf %get3A_144, %max3A_173 : vector<16xf32>
        %add3A_175 = arith.addf %max3A_174, %add3A_171 : vector<16xf32>
        %sub3A_176 = arith.subf %get3A_144, %add3A_175 : vector<16xf32>
        %exp3A_177 = math.exp %sub3A_176 : vector<16xf32>
        %add3A_178 = arith.constant 16 : i32
        %add3A_179 = vector.broadcast %add3A_178 : i32 to vector<16xi32>
        %add3A_180 = arith.addi %add3A_179, %iota3A : vector<16xi32>
        %eq3A_181 = arith.cmpi eq, %add3A_180, %gather3A_84 : vector<16xi32>
        %jit3A_182 = arith.constant 0.000000e+00 : f32
        %broadcast_in_dim3A_183 = vector.broadcast %jit3A_182 : f32 to vector<16xf32>
        %select_n3A_184 = arith.select %eq3A_181, %gather3A_94, %broadcast_in_dim3A_183 : vector<16xi1>, vector<16xf32>
        %sub3A_185 = arith.subf %exp3A_177, %select_n3A_184 : vector<16xf32>
        %mul3A_186 = arith.mulf %get3A_144, %select_n3A_184 : vector<16xf32>
        %sub3A_187 = arith.subf %add3A_175, %mul3A_186 : vector<16xf32>
        %mul3A_188 = arith.mulf %sub3A_187, %sub3A_185 : vector<16xf32>
        %mul3A_189 = arith.mulf %mul3A_188, %sub3A_185 : vector<16xf32>
        %add3A_190 = arith.addf %add3A_140, %mul3A_189 : vector<16xf32>
        %get3A_191 = arith.index_cast %add3A_97 : i32 to index
        %get3A_192 = arith.constant 32 : index
        %get3A_193 = tpu.vector_load %arg5[%get3A_191, %get3A_192] {strides = array<i32>} : memref<160x80xf32, #tpu.memory_space<vmem>>, vector<1x16xf32>,
        %get3A_194 = vector.shape_cast %get3A_193 : vector<1x16xf32> to vector<16xf32>
        %abs3A_195 = math.absf %get3A_194 : vector<16xf32>
        %neg3A_196 = arith.constant 0.000000e+00 : f32
        %neg3A_197 = vector.broadcast %neg3A_196 : f32 to vector<16xf32>
        %neg3A_198 = arith.subf %neg3A_197, %abs3A_195 : vector<16xf32>
        %exp3A_199 = math.exp %neg3A_198 : vector<16xf32>
        %broadcast_in_dim3A_200 = arith.constant 0.0301026255 : f32
        %broadcast_in_dim3A_201 = vector.broadcast %broadcast_in_dim3A_200 : f32 to vector<16xf32>
        %mul3A_202 = arith.mulf %broadcast_in_dim3A_201, %exp3A_199 : vector<16xf32>
        %add3A_203 = arith.constant -0.130119413 : f32
        %add3A_204 = vector.broadcast %add3A_203 : f32 to vector<16xf32>
        %add3A_205 = arith.addf %mul3A_202, %add3A_204 : vector<16xf32>
        %mul3A_206 = arith.mulf %add3A_205, %exp3A_199 : vector<16xf32>
        %add3A_207 = arith.constant 0.283304334 : f32
        %add3A_208 = vector.broadcast %add3A_207 : f32 to vector<16xf32>
        %add3A_209 = arith.addf %mul3A_206, %add3A_208 : vector<16xf32>
        %mul3A_210 = arith.mulf %add3A_209, %exp3A_199 : vector<16xf32>
        %add3A_211 = arith.constant -0.489156842 : f32
        %add3A_212 = vector.broadcast %add3A_211 : f32 to vector<16xf32>
        %add3A_213 = arith.addf %mul3A_210, %add3A_212 : vector<16xf32>
        %mul3A_214 = arith.mulf %add3A_213, %exp3A_199 : vector<16xf32>
        %add3A_215 = arith.constant 0.999010443 : f32
        %add3A_216 = vector.broadcast %add3A_215 : f32 to vector<16xf32>
        %add3A_217 = arith.addf %mul3A_214, %add3A_216 : vector<16xf32>
        %mul3A_218 = arith.mulf %add3A_217, %exp3A_199 : vector<16xf32>
        %add3A_219 = arith.constant 2.21170303E-5 : f32
        %add3A_220 = vector.broadcast %add3A_219 : f32 to vector<16xf32>
        %add3A_221 = arith.addf %mul3A_218, %add3A_220 : vector<16xf32>
        %max3A_222 = arith.constant 0.000000e+00 : f32
        %max3A_223 = vector.broadcast %max3A_222 : f32 to vector<16xf32>
        %max3A_224 = arith.maximumf %get3A_194, %max3A_223 : vector<16xf32>
        %add3A_225 = arith.addf %max3A_224, %add3A_221 : vector<16xf32>
        %sub3A_226 = arith.subf %get3A_194, %add3A_225 : vector<16xf32>
        %exp3A_227 = math.exp %sub3A_226 : vector<16xf32>
        %add3A_228 = arith.constant 32 : i32
        %add3A_229 = vector.broadcast %add3A_228 : i32 to vector<16xi32>
        %add3A_230 = arith.addi %add3A_229, %iota3A : vector<16xi32>
        %eq3A_231 = arith.cmpi eq, %add3A_230, %gather3A_84 : vector<16xi32>
        %jit3A_232 = arith.constant 0.000000e+00 : f32
        %broadcast_in_dim3A_233 = vector.broadcast %jit3A_232 : f32 to vector<16xf32>
        %select_n3A_234 = arith.select %eq3A_231, %gather3A_94, %broadcast_in_dim3A_233 : vector<16xi1>, vector<16xf32>
        %sub3A_235 = arith.subf %exp3A_227, %select_n3A_234 : vector<16xf32>
        %mul3A_236 = arith.mulf %get3A_194, %select_n3A_234 : vector<16xf32>
        %sub3A_237 = arith.subf %add3A_225, %mul3A_236 : vector<16xf32>
        %mul3A_238 = arith.mulf %sub3A_237, %sub3A_235 : vector<16xf32>
        %mul3A_239 = arith.mulf %mul3A_238, %sub3A_235 : vector<16xf32>
        %add3A_240 = arith.addf %add3A_190, %mul3A_239 : vector<16xf32>
        %get3A_241 = arith.index_cast %add3A_97 : i32 to index
        %get3A_242 = arith.constant 48 : index
        %get3A_243 = tpu.vector_load %arg5[%get3A_241, %get3A_242] {strides = array<i32>} : memref<160x80xf32, #tpu.memory_space<vmem>>, vector<1x16xf32>,
        %get3A_244 = vector.shape_cast %get3A_243 : vector<1x16xf32> to vector<16xf32>
        %abs3A_245 = math.absf %get3A_244 : vector<16xf32>
        %neg3A_246 = arith.constant 0.000000e+00 : f32
        %neg3A_247 = vector.broadcast %neg3A_246 : f32 to vector<16xf32>
        %neg3A_248 = arith.subf %neg3A_247, %abs3A_245 : vector<16xf32>
        %exp3A_249 = math.exp %neg3A_248 : vector<16xf32>
        %broadcast_in_dim3A_250 = arith.constant 0.0301026255 : f32
        %broadcast_in_dim3A_251 = vector.broadcast %broadcast_in_dim3A_250 : f32 to vector<16xf32>
        %mul3A_252 = arith.mulf %broadcast_in_dim3A_251, %exp3A_249 : vector<16xf32>
        %add3A_253 = arith.constant -0.130119413 : f32
        %add3A_254 = vector.broadcast %add3A_253 : f32 to vector<16xf32>
        %add3A_255 = arith.addf %mul3A_252, %add3A_254 : vector<16xf32>
        %mul3A_256 = arith.mulf %add3A_255, %exp3A_249 : vector<16xf32>
        %add3A_257 = arith.constant 0.283304334 : f32
        %add3A_258 = vector.broadcast %add3A_257 : f32 to vector<16xf32>
        %add3A_259 = arith.addf %mul3A_256, %add3A_258 : vector<16xf32>
        %mul3A_260 = arith.mulf %add3A_259, %exp3A_249 : vector<16xf32>
        %add3A_261 = arith.constant -0.489156842 : f32
        %add3A_262 = vector.broadcast %add3A_261 : f32 to vector<16xf32>
        %add3A_263 = arith.addf %mul3A_260, %add3A_262 : vector<16xf32>
        %mul3A_264 = arith.mulf %add3A_263, %exp3A_249 : vector<16xf32>
        %add3A_265 = arith.constant 0.999010443 : f32
        %add3A_266 = vector.broadcast %add3A_265 : f32 to vector<16xf32>
        %add3A_267 = arith.addf %mul3A_264, %add3A_266 : vector<16xf32>
        %mul3A_268 = arith.mulf %add3A_267, %exp3A_249 : vector<16xf32>
        %add3A_269 = arith.constant 2.21170303E-5 : f32
        %add3A_270 = vector.broadcast %add3A_269 : f32 to vector<16xf32>
        %add3A_271 = arith.addf %mul3A_268, %add3A_270 : vector<16xf32>
        %max3A_272 = arith.constant 0.000000e+00 : f32
        %max3A_273 = vector.broadcast %max3A_272 : f32 to vector<16xf32>
        %max3A_274 = arith.maximumf %get3A_244, %max3A_273 : vector<16xf32>
        %add3A_275 = arith.addf %max3A_274, %add3A_271 : vector<16xf32>
        %sub3A_276 = arith.subf %get3A_244, %add3A_275 : vector<16xf32>
        %exp3A_277 = math.exp %sub3A_276 : vector<16xf32>
        %add3A_278 = arith.constant 48 : i32
        %add3A_279 = vector.broadcast %add3A_278 : i32 to vector<16xi32>
        %add3A_280 = arith.addi %add3A_279, %iota3A : vector<16xi32>
        %eq3A_281 = arith.cmpi eq, %add3A_280, %gather3A_84 : vector<16xi32>
        %jit3A_282 = arith.constant 0.000000e+00 : f32
        %broadcast_in_dim3A_283 = vector.broadcast %jit3A_282 : f32 to vector<16xf32>
        %select_n3A_284 = arith.select %eq3A_281, %gather3A_94, %broadcast_in_dim3A_283 : vector<16xi1>, vector<16xf32>
        %sub3A_285 = arith.subf %exp3A_277, %select_n3A_284 : vector<16xf32>
        %mul3A_286 = arith.mulf %get3A_244, %select_n3A_284 : vector<16xf32>
        %sub3A_287 = arith.subf %add3A_275, %mul3A_286 : vector<16xf32>
        %mul3A_288 = arith.mulf %sub3A_287, %sub3A_285 : vector<16xf32>
        %mul3A_289 = arith.mulf %mul3A_288, %sub3A_285 : vector<16xf32>
        %add3A_290 = arith.addf %add3A_240, %mul3A_289 : vector<16xf32>
        %get3A_291 = arith.index_cast %add3A_97 : i32 to index
        %get3A_292 = arith.constant 64 : index
        %get3A_293 = tpu.vector_load %arg5[%get3A_291, %get3A_292] {strides = array<i32>} : memref<160x80xf32, #tpu.memory_space<vmem>>, vector<1x16xf32>,
        %get3A_294 = vector.shape_cast %get3A_293 : vector<1x16xf32> to vector<16xf32>
        %abs3A_295 = math.absf %get3A_294 : vector<16xf32>
        %neg3A_296 = arith.constant 0.000000e+00 : f32
        %neg3A_297 = vector.broadcast %neg3A_296 : f32 to vector<16xf32>
        %neg3A_298 = arith.subf %neg3A_297, %abs3A_295 : vector<16xf32>
        %exp3A_299 = math.exp %neg3A_298 : vector<16xf32>
        %broadcast_in_dim3A_300 = arith.constant 0.0301026255 : f32
        %broadcast_in_dim3A_301 = vector.broadcast %broadcast_in_dim3A_300 : f32 to vector<16xf32>
        %mul3A_302 = arith.mulf %broadcast_in_dim3A_301, %exp3A_299 : vector<16xf32>
        %add3A_303 = arith.constant -0.130119413 : f32
        %add3A_304 = vector.broadcast %add3A_303 : f32 to vector<16xf32>
        %add3A_305 = arith.addf %mul3A_302, %add3A_304 : vector<16xf32>
        %mul3A_306 = arith.mulf %add3A_305, %exp3A_299 : vector<16xf32>
        %add3A_307 = arith.constant 0.283304334 : f32
        %add3A_308 = vector.broadcast %add3A_307 : f32 to vector<16xf32>
        %add3A_309 = arith.addf %mul3A_306, %add3A_308 : vector<16xf32>
        %mul3A_310 = arith.mulf %add3A_309, %exp3A_299 : vector<16xf32>
        %add3A_311 = arith.constant -0.489156842 : f32
        %add3A_312 = vector.broadcast %add3A_311 : f32 to vector<16xf32>
        %add3A_313 = arith.addf %mul3A_310, %add3A_312 : vector<16xf32>
        %mul3A_314 = arith.mulf %add3A_313, %exp3A_299 : vector<16xf32>
        %add3A_315 = arith.constant 0.999010443 : f32
        %add3A_316 = vector.broadcast %add3A_315 : f32 to vector<16xf32>
        %add3A_317 = arith.addf %mul3A_314, %add3A_316 : vector<16xf32>
        %mul3A_318 = arith.mulf %add3A_317, %exp3A_299 : vector<16xf32>
        %add3A_319 = arith.constant 2.21170303E-5 : f32
        %add3A_320 = vector.broadcast %add3A_319 : f32 to vector<16xf32>
        %add3A_321 = arith.addf %mul3A_318, %add3A_320 : vector<16xf32>
        %max3A_322 = arith.constant 0.000000e+00 : f32
        %max3A_323 = vector.broadcast %max3A_322 : f32 to vector<16xf32>
        %max3A_324 = arith.maximumf %get3A_294, %max3A_323 : vector<16xf32>
        %add3A_325 = arith.addf %max3A_324, %add3A_321 : vector<16xf32>
        %sub3A_326 = arith.subf %get3A_294, %add3A_325 : vector<16xf32>
        %exp3A_327 = math.exp %sub3A_326 : vector<16xf32>
        %add3A_328 = arith.constant 64 : i32
        %add3A_329 = vector.broadcast %add3A_328 : i32 to vector<16xi32>
        %add3A_330 = arith.addi %add3A_329, %iota3A : vector<16xi32>
        %eq3A_331 = arith.cmpi eq, %add3A_330, %gather3A_84 : vector<16xi32>
        %jit3A_332 = arith.constant 0.000000e+00 : f32
        %broadcast_in_dim3A_333 = vector.broadcast %jit3A_332 : f32 to vector<16xf32>
        %select_n3A_334 = arith.select %eq3A_331, %gather3A_94, %broadcast_in_dim3A_333 : vector<16xi1>, vector<16xf32>
        %sub3A_335 = arith.subf %exp3A_327, %select_n3A_334 : vector<16xf32>
        %mul3A_336 = arith.mulf %get3A_294, %select_n3A_334 : vector<16xf32>
        %sub3A_337 = arith.subf %add3A_325, %mul3A_336 : vector<16xf32>
        %mul3A_338 = arith.mulf %sub3A_337, %sub3A_335 : vector<16xf32>
        %mul3A_339 = arith.mulf %mul3A_338, %sub3A_335 : vector<16xf32>
        %add3A_340 = arith.addf %add3A_290, %mul3A_339 : vector<16xf32>
        scf.yield %add3A_340 : vector<16xf32>
      }
      %scan3A_74 = arith.constant 16 : i32
      scf.yield %scan3A_73 : vector<16xf32>
    }
    %scan3A_36 = arith.constant 10 : i32
    %add3A_37 = arith.constant 640 : i32
    %add3A_38 = arith.addi %add3A_4, %add3A_37 : i32
    "tpu.region"() ({
      %run_scoped3A = tpu.sem_alloc : memref<!tpu.dma_semaphore, #tpu.memory_space<semaphore_mem>>
      %dma_start3A = tpu.memref_slice %arg2[%add3A_38] : memref<100000xi32, #tpu.memory_space<hbm>> -> memref<160xi32, #tpu.memory_space<hbm>>
      %dma_start3A_58 = tpu.memref_slice %arg2[%add3A_38] : memref<100000xi32, #tpu.memory_space<hbm>> -> memref<160xi32, #tpu.memory_space<hbm>>
      tpu.enqueue_dma source(%dma_start3A_58 : memref<160xi32, #tpu.memory_space<hbm>>) target(%arg6 : memref<160xi32, #tpu.memory_space<vmem>>) target_semaphore(%run_scoped3A : memref<!tpu.dma_semaphore, #tpu.memory_space<semaphore_mem>>)
      %dma_wait3A = tpu.memref_slice %arg2[%add3A_38] : memref<100000xi32, #tpu.memory_space<hbm>> -> memref<160xi32, #tpu.memory_space<hbm>>
      %dma_wait3A_59 = tpu.memref_slice %arg2[%add3A_38] : memref<100000xi32, #tpu.memory_space<hbm>> -> memref<160xi32, #tpu.memory_space<hbm>>
      tpu.wait_dma2 semaphore(%run_scoped3A : memref<!tpu.dma_semaphore, #tpu.memory_space<semaphore_mem>>) src(%dma_wait3A_59 : memref<160xi32, #tpu.memory_space<hbm>>) dst(%arg6 : memref<160xi32, #tpu.memory_space<vmem>>)
      tpu.yield
    }) : () -> ()
    "tpu.region"() ({
      %run_scoped3A = tpu.sem_alloc : memref<!tpu.dma_semaphore, #tpu.memory_space<semaphore_mem>>
      %dma_start3A = tpu.memref_slice %arg3[%add3A_38] : memref<100000xf32, #tpu.memory_space<hbm>> -> memref<160xf32, #tpu.memory_space<hbm>>
      %dma_start3A_58 = tpu.memref_slice %arg3[%add3A_38] : memref<100000xf32, #tpu.memory_space<hbm>> -> memref<160xf32, #tpu.memory_space<hbm>>
      tpu.enqueue_dma source(%dma_start3A_58 : memref<160xf32, #tpu.memory_space<hbm>>) target(%arg7 : memref<160xf32, #tpu.memory_space<vmem>>) target_semaphore(%run_scoped3A : memref<!tpu.dma_semaphore, #tpu.memory_space<semaphore_mem>>)
      %dma_wait3A = tpu.memref_slice %arg3[%add3A_38] : memref<100000xf32, #tpu.memory_space<hbm>> -> memref<160xf32, #tpu.memory_space<hbm>>
      %dma_wait3A_59 = tpu.memref_slice %arg3[%add3A_38] : memref<100000xf32, #tpu.memory_space<hbm>> -> memref<160xf32, #tpu.memory_space<hbm>>
      tpu.wait_dma2 semaphore(%run_scoped3A : memref<!tpu.dma_semaphore, #tpu.memory_space<semaphore_mem>>) src(%dma_wait3A_59 : memref<160xf32, #tpu.memory_space<hbm>>) dst(%arg7 : memref<160xf32, #tpu.memory_space<vmem>>)
      tpu.yield
    }) : () -> ()
    %scan3A_39 = arith.constant 0 : i32
    %scan3A_40 = arith.constant 10 : i32
    %scan3A_41 = arith.addi %scan3A_39, %scan3A_40 : i32
    %scan3A_42 = arith.constant 1 : i32
    %scan3A_43 = scf.for %scan3A_58 = %scan3A_39 to %scan3A_41 step %scan3A_42 iter_args(%scan3A_59 = %scan3A_35) -> (vector<16xf32>)  : i32 {
      %mul3A_60 = arith.constant 16 : i32
      %mul3A_61 = arith.muli %scan3A_58, %mul3A_60 : i32
      %get3A = arith.index_cast %mul3A_61 : i32 to index
      %get3A_62 = tpu.vector_load %arg6[%get3A] {strides = array<i32>} : memref<160xi32, #tpu.memory_space<vmem>>, vector<16xi32>,
      %get3A_63 = vector.shape_cast %get3A_62 : vector<16xi32> to vector<16xi32>
      %mul3A_64 = arith.constant 16 : i32
      %mul3A_65 = arith.muli %scan3A_58, %mul3A_64 : i32
      %get3A_66 = arith.index_cast %mul3A_65 : i32 to index
      %get3A_67 = tpu.vector_load %arg7[%get3A_66] {strides = array<i32>} : memref<160xf32, #tpu.memory_space<vmem>>, vector<16xf32>,
      %get3A_68 = vector.shape_cast %get3A_67 : vector<16xf32> to vector<16xf32>
      %scan3A_69 = arith.constant 0 : i32
      %scan3A_70 = arith.constant 16 : i32
      %scan3A_71 = arith.addi %scan3A_69, %scan3A_70 : i32
      %scan3A_72 = arith.constant 1 : i32
      %scan3A_73 = scf.for %scan3A_75 = %scan3A_69 to %scan3A_71 step %scan3A_72 iter_args(%scan3A_76 = %scan3A_59) -> (vector<16xf32>)  : i32 {
        %broadcast_in_dim3A_77 = vector.broadcast %scan3A_75 : i32 to vector<16xi32>
        %lt3A = arith.constant 0 : i32
        %lt3A_78 = vector.broadcast %lt3A : i32 to vector<16xi32>
        %lt3A_79 = arith.cmpi slt, %broadcast_in_dim3A_77, %lt3A_78 : vector<16xi32>
        %add3A_80 = arith.constant 16 : i32
        %add3A_81 = vector.broadcast %add3A_80 : i32 to vector<16xi32>
        %add3A_82 = arith.addi %broadcast_in_dim3A_77, %add3A_81 : vector<16xi32>
        %select_n3A = arith.select %lt3A_79, %add3A_82, %broadcast_in_dim3A_77 : vector<16xi1>, vector<16xi32>
        %broadcast_in_dim3A_83 = vector.shape_cast %select_n3A : vector<16xi32> to vector<16x1xi32>
        %gather3A = vector.shape_cast %broadcast_in_dim3A_83 : vector<16x1xi32> to vector<16xi32>
        %gather3A_84 = tpu.dynamic_gather %get3A_63[%gather3A] in [0] : vector<16xi32>, vector<16xi32> -> vector<16xi32>
        %lt3A_85 = arith.constant 0 : i32
        %lt3A_86 = vector.broadcast %lt3A_85 : i32 to vector<16xi32>
        %lt3A_87 = arith.cmpi slt, %broadcast_in_dim3A_77, %lt3A_86 : vector<16xi32>
        %add3A_88 = arith.constant 16 : i32
        %add3A_89 = vector.broadcast %add3A_88 : i32 to vector<16xi32>
        %add3A_90 = arith.addi %broadcast_in_dim3A_77, %add3A_89 : vector<16xi32>
        %select_n3A_91 = arith.select %lt3A_87, %add3A_90, %broadcast_in_dim3A_77 : vector<16xi1>, vector<16xi32>
        %broadcast_in_dim3A_92 = vector.shape_cast %select_n3A_91 : vector<16xi32> to vector<16x1xi32>
        %gather3A_93 = vector.shape_cast %broadcast_in_dim3A_92 : vector<16x1xi32> to vector<16xi32>
        %gather3A_94 = tpu.dynamic_gather %get3A_68[%gather3A_93] in [0] : vector<16xf32>, vector<16xi32> -> vector<16xf32>
        %mul3A_95 = arith.constant 16 : i32
        %mul3A_96 = arith.muli %scan3A_58, %mul3A_95 : i32
        %add3A_97 = arith.addi %mul3A_96, %scan3A_75 : i32
        %get3A_98 = arith.index_cast %add3A_97 : i32 to index
        %get3A_99 = arith.constant 0 : index
        %get3A_100 = tpu.vector_load %arg5[%get3A_98, %get3A_99] {strides = array<i32>} : memref<160x80xf32, #tpu.memory_space<vmem>>, vector<1x16xf32>,
        %get3A_101 = vector.shape_cast %get3A_100 : vector<1x16xf32> to vector<16xf32>
        %abs3A = math.absf %get3A_101 : vector<16xf32>
        %neg3A = arith.constant 0.000000e+00 : f32
        %neg3A_102 = vector.broadcast %neg3A : f32 to vector<16xf32>
        %neg3A_103 = arith.subf %neg3A_102, %abs3A : vector<16xf32>
        %exp3A = math.exp %neg3A_103 : vector<16xf32>
        %broadcast_in_dim3A_104 = arith.constant 0.0301026255 : f32
        %broadcast_in_dim3A_105 = vector.broadcast %broadcast_in_dim3A_104 : f32 to vector<16xf32>
        %mul3A_106 = arith.mulf %broadcast_in_dim3A_105, %exp3A : vector<16xf32>
        %add3A_107 = arith.constant -0.130119413 : f32
        %add3A_108 = vector.broadcast %add3A_107 : f32 to vector<16xf32>
        %add3A_109 = arith.addf %mul3A_106, %add3A_108 : vector<16xf32>
        %mul3A_110 = arith.mulf %add3A_109, %exp3A : vector<16xf32>
        %add3A_111 = arith.constant 0.283304334 : f32
        %add3A_112 = vector.broadcast %add3A_111 : f32 to vector<16xf32>
        %add3A_113 = arith.addf %mul3A_110, %add3A_112 : vector<16xf32>
        %mul3A_114 = arith.mulf %add3A_113, %exp3A : vector<16xf32>
        %add3A_115 = arith.constant -0.489156842 : f32
        %add3A_116 = vector.broadcast %add3A_115 : f32 to vector<16xf32>
        %add3A_117 = arith.addf %mul3A_114, %add3A_116 : vector<16xf32>
        %mul3A_118 = arith.mulf %add3A_117, %exp3A : vector<16xf32>
        %add3A_119 = arith.constant 0.999010443 : f32
        %add3A_120 = vector.broadcast %add3A_119 : f32 to vector<16xf32>
        %add3A_121 = arith.addf %mul3A_118, %add3A_120 : vector<16xf32>
        %mul3A_122 = arith.mulf %add3A_121, %exp3A : vector<16xf32>
        %add3A_123 = arith.constant 2.21170303E-5 : f32
        %add3A_124 = vector.broadcast %add3A_123 : f32 to vector<16xf32>
        %add3A_125 = arith.addf %mul3A_122, %add3A_124 : vector<16xf32>
        %max3A = arith.constant 0.000000e+00 : f32
        %max3A_126 = vector.broadcast %max3A : f32 to vector<16xf32>
        %max3A_127 = arith.maximumf %get3A_101, %max3A_126 : vector<16xf32>
        %add3A_128 = arith.addf %max3A_127, %add3A_125 : vector<16xf32>
        %sub3A = arith.subf %get3A_101, %add3A_128 : vector<16xf32>
        %exp3A_129 = math.exp %sub3A : vector<16xf32>
        %add3A_130 = arith.constant 0 : i32
        %add3A_131 = vector.broadcast %add3A_130 : i32 to vector<16xi32>
        %add3A_132 = arith.addi %add3A_131, %iota3A : vector<16xi32>
        %eq3A = arith.cmpi eq, %add3A_132, %gather3A_84 : vector<16xi32>
        %jit3A = arith.constant 0.000000e+00 : f32
        %broadcast_in_dim3A_133 = vector.broadcast %jit3A : f32 to vector<16xf32>
        %select_n3A_134 = arith.select %eq3A, %gather3A_94, %broadcast_in_dim3A_133 : vector<16xi1>, vector<16xf32>
        %sub3A_135 = arith.subf %exp3A_129, %select_n3A_134 : vector<16xf32>
        %mul3A_136 = arith.mulf %get3A_101, %select_n3A_134 : vector<16xf32>
        %sub3A_137 = arith.subf %add3A_128, %mul3A_136 : vector<16xf32>
        %mul3A_138 = arith.mulf %sub3A_137, %sub3A_135 : vector<16xf32>
        %mul3A_139 = arith.mulf %mul3A_138, %sub3A_135 : vector<16xf32>
        %add3A_140 = arith.addf %scan3A_76, %mul3A_139 : vector<16xf32>
        %get3A_141 = arith.index_cast %add3A_97 : i32 to index
        %get3A_142 = arith.constant 16 : index
        %get3A_143 = tpu.vector_load %arg5[%get3A_141, %get3A_142] {strides = array<i32>} : memref<160x80xf32, #tpu.memory_space<vmem>>, vector<1x16xf32>,
        %get3A_144 = vector.shape_cast %get3A_143 : vector<1x16xf32> to vector<16xf32>
        %abs3A_145 = math.absf %get3A_144 : vector<16xf32>
        %neg3A_146 = arith.constant 0.000000e+00 : f32
        %neg3A_147 = vector.broadcast %neg3A_146 : f32 to vector<16xf32>
        %neg3A_148 = arith.subf %neg3A_147, %abs3A_145 : vector<16xf32>
        %exp3A_149 = math.exp %neg3A_148 : vector<16xf32>
        %broadcast_in_dim3A_150 = arith.constant 0.0301026255 : f32
        %broadcast_in_dim3A_151 = vector.broadcast %broadcast_in_dim3A_150 : f32 to vector<16xf32>
        %mul3A_152 = arith.mulf %broadcast_in_dim3A_151, %exp3A_149 : vector<16xf32>
        %add3A_153 = arith.constant -0.130119413 : f32
        %add3A_154 = vector.broadcast %add3A_153 : f32 to vector<16xf32>
        %add3A_155 = arith.addf %mul3A_152, %add3A_154 : vector<16xf32>
        %mul3A_156 = arith.mulf %add3A_155, %exp3A_149 : vector<16xf32>
        %add3A_157 = arith.constant 0.283304334 : f32
        %add3A_158 = vector.broadcast %add3A_157 : f32 to vector<16xf32>
        %add3A_159 = arith.addf %mul3A_156, %add3A_158 : vector<16xf32>
        %mul3A_160 = arith.mulf %add3A_159, %exp3A_149 : vector<16xf32>
        %add3A_161 = arith.constant -0.489156842 : f32
        %add3A_162 = vector.broadcast %add3A_161 : f32 to vector<16xf32>
        %add3A_163 = arith.addf %mul3A_160, %add3A_162 : vector<16xf32>
        %mul3A_164 = arith.mulf %add3A_163, %exp3A_149 : vector<16xf32>
        %add3A_165 = arith.constant 0.999010443 : f32
        %add3A_166 = vector.broadcast %add3A_165 : f32 to vector<16xf32>
        %add3A_167 = arith.addf %mul3A_164, %add3A_166 : vector<16xf32>
        %mul3A_168 = arith.mulf %add3A_167, %exp3A_149 : vector<16xf32>
        %add3A_169 = arith.constant 2.21170303E-5 : f32
        %add3A_170 = vector.broadcast %add3A_169 : f32 to vector<16xf32>
        %add3A_171 = arith.addf %mul3A_168, %add3A_170 : vector<16xf32>
        %max3A_172 = arith.constant 0.000000e+00 : f32
        %max3A_173 = vector.broadcast %max3A_172 : f32 to vector<16xf32>
        %max3A_174 = arith.maximumf %get3A_144, %max3A_173 : vector<16xf32>
        %add3A_175 = arith.addf %max3A_174, %add3A_171 : vector<16xf32>
        %sub3A_176 = arith.subf %get3A_144, %add3A_175 : vector<16xf32>
        %exp3A_177 = math.exp %sub3A_176 : vector<16xf32>
        %add3A_178 = arith.constant 16 : i32
        %add3A_179 = vector.broadcast %add3A_178 : i32 to vector<16xi32>
        %add3A_180 = arith.addi %add3A_179, %iota3A : vector<16xi32>
        %eq3A_181 = arith.cmpi eq, %add3A_180, %gather3A_84 : vector<16xi32>
        %jit3A_182 = arith.constant 0.000000e+00 : f32
        %broadcast_in_dim3A_183 = vector.broadcast %jit3A_182 : f32 to vector<16xf32>
        %select_n3A_184 = arith.select %eq3A_181, %gather3A_94, %broadcast_in_dim3A_183 : vector<16xi1>, vector<16xf32>
        %sub3A_185 = arith.subf %exp3A_177, %select_n3A_184 : vector<16xf32>
        %mul3A_186 = arith.mulf %get3A_144, %select_n3A_184 : vector<16xf32>
        %sub3A_187 = arith.subf %add3A_175, %mul3A_186 : vector<16xf32>
        %mul3A_188 = arith.mulf %sub3A_187, %sub3A_185 : vector<16xf32>
        %mul3A_189 = arith.mulf %mul3A_188, %sub3A_185 : vector<16xf32>
        %add3A_190 = arith.addf %add3A_140, %mul3A_189 : vector<16xf32>
        %get3A_191 = arith.index_cast %add3A_97 : i32 to index
        %get3A_192 = arith.constant 32 : index
        %get3A_193 = tpu.vector_load %arg5[%get3A_191, %get3A_192] {strides = array<i32>} : memref<160x80xf32, #tpu.memory_space<vmem>>, vector<1x16xf32>,
        %get3A_194 = vector.shape_cast %get3A_193 : vector<1x16xf32> to vector<16xf32>
        %abs3A_195 = math.absf %get3A_194 : vector<16xf32>
        %neg3A_196 = arith.constant 0.000000e+00 : f32
        %neg3A_197 = vector.broadcast %neg3A_196 : f32 to vector<16xf32>
        %neg3A_198 = arith.subf %neg3A_197, %abs3A_195 : vector<16xf32>
        %exp3A_199 = math.exp %neg3A_198 : vector<16xf32>
        %broadcast_in_dim3A_200 = arith.constant 0.0301026255 : f32
        %broadcast_in_dim3A_201 = vector.broadcast %broadcast_in_dim3A_200 : f32 to vector<16xf32>
        %mul3A_202 = arith.mulf %broadcast_in_dim3A_201, %exp3A_199 : vector<16xf32>
        %add3A_203 = arith.constant -0.130119413 : f32
        %add3A_204 = vector.broadcast %add3A_203 : f32 to vector<16xf32>
        %add3A_205 = arith.addf %mul3A_202, %add3A_204 : vector<16xf32>
        %mul3A_206 = arith.mulf %add3A_205, %exp3A_199 : vector<16xf32>
        %add3A_207 = arith.constant 0.283304334 : f32
        %add3A_208 = vector.broadcast %add3A_207 : f32 to vector<16xf32>
        %add3A_209 = arith.addf %mul3A_206, %add3A_208 : vector<16xf32>
        %mul3A_210 = arith.mulf %add3A_209, %exp3A_199 : vector<16xf32>
        %add3A_211 = arith.constant -0.489156842 : f32
        %add3A_212 = vector.broadcast %add3A_211 : f32 to vector<16xf32>
        %add3A_213 = arith.addf %mul3A_210, %add3A_212 : vector<16xf32>
        %mul3A_214 = arith.mulf %add3A_213, %exp3A_199 : vector<16xf32>
        %add3A_215 = arith.constant 0.999010443 : f32
        %add3A_216 = vector.broadcast %add3A_215 : f32 to vector<16xf32>
        %add3A_217 = arith.addf %mul3A_214, %add3A_216 : vector<16xf32>
        %mul3A_218 = arith.mulf %add3A_217, %exp3A_199 : vector<16xf32>
        %add3A_219 = arith.constant 2.21170303E-5 : f32
        %add3A_220 = vector.broadcast %add3A_219 : f32 to vector<16xf32>
        %add3A_221 = arith.addf %mul3A_218, %add3A_220 : vector<16xf32>
        %max3A_222 = arith.constant 0.000000e+00 : f32
        %max3A_223 = vector.broadcast %max3A_222 : f32 to vector<16xf32>
        %max3A_224 = arith.maximumf %get3A_194, %max3A_223 : vector<16xf32>
        %add3A_225 = arith.addf %max3A_224, %add3A_221 : vector<16xf32>
        %sub3A_226 = arith.subf %get3A_194, %add3A_225 : vector<16xf32>
        %exp3A_227 = math.exp %sub3A_226 : vector<16xf32>
        %add3A_228 = arith.constant 32 : i32
        %add3A_229 = vector.broadcast %add3A_228 : i32 to vector<16xi32>
        %add3A_230 = arith.addi %add3A_229, %iota3A : vector<16xi32>
        %eq3A_231 = arith.cmpi eq, %add3A_230, %gather3A_84 : vector<16xi32>
        %jit3A_232 = arith.constant 0.000000e+00 : f32
        %broadcast_in_dim3A_233 = vector.broadcast %jit3A_232 : f32 to vector<16xf32>
        %select_n3A_234 = arith.select %eq3A_231, %gather3A_94, %broadcast_in_dim3A_233 : vector<16xi1>, vector<16xf32>
        %sub3A_235 = arith.subf %exp3A_227, %select_n3A_234 : vector<16xf32>
        %mul3A_236 = arith.mulf %get3A_194, %select_n3A_234 : vector<16xf32>
        %sub3A_237 = arith.subf %add3A_225, %mul3A_236 : vector<16xf32>
        %mul3A_238 = arith.mulf %sub3A_237, %sub3A_235 : vector<16xf32>
        %mul3A_239 = arith.mulf %mul3A_238, %sub3A_235 : vector<16xf32>
        %add3A_240 = arith.addf %add3A_190, %mul3A_239 : vector<16xf32>
        %get3A_241 = arith.index_cast %add3A_97 : i32 to index
        %get3A_242 = arith.constant 48 : index
        %get3A_243 = tpu.vector_load %arg5[%get3A_241, %get3A_242] {strides = array<i32>} : memref<160x80xf32, #tpu.memory_space<vmem>>, vector<1x16xf32>,
        %get3A_244 = vector.shape_cast %get3A_243 : vector<1x16xf32> to vector<16xf32>
        %abs3A_245 = math.absf %get3A_244 : vector<16xf32>
        %neg3A_246 = arith.constant 0.000000e+00 : f32
        %neg3A_247 = vector.broadcast %neg3A_246 : f32 to vector<16xf32>
        %neg3A_248 = arith.subf %neg3A_247, %abs3A_245 : vector<16xf32>
        %exp3A_249 = math.exp %neg3A_248 : vector<16xf32>
        %broadcast_in_dim3A_250 = arith.constant 0.0301026255 : f32
        %broadcast_in_dim3A_251 = vector.broadcast %broadcast_in_dim3A_250 : f32 to vector<16xf32>
        %mul3A_252 = arith.mulf %broadcast_in_dim3A_251, %exp3A_249 : vector<16xf32>
        %add3A_253 = arith.constant -0.130119413 : f32
        %add3A_254 = vector.broadcast %add3A_253 : f32 to vector<16xf32>
        %add3A_255 = arith.addf %mul3A_252, %add3A_254 : vector<16xf32>
        %mul3A_256 = arith.mulf %add3A_255, %exp3A_249 : vector<16xf32>
        %add3A_257 = arith.constant 0.283304334 : f32
        %add3A_258 = vector.broadcast %add3A_257 : f32 to vector<16xf32>
        %add3A_259 = arith.addf %mul3A_256, %add3A_258 : vector<16xf32>
        %mul3A_260 = arith.mulf %add3A_259, %exp3A_249 : vector<16xf32>
        %add3A_261 = arith.constant -0.489156842 : f32
        %add3A_262 = vector.broadcast %add3A_261 : f32 to vector<16xf32>
        %add3A_263 = arith.addf %mul3A_260, %add3A_262 : vector<16xf32>
        %mul3A_264 = arith.mulf %add3A_263, %exp3A_249 : vector<16xf32>
        %add3A_265 = arith.constant 0.999010443 : f32
        %add3A_266 = vector.broadcast %add3A_265 : f32 to vector<16xf32>
        %add3A_267 = arith.addf %mul3A_264, %add3A_266 : vector<16xf32>
        %mul3A_268 = arith.mulf %add3A_267, %exp3A_249 : vector<16xf32>
        %add3A_269 = arith.constant 2.21170303E-5 : f32
        %add3A_270 = vector.broadcast %add3A_269 : f32 to vector<16xf32>
        %add3A_271 = arith.addf %mul3A_268, %add3A_270 : vector<16xf32>
        %max3A_272 = arith.constant 0.000000e+00 : f32
        %max3A_273 = vector.broadcast %max3A_272 : f32 to vector<16xf32>
        %max3A_274 = arith.maximumf %get3A_244, %max3A_273 : vector<16xf32>
        %add3A_275 = arith.addf %max3A_274, %add3A_271 : vector<16xf32>
        %sub3A_276 = arith.subf %get3A_244, %add3A_275 : vector<16xf32>
        %exp3A_277 = math.exp %sub3A_276 : vector<16xf32>
        %add3A_278 = arith.constant 48 : i32
        %add3A_279 = vector.broadcast %add3A_278 : i32 to vector<16xi32>
        %add3A_280 = arith.addi %add3A_279, %iota3A : vector<16xi32>
        %eq3A_281 = arith.cmpi eq, %add3A_280, %gather3A_84 : vector<16xi32>
        %jit3A_282 = arith.constant 0.000000e+00 : f32
        %broadcast_in_dim3A_283 = vector.broadcast %jit3A_282 : f32 to vector<16xf32>
        %select_n3A_284 = arith.select %eq3A_281, %gather3A_94, %broadcast_in_dim3A_283 : vector<16xi1>, vector<16xf32>
        %sub3A_285 = arith.subf %exp3A_277, %select_n3A_284 : vector<16xf32>
        %mul3A_286 = arith.mulf %get3A_244, %select_n3A_284 : vector<16xf32>
        %sub3A_287 = arith.subf %add3A_275, %mul3A_286 : vector<16xf32>
        %mul3A_288 = arith.mulf %sub3A_287, %sub3A_285 : vector<16xf32>
        %mul3A_289 = arith.mulf %mul3A_288, %sub3A_285 : vector<16xf32>
        %add3A_290 = arith.addf %add3A_240, %mul3A_289 : vector<16xf32>
        %get3A_291 = arith.index_cast %add3A_97 : i32 to index
        %get3A_292 = arith.constant 64 : index
        %get3A_293 = tpu.vector_load %arg5[%get3A_291, %get3A_292] {strides = array<i32>} : memref<160x80xf32, #tpu.memory_space<vmem>>, vector<1x16xf32>,
        %get3A_294 = vector.shape_cast %get3A_293 : vector<1x16xf32> to vector<16xf32>
        %abs3A_295 = math.absf %get3A_294 : vector<16xf32>
        %neg3A_296 = arith.constant 0.000000e+00 : f32
        %neg3A_297 = vector.broadcast %neg3A_296 : f32 to vector<16xf32>
        %neg3A_298 = arith.subf %neg3A_297, %abs3A_295 : vector<16xf32>
        %exp3A_299 = math.exp %neg3A_298 : vector<16xf32>
        %broadcast_in_dim3A_300 = arith.constant 0.0301026255 : f32
        %broadcast_in_dim3A_301 = vector.broadcast %broadcast_in_dim3A_300 : f32 to vector<16xf32>
        %mul3A_302 = arith.mulf %broadcast_in_dim3A_301, %exp3A_299 : vector<16xf32>
        %add3A_303 = arith.constant -0.130119413 : f32
        %add3A_304 = vector.broadcast %add3A_303 : f32 to vector<16xf32>
        %add3A_305 = arith.addf %mul3A_302, %add3A_304 : vector<16xf32>
        %mul3A_306 = arith.mulf %add3A_305, %exp3A_299 : vector<16xf32>
        %add3A_307 = arith.constant 0.283304334 : f32
        %add3A_308 = vector.broadcast %add3A_307 : f32 to vector<16xf32>
        %add3A_309 = arith.addf %mul3A_306, %add3A_308 : vector<16xf32>
        %mul3A_310 = arith.mulf %add3A_309, %exp3A_299 : vector<16xf32>
        %add3A_311 = arith.constant -0.489156842 : f32
        %add3A_312 = vector.broadcast %add3A_311 : f32 to vector<16xf32>
        %add3A_313 = arith.addf %mul3A_310, %add3A_312 : vector<16xf32>
        %mul3A_314 = arith.mulf %add3A_313, %exp3A_299 : vector<16xf32>
        %add3A_315 = arith.constant 0.999010443 : f32
        %add3A_316 = vector.broadcast %add3A_315 : f32 to vector<16xf32>
        %add3A_317 = arith.addf %mul3A_314, %add3A_316 : vector<16xf32>
        %mul3A_318 = arith.mulf %add3A_317, %exp3A_299 : vector<16xf32>
        %add3A_319 = arith.constant 2.21170303E-5 : f32
        %add3A_320 = vector.broadcast %add3A_319 : f32 to vector<16xf32>
        %add3A_321 = arith.addf %mul3A_318, %add3A_320 : vector<16xf32>
        %max3A_322 = arith.constant 0.000000e+00 : f32
        %max3A_323 = vector.broadcast %max3A_322 : f32 to vector<16xf32>
        %max3A_324 = arith.maximumf %get3A_294, %max3A_323 : vector<16xf32>
        %add3A_325 = arith.addf %max3A_324, %add3A_321 : vector<16xf32>
        %sub3A_326 = arith.subf %get3A_294, %add3A_325 : vector<16xf32>
        %exp3A_327 = math.exp %sub3A_326 : vector<16xf32>
        %add3A_328 = arith.constant 64 : i32
        %add3A_329 = vector.broadcast %add3A_328 : i32 to vector<16xi32>
        %add3A_330 = arith.addi %add3A_329, %iota3A : vector<16xi32>
        %eq3A_331 = arith.cmpi eq, %add3A_330, %gather3A_84 : vector<16xi32>
        %jit3A_332 = arith.constant 0.000000e+00 : f32
        %broadcast_in_dim3A_333 = vector.broadcast %jit3A_332 : f32 to vector<16xf32>
        %select_n3A_334 = arith.select %eq3A_331, %gather3A_94, %broadcast_in_dim3A_333 : vector<16xi1>, vector<16xf32>
        %sub3A_335 = arith.subf %exp3A_327, %select_n3A_334 : vector<16xf32>
        %mul3A_336 = arith.mulf %get3A_294, %select_n3A_334 : vector<16xf32>
        %sub3A_337 = arith.subf %add3A_325, %mul3A_336 : vector<16xf32>
        %mul3A_338 = arith.mulf %sub3A_337, %sub3A_335 : vector<16xf32>
        %mul3A_339 = arith.mulf %mul3A_338, %sub3A_335 : vector<16xf32>
        %add3A_340 = arith.addf %add3A_290, %mul3A_339 : vector<16xf32>
        scf.yield %add3A_340 : vector<16xf32>
      }
      %scan3A_74 = arith.constant 16 : i32
      scf.yield %scan3A_73 : vector<16xf32>
    }
    %scan3A_44 = arith.constant 10 : i32
    %add3A_45 = arith.constant 800 : i32
    %add3A_46 = arith.addi %add3A_4, %add3A_45 : i32
    "tpu.region"() ({
      %run_scoped3A = tpu.sem_alloc : memref<!tpu.dma_semaphore, #tpu.memory_space<semaphore_mem>>
      %dma_start3A = tpu.memref_slice %arg2[%add3A_46] : memref<100000xi32, #tpu.memory_space<hbm>> -> memref<160xi32, #tpu.memory_space<hbm>>
      %dma_start3A_58 = tpu.memref_slice %arg2[%add3A_46] : memref<100000xi32, #tpu.memory_space<hbm>> -> memref<160xi32, #tpu.memory_space<hbm>>
      tpu.enqueue_dma source(%dma_start3A_58 : memref<160xi32, #tpu.memory_space<hbm>>) target(%arg6 : memref<160xi32, #tpu.memory_space<vmem>>) target_semaphore(%run_scoped3A : memref<!tpu.dma_semaphore, #tpu.memory_space<semaphore_mem>>)
      %dma_wait3A = tpu.memref_slice %arg2[%add3A_46] : memref<100000xi32, #tpu.memory_space<hbm>> -> memref<160xi32, #tpu.memory_space<hbm>>
      %dma_wait3A_59 = tpu.memref_slice %arg2[%add3A_46] : memref<100000xi32, #tpu.memory_space<hbm>> -> memref<160xi32, #tpu.memory_space<hbm>>
      tpu.wait_dma2 semaphore(%run_scoped3A : memref<!tpu.dma_semaphore, #tpu.memory_space<semaphore_mem>>) src(%dma_wait3A_59 : memref<160xi32, #tpu.memory_space<hbm>>) dst(%arg6 : memref<160xi32, #tpu.memory_space<vmem>>)
      tpu.yield
    }) : () -> ()
    "tpu.region"() ({
      %run_scoped3A = tpu.sem_alloc : memref<!tpu.dma_semaphore, #tpu.memory_space<semaphore_mem>>
      %dma_start3A = tpu.memref_slice %arg3[%add3A_46] : memref<100000xf32, #tpu.memory_space<hbm>> -> memref<160xf32, #tpu.memory_space<hbm>>
      %dma_start3A_58 = tpu.memref_slice %arg3[%add3A_46] : memref<100000xf32, #tpu.memory_space<hbm>> -> memref<160xf32, #tpu.memory_space<hbm>>
      tpu.enqueue_dma source(%dma_start3A_58 : memref<160xf32, #tpu.memory_space<hbm>>) target(%arg7 : memref<160xf32, #tpu.memory_space<vmem>>) target_semaphore(%run_scoped3A : memref<!tpu.dma_semaphore, #tpu.memory_space<semaphore_mem>>)
      %dma_wait3A = tpu.memref_slice %arg3[%add3A_46] : memref<100000xf32, #tpu.memory_space<hbm>> -> memref<160xf32, #tpu.memory_space<hbm>>
      %dma_wait3A_59 = tpu.memref_slice %arg3[%add3A_46] : memref<100000xf32, #tpu.memory_space<hbm>> -> memref<160xf32, #tpu.memory_space<hbm>>
      tpu.wait_dma2 semaphore(%run_scoped3A : memref<!tpu.dma_semaphore, #tpu.memory_space<semaphore_mem>>) src(%dma_wait3A_59 : memref<160xf32, #tpu.memory_space<hbm>>) dst(%arg7 : memref<160xf32, #tpu.memory_space<vmem>>)
      tpu.yield
    }) : () -> ()
    %scan3A_47 = arith.constant 0 : i32
    %scan3A_48 = arith.constant 10 : i32
    %scan3A_49 = arith.addi %scan3A_47, %scan3A_48 : i32
    %scan3A_50 = arith.constant 1 : i32
    %scan3A_51 = scf.for %scan3A_58 = %scan3A_47 to %scan3A_49 step %scan3A_50 iter_args(%scan3A_59 = %scan3A_43) -> (vector<16xf32>)  : i32 {
      %mul3A_60 = arith.constant 16 : i32
      %mul3A_61 = arith.muli %scan3A_58, %mul3A_60 : i32
      %get3A = arith.index_cast %mul3A_61 : i32 to index
      %get3A_62 = tpu.vector_load %arg6[%get3A] {strides = array<i32>} : memref<160xi32, #tpu.memory_space<vmem>>, vector<16xi32>,
      %get3A_63 = vector.shape_cast %get3A_62 : vector<16xi32> to vector<16xi32>
      %mul3A_64 = arith.constant 16 : i32
      %mul3A_65 = arith.muli %scan3A_58, %mul3A_64 : i32
      %get3A_66 = arith.index_cast %mul3A_65 : i32 to index
      %get3A_67 = tpu.vector_load %arg7[%get3A_66] {strides = array<i32>} : memref<160xf32, #tpu.memory_space<vmem>>, vector<16xf32>,
      %get3A_68 = vector.shape_cast %get3A_67 : vector<16xf32> to vector<16xf32>
      %scan3A_69 = arith.constant 0 : i32
      %scan3A_70 = arith.constant 16 : i32
      %scan3A_71 = arith.addi %scan3A_69, %scan3A_70 : i32
      %scan3A_72 = arith.constant 1 : i32
      %scan3A_73 = scf.for %scan3A_75 = %scan3A_69 to %scan3A_71 step %scan3A_72 iter_args(%scan3A_76 = %scan3A_59) -> (vector<16xf32>)  : i32 {
        %broadcast_in_dim3A_77 = vector.broadcast %scan3A_75 : i32 to vector<16xi32>
        %lt3A = arith.constant 0 : i32
        %lt3A_78 = vector.broadcast %lt3A : i32 to vector<16xi32>
        %lt3A_79 = arith.cmpi slt, %broadcast_in_dim3A_77, %lt3A_78 : vector<16xi32>
        %add3A_80 = arith.constant 16 : i32
        %add3A_81 = vector.broadcast %add3A_80 : i32 to vector<16xi32>
        %add3A_82 = arith.addi %broadcast_in_dim3A_77, %add3A_81 : vector<16xi32>
        %select_n3A = arith.select %lt3A_79, %add3A_82, %broadcast_in_dim3A_77 : vector<16xi1>, vector<16xi32>
        %broadcast_in_dim3A_83 = vector.shape_cast %select_n3A : vector<16xi32> to vector<16x1xi32>
        %gather3A = vector.shape_cast %broadcast_in_dim3A_83 : vector<16x1xi32> to vector<16xi32>
        %gather3A_84 = tpu.dynamic_gather %get3A_63[%gather3A] in [0] : vector<16xi32>, vector<16xi32> -> vector<16xi32>
        %lt3A_85 = arith.constant 0 : i32
        %lt3A_86 = vector.broadcast %lt3A_85 : i32 to vector<16xi32>
        %lt3A_87 = arith.cmpi slt, %broadcast_in_dim3A_77, %lt3A_86 : vector<16xi32>
        %add3A_88 = arith.constant 16 : i32
        %add3A_89 = vector.broadcast %add3A_88 : i32 to vector<16xi32>
        %add3A_90 = arith.addi %broadcast_in_dim3A_77, %add3A_89 : vector<16xi32>
        %select_n3A_91 = arith.select %lt3A_87, %add3A_90, %broadcast_in_dim3A_77 : vector<16xi1>, vector<16xi32>
        %broadcast_in_dim3A_92 = vector.shape_cast %select_n3A_91 : vector<16xi32> to vector<16x1xi32>
        %gather3A_93 = vector.shape_cast %broadcast_in_dim3A_92 : vector<16x1xi32> to vector<16xi32>
        %gather3A_94 = tpu.dynamic_gather %get3A_68[%gather3A_93] in [0] : vector<16xf32>, vector<16xi32> -> vector<16xf32>
        %mul3A_95 = arith.constant 16 : i32
        %mul3A_96 = arith.muli %scan3A_58, %mul3A_95 : i32
        %add3A_97 = arith.addi %mul3A_96, %scan3A_75 : i32
        %get3A_98 = arith.index_cast %add3A_97 : i32 to index
        %get3A_99 = arith.constant 0 : index
        %get3A_100 = tpu.vector_load %arg5[%get3A_98, %get3A_99] {strides = array<i32>} : memref<160x80xf32, #tpu.memory_space<vmem>>, vector<1x16xf32>,
        %get3A_101 = vector.shape_cast %get3A_100 : vector<1x16xf32> to vector<16xf32>
        %abs3A = math.absf %get3A_101 : vector<16xf32>
        %neg3A = arith.constant 0.000000e+00 : f32
        %neg3A_102 = vector.broadcast %neg3A : f32 to vector<16xf32>
        %neg3A_103 = arith.subf %neg3A_102, %abs3A : vector<16xf32>
        %exp3A = math.exp %neg3A_103 : vector<16xf32>
        %broadcast_in_dim3A_104 = arith.constant 0.0301026255 : f32
        %broadcast_in_dim3A_105 = vector.broadcast %broadcast_in_dim3A_104 : f32 to vector<16xf32>
        %mul3A_106 = arith.mulf %broadcast_in_dim3A_105, %exp3A : vector<16xf32>
        %add3A_107 = arith.constant -0.130119413 : f32
        %add3A_108 = vector.broadcast %add3A_107 : f32 to vector<16xf32>
        %add3A_109 = arith.addf %mul3A_106, %add3A_108 : vector<16xf32>
        %mul3A_110 = arith.mulf %add3A_109, %exp3A : vector<16xf32>
        %add3A_111 = arith.constant 0.283304334 : f32
        %add3A_112 = vector.broadcast %add3A_111 : f32 to vector<16xf32>
        %add3A_113 = arith.addf %mul3A_110, %add3A_112 : vector<16xf32>
        %mul3A_114 = arith.mulf %add3A_113, %exp3A : vector<16xf32>
        %add3A_115 = arith.constant -0.489156842 : f32
        %add3A_116 = vector.broadcast %add3A_115 : f32 to vector<16xf32>
        %add3A_117 = arith.addf %mul3A_114, %add3A_116 : vector<16xf32>
        %mul3A_118 = arith.mulf %add3A_117, %exp3A : vector<16xf32>
        %add3A_119 = arith.constant 0.999010443 : f32
        %add3A_120 = vector.broadcast %add3A_119 : f32 to vector<16xf32>
        %add3A_121 = arith.addf %mul3A_118, %add3A_120 : vector<16xf32>
        %mul3A_122 = arith.mulf %add3A_121, %exp3A : vector<16xf32>
        %add3A_123 = arith.constant 2.21170303E-5 : f32
        %add3A_124 = vector.broadcast %add3A_123 : f32 to vector<16xf32>
        %add3A_125 = arith.addf %mul3A_122, %add3A_124 : vector<16xf32>
        %max3A = arith.constant 0.000000e+00 : f32
        %max3A_126 = vector.broadcast %max3A : f32 to vector<16xf32>
        %max3A_127 = arith.maximumf %get3A_101, %max3A_126 : vector<16xf32>
        %add3A_128 = arith.addf %max3A_127, %add3A_125 : vector<16xf32>
        %sub3A = arith.subf %get3A_101, %add3A_128 : vector<16xf32>
        %exp3A_129 = math.exp %sub3A : vector<16xf32>
        %add3A_130 = arith.constant 0 : i32
        %add3A_131 = vector.broadcast %add3A_130 : i32 to vector<16xi32>
        %add3A_132 = arith.addi %add3A_131, %iota3A : vector<16xi32>
        %eq3A = arith.cmpi eq, %add3A_132, %gather3A_84 : vector<16xi32>
        %jit3A = arith.constant 0.000000e+00 : f32
        %broadcast_in_dim3A_133 = vector.broadcast %jit3A : f32 to vector<16xf32>
        %select_n3A_134 = arith.select %eq3A, %gather3A_94, %broadcast_in_dim3A_133 : vector<16xi1>, vector<16xf32>
        %sub3A_135 = arith.subf %exp3A_129, %select_n3A_134 : vector<16xf32>
        %mul3A_136 = arith.mulf %get3A_101, %select_n3A_134 : vector<16xf32>
        %sub3A_137 = arith.subf %add3A_128, %mul3A_136 : vector<16xf32>
        %mul3A_138 = arith.mulf %sub3A_137, %sub3A_135 : vector<16xf32>
        %mul3A_139 = arith.mulf %mul3A_138, %sub3A_135 : vector<16xf32>
        %add3A_140 = arith.addf %scan3A_76, %mul3A_139 : vector<16xf32>
        %get3A_141 = arith.index_cast %add3A_97 : i32 to index
        %get3A_142 = arith.constant 16 : index
        %get3A_143 = tpu.vector_load %arg5[%get3A_141, %get3A_142] {strides = array<i32>} : memref<160x80xf32, #tpu.memory_space<vmem>>, vector<1x16xf32>,
        %get3A_144 = vector.shape_cast %get3A_143 : vector<1x16xf32> to vector<16xf32>
        %abs3A_145 = math.absf %get3A_144 : vector<16xf32>
        %neg3A_146 = arith.constant 0.000000e+00 : f32
        %neg3A_147 = vector.broadcast %neg3A_146 : f32 to vector<16xf32>
        %neg3A_148 = arith.subf %neg3A_147, %abs3A_145 : vector<16xf32>
        %exp3A_149 = math.exp %neg3A_148 : vector<16xf32>
        %broadcast_in_dim3A_150 = arith.constant 0.0301026255 : f32
        %broadcast_in_dim3A_151 = vector.broadcast %broadcast_in_dim3A_150 : f32 to vector<16xf32>
        %mul3A_152 = arith.mulf %broadcast_in_dim3A_151, %exp3A_149 : vector<16xf32>
        %add3A_153 = arith.constant -0.130119413 : f32
        %add3A_154 = vector.broadcast %add3A_153 : f32 to vector<16xf32>
        %add3A_155 = arith.addf %mul3A_152, %add3A_154 : vector<16xf32>
        %mul3A_156 = arith.mulf %add3A_155, %exp3A_149 : vector<16xf32>
        %add3A_157 = arith.constant 0.283304334 : f32
        %add3A_158 = vector.broadcast %add3A_157 : f32 to vector<16xf32>
        %add3A_159 = arith.addf %mul3A_156, %add3A_158 : vector<16xf32>
        %mul3A_160 = arith.mulf %add3A_159, %exp3A_149 : vector<16xf32>
        %add3A_161 = arith.constant -0.489156842 : f32
        %add3A_162 = vector.broadcast %add3A_161 : f32 to vector<16xf32>
        %add3A_163 = arith.addf %mul3A_160, %add3A_162 : vector<16xf32>
        %mul3A_164 = arith.mulf %add3A_163, %exp3A_149 : vector<16xf32>
        %add3A_165 = arith.constant 0.999010443 : f32
        %add3A_166 = vector.broadcast %add3A_165 : f32 to vector<16xf32>
        %add3A_167 = arith.addf %mul3A_164, %add3A_166 : vector<16xf32>
        %mul3A_168 = arith.mulf %add3A_167, %exp3A_149 : vector<16xf32>
        %add3A_169 = arith.constant 2.21170303E-5 : f32
        %add3A_170 = vector.broadcast %add3A_169 : f32 to vector<16xf32>
        %add3A_171 = arith.addf %mul3A_168, %add3A_170 : vector<16xf32>
        %max3A_172 = arith.constant 0.000000e+00 : f32
        %max3A_173 = vector.broadcast %max3A_172 : f32 to vector<16xf32>
        %max3A_174 = arith.maximumf %get3A_144, %max3A_173 : vector<16xf32>
        %add3A_175 = arith.addf %max3A_174, %add3A_171 : vector<16xf32>
        %sub3A_176 = arith.subf %get3A_144, %add3A_175 : vector<16xf32>
        %exp3A_177 = math.exp %sub3A_176 : vector<16xf32>
        %add3A_178 = arith.constant 16 : i32
        %add3A_179 = vector.broadcast %add3A_178 : i32 to vector<16xi32>
        %add3A_180 = arith.addi %add3A_179, %iota3A : vector<16xi32>
        %eq3A_181 = arith.cmpi eq, %add3A_180, %gather3A_84 : vector<16xi32>
        %jit3A_182 = arith.constant 0.000000e+00 : f32
        %broadcast_in_dim3A_183 = vector.broadcast %jit3A_182 : f32 to vector<16xf32>
        %select_n3A_184 = arith.select %eq3A_181, %gather3A_94, %broadcast_in_dim3A_183 : vector<16xi1>, vector<16xf32>
        %sub3A_185 = arith.subf %exp3A_177, %select_n3A_184 : vector<16xf32>
        %mul3A_186 = arith.mulf %get3A_144, %select_n3A_184 : vector<16xf32>
        %sub3A_187 = arith.subf %add3A_175, %mul3A_186 : vector<16xf32>
        %mul3A_188 = arith.mulf %sub3A_187, %sub3A_185 : vector<16xf32>
        %mul3A_189 = arith.mulf %mul3A_188, %sub3A_185 : vector<16xf32>
        %add3A_190 = arith.addf %add3A_140, %mul3A_189 : vector<16xf32>
        %get3A_191 = arith.index_cast %add3A_97 : i32 to index
        %get3A_192 = arith.constant 32 : index
        %get3A_193 = tpu.vector_load %arg5[%get3A_191, %get3A_192] {strides = array<i32>} : memref<160x80xf32, #tpu.memory_space<vmem>>, vector<1x16xf32>,
        %get3A_194 = vector.shape_cast %get3A_193 : vector<1x16xf32> to vector<16xf32>
        %abs3A_195 = math.absf %get3A_194 : vector<16xf32>
        %neg3A_196 = arith.constant 0.000000e+00 : f32
        %neg3A_197 = vector.broadcast %neg3A_196 : f32 to vector<16xf32>
        %neg3A_198 = arith.subf %neg3A_197, %abs3A_195 : vector<16xf32>
        %exp3A_199 = math.exp %neg3A_198 : vector<16xf32>
        %broadcast_in_dim3A_200 = arith.constant 0.0301026255 : f32
        %broadcast_in_dim3A_201 = vector.broadcast %broadcast_in_dim3A_200 : f32 to vector<16xf32>
        %mul3A_202 = arith.mulf %broadcast_in_dim3A_201, %exp3A_199 : vector<16xf32>
        %add3A_203 = arith.constant -0.130119413 : f32
        %add3A_204 = vector.broadcast %add3A_203 : f32 to vector<16xf32>
        %add3A_205 = arith.addf %mul3A_202, %add3A_204 : vector<16xf32>
        %mul3A_206 = arith.mulf %add3A_205, %exp3A_199 : vector<16xf32>
        %add3A_207 = arith.constant 0.283304334 : f32
        %add3A_208 = vector.broadcast %add3A_207 : f32 to vector<16xf32>
        %add3A_209 = arith.addf %mul3A_206, %add3A_208 : vector<16xf32>
        %mul3A_210 = arith.mulf %add3A_209, %exp3A_199 : vector<16xf32>
        %add3A_211 = arith.constant -0.489156842 : f32
        %add3A_212 = vector.broadcast %add3A_211 : f32 to vector<16xf32>
        %add3A_213 = arith.addf %mul3A_210, %add3A_212 : vector<16xf32>
        %mul3A_214 = arith.mulf %add3A_213, %exp3A_199 : vector<16xf32>
        %add3A_215 = arith.constant 0.999010443 : f32
        %add3A_216 = vector.broadcast %add3A_215 : f32 to vector<16xf32>
        %add3A_217 = arith.addf %mul3A_214, %add3A_216 : vector<16xf32>
        %mul3A_218 = arith.mulf %add3A_217, %exp3A_199 : vector<16xf32>
        %add3A_219 = arith.constant 2.21170303E-5 : f32
        %add3A_220 = vector.broadcast %add3A_219 : f32 to vector<16xf32>
        %add3A_221 = arith.addf %mul3A_218, %add3A_220 : vector<16xf32>
        %max3A_222 = arith.constant 0.000000e+00 : f32
        %max3A_223 = vector.broadcast %max3A_222 : f32 to vector<16xf32>
        %max3A_224 = arith.maximumf %get3A_194, %max3A_223 : vector<16xf32>
        %add3A_225 = arith.addf %max3A_224, %add3A_221 : vector<16xf32>
        %sub3A_226 = arith.subf %get3A_194, %add3A_225 : vector<16xf32>
        %exp3A_227 = math.exp %sub3A_226 : vector<16xf32>
        %add3A_228 = arith.constant 32 : i32
        %add3A_229 = vector.broadcast %add3A_228 : i32 to vector<16xi32>
        %add3A_230 = arith.addi %add3A_229, %iota3A : vector<16xi32>
        %eq3A_231 = arith.cmpi eq, %add3A_230, %gather3A_84 : vector<16xi32>
        %jit3A_232 = arith.constant 0.000000e+00 : f32
        %broadcast_in_dim3A_233 = vector.broadcast %jit3A_232 : f32 to vector<16xf32>
        %select_n3A_234 = arith.select %eq3A_231, %gather3A_94, %broadcast_in_dim3A_233 : vector<16xi1>, vector<16xf32>
        %sub3A_235 = arith.subf %exp3A_227, %select_n3A_234 : vector<16xf32>
        %mul3A_236 = arith.mulf %get3A_194, %select_n3A_234 : vector<16xf32>
        %sub3A_237 = arith.subf %add3A_225, %mul3A_236 : vector<16xf32>
        %mul3A_238 = arith.mulf %sub3A_237, %sub3A_235 : vector<16xf32>
        %mul3A_239 = arith.mulf %mul3A_238, %sub3A_235 : vector<16xf32>
        %add3A_240 = arith.addf %add3A_190, %mul3A_239 : vector<16xf32>
        %get3A_241 = arith.index_cast %add3A_97 : i32 to index
        %get3A_242 = arith.constant 48 : index
        %get3A_243 = tpu.vector_load %arg5[%get3A_241, %get3A_242] {strides = array<i32>} : memref<160x80xf32, #tpu.memory_space<vmem>>, vector<1x16xf32>,
        %get3A_244 = vector.shape_cast %get3A_243 : vector<1x16xf32> to vector<16xf32>
        %abs3A_245 = math.absf %get3A_244 : vector<16xf32>
        %neg3A_246 = arith.constant 0.000000e+00 : f32
        %neg3A_247 = vector.broadcast %neg3A_246 : f32 to vector<16xf32>
        %neg3A_248 = arith.subf %neg3A_247, %abs3A_245 : vector<16xf32>
        %exp3A_249 = math.exp %neg3A_248 : vector<16xf32>
        %broadcast_in_dim3A_250 = arith.constant 0.0301026255 : f32
        %broadcast_in_dim3A_251 = vector.broadcast %broadcast_in_dim3A_250 : f32 to vector<16xf32>
        %mul3A_252 = arith.mulf %broadcast_in_dim3A_251, %exp3A_249 : vector<16xf32>
        %add3A_253 = arith.constant -0.130119413 : f32
        %add3A_254 = vector.broadcast %add3A_253 : f32 to vector<16xf32>
        %add3A_255 = arith.addf %mul3A_252, %add3A_254 : vector<16xf32>
        %mul3A_256 = arith.mulf %add3A_255, %exp3A_249 : vector<16xf32>
        %add3A_257 = arith.constant 0.283304334 : f32
        %add3A_258 = vector.broadcast %add3A_257 : f32 to vector<16xf32>
        %add3A_259 = arith.addf %mul3A_256, %add3A_258 : vector<16xf32>
        %mul3A_260 = arith.mulf %add3A_259, %exp3A_249 : vector<16xf32>
        %add3A_261 = arith.constant -0.489156842 : f32
        %add3A_262 = vector.broadcast %add3A_261 : f32 to vector<16xf32>
        %add3A_263 = arith.addf %mul3A_260, %add3A_262 : vector<16xf32>
        %mul3A_264 = arith.mulf %add3A_263, %exp3A_249 : vector<16xf32>
        %add3A_265 = arith.constant 0.999010443 : f32
        %add3A_266 = vector.broadcast %add3A_265 : f32 to vector<16xf32>
        %add3A_267 = arith.addf %mul3A_264, %add3A_266 : vector<16xf32>
        %mul3A_268 = arith.mulf %add3A_267, %exp3A_249 : vector<16xf32>
        %add3A_269 = arith.constant 2.21170303E-5 : f32
        %add3A_270 = vector.broadcast %add3A_269 : f32 to vector<16xf32>
        %add3A_271 = arith.addf %mul3A_268, %add3A_270 : vector<16xf32>
        %max3A_272 = arith.constant 0.000000e+00 : f32
        %max3A_273 = vector.broadcast %max3A_272 : f32 to vector<16xf32>
        %max3A_274 = arith.maximumf %get3A_244, %max3A_273 : vector<16xf32>
        %add3A_275 = arith.addf %max3A_274, %add3A_271 : vector<16xf32>
        %sub3A_276 = arith.subf %get3A_244, %add3A_275 : vector<16xf32>
        %exp3A_277 = math.exp %sub3A_276 : vector<16xf32>
        %add3A_278 = arith.constant 48 : i32
        %add3A_279 = vector.broadcast %add3A_278 : i32 to vector<16xi32>
        %add3A_280 = arith.addi %add3A_279, %iota3A : vector<16xi32>
        %eq3A_281 = arith.cmpi eq, %add3A_280, %gather3A_84 : vector<16xi32>
        %jit3A_282 = arith.constant 0.000000e+00 : f32
        %broadcast_in_dim3A_283 = vector.broadcast %jit3A_282 : f32 to vector<16xf32>
        %select_n3A_284 = arith.select %eq3A_281, %gather3A_94, %broadcast_in_dim3A_283 : vector<16xi1>, vector<16xf32>
        %sub3A_285 = arith.subf %exp3A_277, %select_n3A_284 : vector<16xf32>
        %mul3A_286 = arith.mulf %get3A_244, %select_n3A_284 : vector<16xf32>
        %sub3A_287 = arith.subf %add3A_275, %mul3A_286 : vector<16xf32>
        %mul3A_288 = arith.mulf %sub3A_287, %sub3A_285 : vector<16xf32>
        %mul3A_289 = arith.mulf %mul3A_288, %sub3A_285 : vector<16xf32>
        %add3A_290 = arith.addf %add3A_240, %mul3A_289 : vector<16xf32>
        %get3A_291 = arith.index_cast %add3A_97 : i32 to index
        %get3A_292 = arith.constant 64 : index
        %get3A_293 = tpu.vector_load %arg5[%get3A_291, %get3A_292] {strides = array<i32>} : memref<160x80xf32, #tpu.memory_space<vmem>>, vector<1x16xf32>,
        %get3A_294 = vector.shape_cast %get3A_293 : vector<1x16xf32> to vector<16xf32>
        %abs3A_295 = math.absf %get3A_294 : vector<16xf32>
        %neg3A_296 = arith.constant 0.000000e+00 : f32
        %neg3A_297 = vector.broadcast %neg3A_296 : f32 to vector<16xf32>
        %neg3A_298 = arith.subf %neg3A_297, %abs3A_295 : vector<16xf32>
        %exp3A_299 = math.exp %neg3A_298 : vector<16xf32>
        %broadcast_in_dim3A_300 = arith.constant 0.0301026255 : f32
        %broadcast_in_dim3A_301 = vector.broadcast %broadcast_in_dim3A_300 : f32 to vector<16xf32>
        %mul3A_302 = arith.mulf %broadcast_in_dim3A_301, %exp3A_299 : vector<16xf32>
        %add3A_303 = arith.constant -0.130119413 : f32
        %add3A_304 = vector.broadcast %add3A_303 : f32 to vector<16xf32>
        %add3A_305 = arith.addf %mul3A_302, %add3A_304 : vector<16xf32>
        %mul3A_306 = arith.mulf %add3A_305, %exp3A_299 : vector<16xf32>
        %add3A_307 = arith.constant 0.283304334 : f32
        %add3A_308 = vector.broadcast %add3A_307 : f32 to vector<16xf32>
        %add3A_309 = arith.addf %mul3A_306, %add3A_308 : vector<16xf32>
        %mul3A_310 = arith.mulf %add3A_309, %exp3A_299 : vector<16xf32>
        %add3A_311 = arith.constant -0.489156842 : f32
        %add3A_312 = vector.broadcast %add3A_311 : f32 to vector<16xf32>
        %add3A_313 = arith.addf %mul3A_310, %add3A_312 : vector<16xf32>
        %mul3A_314 = arith.mulf %add3A_313, %exp3A_299 : vector<16xf32>
        %add3A_315 = arith.constant 0.999010443 : f32
        %add3A_316 = vector.broadcast %add3A_315 : f32 to vector<16xf32>
        %add3A_317 = arith.addf %mul3A_314, %add3A_316 : vector<16xf32>
        %mul3A_318 = arith.mulf %add3A_317, %exp3A_299 : vector<16xf32>
        %add3A_319 = arith.constant 2.21170303E-5 : f32
        %add3A_320 = vector.broadcast %add3A_319 : f32 to vector<16xf32>
        %add3A_321 = arith.addf %mul3A_318, %add3A_320 : vector<16xf32>
        %max3A_322 = arith.constant 0.000000e+00 : f32
        %max3A_323 = vector.broadcast %max3A_322 : f32 to vector<16xf32>
        %max3A_324 = arith.maximumf %get3A_294, %max3A_323 : vector<16xf32>
        %add3A_325 = arith.addf %max3A_324, %add3A_321 : vector<16xf32>
        %sub3A_326 = arith.subf %get3A_294, %add3A_325 : vector<16xf32>
        %exp3A_327 = math.exp %sub3A_326 : vector<16xf32>
        %add3A_328 = arith.constant 64 : i32
        %add3A_329 = vector.broadcast %add3A_328 : i32 to vector<16xi32>
        %add3A_330 = arith.addi %add3A_329, %iota3A : vector<16xi32>
        %eq3A_331 = arith.cmpi eq, %add3A_330, %gather3A_84 : vector<16xi32>
        %jit3A_332 = arith.constant 0.000000e+00 : f32
        %broadcast_in_dim3A_333 = vector.broadcast %jit3A_332 : f32 to vector<16xf32>
        %select_n3A_334 = arith.select %eq3A_331, %gather3A_94, %broadcast_in_dim3A_333 : vector<16xi1>, vector<16xf32>
        %sub3A_335 = arith.subf %exp3A_327, %select_n3A_334 : vector<16xf32>
        %mul3A_336 = arith.mulf %get3A_294, %select_n3A_334 : vector<16xf32>
        %sub3A_337 = arith.subf %add3A_325, %mul3A_336 : vector<16xf32>
        %mul3A_338 = arith.mulf %sub3A_337, %sub3A_335 : vector<16xf32>
        %mul3A_339 = arith.mulf %mul3A_338, %sub3A_335 : vector<16xf32>
        %add3A_340 = arith.addf %add3A_290, %mul3A_339 : vector<16xf32>
        scf.yield %add3A_340 : vector<16xf32>
      }
      %scan3A_74 = arith.constant 16 : i32
      scf.yield %scan3A_73 : vector<16xf32>
    }
    %scan3A_52 = arith.constant 10 : i32
    %swap3A = arith.constant 0 : index
    %swap3A_53 = tpu.vector_load %arg8[%swap3A] {strides = array<i32>} : memref<16xf32, #tpu.memory_space<vmem>>, vector<16xf32>,
    %swap3A_54 = vector.shape_cast %swap3A_53 : vector<16xf32> to vector<16xf32>
    %swap3A_55 = vector.shape_cast %scan3A_51 : vector<16xf32> to vector<16xf32>
    tpu.vector_store %arg8[%swap3A], %swap3A_55 {strides = array<i32>} : memref<16xf32, #tpu.memory_space<vmem>>, vector<16xf32>,
    %mul3A_56 = arith.constant 16 : i32
    %mul3A_57 = arith.muli %add3A, %mul3A_56 : i32
    "tpu.region"() ({
      %run_scoped3A = tpu.sem_alloc : memref<!tpu.dma_semaphore, #tpu.memory_space<semaphore_mem>>
      %dma_start3A = tpu.memref_slice %arg4[%mul3A_57] : memref<512xf32, #tpu.memory_space<hbm>> -> memref<16xf32, #tpu.memory_space<hbm>>
      %dma_start3A_58 = tpu.memref_slice %arg4[%mul3A_57] : memref<512xf32, #tpu.memory_space<hbm>> -> memref<16xf32, #tpu.memory_space<hbm>>
      tpu.enqueue_dma source(%arg8 : memref<16xf32, #tpu.memory_space<vmem>>) target(%dma_start3A_58 : memref<16xf32, #tpu.memory_space<hbm>>) target_semaphore(%run_scoped3A : memref<!tpu.dma_semaphore, #tpu.memory_space<semaphore_mem>>)
      %dma_wait3A = tpu.memref_slice %arg4[%mul3A_57] : memref<512xf32, #tpu.memory_space<hbm>> -> memref<16xf32, #tpu.memory_space<hbm>>
      %dma_wait3A_59 = tpu.memref_slice %arg4[%mul3A_57] : memref<512xf32, #tpu.memory_space<hbm>> -> memref<16xf32, #tpu.memory_space<hbm>>
      tpu.wait_dma2 semaphore(%run_scoped3A : memref<!tpu.dma_semaphore, #tpu.memory_space<semaphore_mem>>) src(%arg8 : memref<16xf32, #tpu.memory_space<vmem>>) dst(%dma_wait3A_59 : memref<16xf32, #tpu.memory_space<hbm>>)
      tpu.yield
    }) : () -> ()
    return
  }
}

module attributes {stable_mosaic.version = 14 : i64} {
  func.func @_tc_body(%arg0: i32, %arg1: memref<3464x80xf32, #tpu.memory_space<vmem>>, %arg2: memref<1x1x3464xi32, #tpu.memory_space<vmem>>, %arg3: memref<1x1x3464xf32, #tpu.memory_space<vmem>>, %arg4: memref<1x1xf32, #tpu.memory_space<smem>>) attributes {dimension_semantics = [#tpu.dimension_semantics<arbitrary>], iteration_bounds = array<i64: 20>, scalar_prefetch = 0 : i64, scratch_operands = 0 : i64, tpu.core_type = #tpu.core_type<tc>, window_params = [{transform_indices = @transform_0, window_bounds = array<i64: 3464, 80>}, {transform_indices = @transform_1, window_bounds = array<i64: 1, 1, 3464>}, {transform_indices = @transform_2, window_bounds = array<i64: 1, 1, 3464>}, {transform_indices = @transform_3, window_bounds = array<i64: 1, 1>}]} {
    %get3A = arith.constant 0 : index
    %get3A_0 = arith.constant 0 : index
    %get3A_1 = vector.load %arg1[%get3A, %get3A_0] : memref<3464x80xf32, #tpu.memory_space<vmem>>, vector<3464x80xf32>
    %get3A_2 = arith.constant 0 : index
    %get3A_3 = arith.constant 0 : index
    %get3A_4 = arith.constant 0 : index
    %get3A_5 = vector.load %arg2[%get3A_2, %get3A_3, %get3A_4] : memref<1x1x3464xi32, #tpu.memory_space<vmem>>, vector<1x1x3464xi32>
    %get3A_6 = vector.shape_cast %get3A_5 : vector<1x1x3464xi32> to vector<3464xi32>
    %get3A_7 = arith.constant 0 : index
    %get3A_8 = arith.constant 0 : index
    %get3A_9 = arith.constant 0 : index
    %get3A_10 = vector.load %arg3[%get3A_7, %get3A_8, %get3A_9] : memref<1x1x3464xf32, #tpu.memory_space<vmem>>, vector<1x1x3464xf32>
    %get3A_11 = vector.shape_cast %get3A_10 : vector<1x1x3464xf32> to vector<3464xf32>
    %mul3A = arith.constant 5.000000e-01 : f32
    %mul3A_12 = vector.broadcast %mul3A : f32 to vector<3464x80xf32>
    %mul3A_13 = arith.mulf %mul3A_12, %get3A_1 : vector<3464x80xf32>
    %tanh3A = math.tanh %mul3A_13 : vector<3464x80xf32>
    %mul3A_14 = arith.constant 5.000000e-01 : f32
    %mul3A_15 = vector.broadcast %mul3A_14 : f32 to vector<3464x80xf32>
    %mul3A_16 = arith.mulf %mul3A_15, %tanh3A : vector<3464x80xf32>
    %add3A = arith.constant 5.000000e-01 : f32
    %add3A_17 = vector.broadcast %add3A : f32 to vector<3464x80xf32>
    %add3A_18 = arith.addf %mul3A_16, %add3A_17 : vector<3464x80xf32>
    %gt3A = arith.constant 1.200000e+01 : f32
    %gt3A_19 = vector.broadcast %gt3A : f32 to vector<3464x80xf32>
    %gt3A_20 = arith.cmpf ogt, %get3A_1, %gt3A_19 : vector<3464x80xf32>
    %sub3A = arith.constant 1.000000e+00 : f32
    %sub3A_21 = vector.broadcast %sub3A : f32 to vector<3464x80xf32>
    %sub3A_22 = arith.subf %sub3A_21, %add3A_18 : vector<3464x80xf32>
    %log3A = math.log %sub3A_22 : vector<3464x80xf32>
    %neg3A = arith.constant 0.000000e+00 : f32
    %neg3A_23 = vector.broadcast %neg3A : f32 to vector<3464x80xf32>
    %neg3A_24 = arith.subf %neg3A_23, %log3A : vector<3464x80xf32>
    %select_n3A = arith.select %gt3A_20, %get3A_1, %neg3A_24 : vector<3464x80xi1>, vector<3464x80xf32>
    %mul3A_25 = arith.mulf %select_n3A, %add3A_18 : vector<3464x80xf32>
    %mul3A_26 = arith.mulf %mul3A_25, %add3A_18 : vector<3464x80xf32>
    %broadcast_in_dim3A = vector.shape_cast %get3A_11 : vector<3464xf32> to vector<3464x1xf32>
    %sub3A_27 = vector.broadcast %broadcast_in_dim3A : vector<3464x1xf32> to vector<3464x80xf32>
    %sub3A_28 = arith.subf %sub3A_27, %add3A_18 : vector<3464x80xf32>
    %mul3A_29 = vector.broadcast %broadcast_in_dim3A : vector<3464x1xf32> to vector<3464x80xf32>
    %mul3A_30 = arith.mulf %get3A_1, %mul3A_29 : vector<3464x80xf32>
    %sub3A_31 = arith.subf %select_n3A, %mul3A_30 : vector<3464x80xf32>
    %mul3A_32 = arith.mulf %sub3A_31, %sub3A_28 : vector<3464x80xf32>
    %mul3A_33 = arith.mulf %mul3A_32, %sub3A_28 : vector<3464x80xf32>
    %iota3A = tpu.iota {dimensions = array<i32: 1>} : vector<3464x80xi32>
    %broadcast_in_dim3A_34 = vector.shape_cast %get3A_6 : vector<3464xi32> to vector<3464x1xi32>
    %eq3A = vector.broadcast %broadcast_in_dim3A_34 : vector<3464x1xi32> to vector<3464x80xi32>
    %eq3A_35 = arith.cmpi eq, %iota3A, %eq3A : vector<3464x80xi32>
    %select_n3A_36 = arith.select %eq3A_35, %mul3A_33, %mul3A_26 : vector<3464x80xi1>, vector<3464x80xf32>
    %reduce_sum3A = vector.shape_cast %select_n3A_36 : vector<3464x80xf32> to vector<1x3464x80xf32>
    %reduce_sum3A_37 = arith.constant dense<0.000000e+00> : vector<1xf32>
    %reduce_sum3A_38 = vector.multi_reduction <add>, %reduce_sum3A, %reduce_sum3A_37 [1, 2] : vector<1x3464x80xf32> to vector<1xf32>
    %reduce_sum3A_39 = vector.shape_cast %reduce_sum3A_38 : vector<1xf32> to vector<1x1x1xf32>
    %reduce_sum3A_40 = vector.extract %reduce_sum3A_39[0, 0, 0] : f32 from vector<1x1x1xf32>
    %eq3A_41 = arith.constant 0 : i32
    %eq3A_42 = arith.cmpi eq, %arg0, %eq3A_41 : i32
    %convert_element_type3A = arith.extui %eq3A_42 : i1 to i32
    %cond3A = arith.constant 0 : i32
    %cond3A_43 = arith.cmpi ne, %convert_element_type3A, %cond3A : i32
    scf.if %cond3A_43 {
      %swap3A = arith.constant 0 : index
      %swap3A_49 = arith.constant 0 : index
      %swap3A_50 = memref.load %arg4[%swap3A, %swap3A_49] : memref<1x1xf32, #tpu.memory_space<smem>>
      memref.store %reduce_sum3A_40, %arg4[%swap3A, %swap3A_49] : memref<1x1xf32, #tpu.memory_space<smem>>
    } else {
    }
    %gt3A_44 = arith.constant 0 : i32
    %gt3A_45 = arith.cmpi sgt, %arg0, %gt3A_44 : i32
    %convert_element_type3A_46 = arith.extui %gt3A_45 : i1 to i32
    %cond3A_47 = arith.constant 0 : i32
    %cond3A_48 = arith.cmpi ne, %convert_element_type3A_46, %cond3A_47 : i32
    scf.if %cond3A_48 {
      %get3A_49 = arith.constant 0 : index
      %get3A_50 = arith.constant 0 : index
      %get3A_51 = memref.load %arg4[%get3A_49, %get3A_50] : memref<1x1xf32, #tpu.memory_space<smem>>
      %add3A_52 = arith.addf %get3A_51, %reduce_sum3A_40 : f32
      %swap3A = arith.constant 0 : index
      %swap3A_53 = arith.constant 0 : index
      %swap3A_54 = memref.load %arg4[%swap3A, %swap3A_53] : memref<1x1xf32, #tpu.memory_space<smem>>
      memref.store %add3A_52, %arg4[%swap3A, %swap3A_53] : memref<1x1xf32, #tpu.memory_space<smem>>
    } else {
    }
    return
  }
  func.func @transform_0(%arg0: i32) -> (i32, i32) {
    %c0_i32 = arith.constant 0 : i32
    %c0_i32_0 = arith.constant 0 : i32
    return %arg0, %c0_i32 : i32, i32
  }
  func.func @transform_1(%arg0: i32) -> (i32, i32, i32) {
    %c0_i32 = arith.constant 0 : i32
    %c0_i32_0 = arith.constant 0 : i32
    %c0_i32_1 = arith.constant 0 : i32
    return %arg0, %c0_i32, %c0_i32_0 : i32, i32, i32
  }
  func.func @transform_2(%arg0: i32) -> (i32, i32, i32) {
    %c0_i32 = arith.constant 0 : i32
    %c0_i32_0 = arith.constant 0 : i32
    %c0_i32_1 = arith.constant 0 : i32
    return %arg0, %c0_i32, %c0_i32_0 : i32, i32, i32
  }
  func.func @transform_3(%arg0: i32) -> (i32, i32) {
    %c0_i32 = arith.constant 0 : i32
    %c0_i32_0 = arith.constant 0 : i32
    %c0_i32_1 = arith.constant 0 : i32
    return %c0_i32, %c0_i32_0 : i32, i32
  }
}

</mosaic_0001>

<sc_bundles>
// kernel: kernel.4.cloned.1.call-start
scs
__scs_entry_jumppad:
0x0: {  	(pc) =	sbr.rel $0x88, $3  }
0x1: {  	(tag) =	ssettag $0x0;
	lr =	simm.s32 $0x1  }
0x2: {  	[smem:$0x3F9E] =	sst lr;
	_ =	strace $0xD0000000  }
0x3: {  	_ = 	snop  }
0x4: {  	_ = 	snop  }
0x5: {  	_ = 	snop  }
0x6: {  	_ = 	snop  }
0x7: {  	_ = 	snop  }
__scs_overlays_trampoline_lowered:
0x8: {  	[smem:$0x3FAD] =	sst s0  }
0x9: {  	[smem:$0x3FAE] =	sst s1  }
0xa: {  	[smem:$0x3FAF] =	sst s2  }
0xb: {  	[smem:$0x3FB0] =	sst s3  }
0xc: {  	[smem:$0x3FB1] =	sst s4  }
0xd: {  	[smem:$0x3FB2] =	sst s5  }
0xe: {  	[smem:$0x3FB3] =	sst s6  }
0xf: {  	[smem:$0x3FB4] =	sst s7  }
0x10: {  	[smem:$0x3FB5] =	sst s8  }
0x11: {  	[smem:$0x3FB6] =	sst s9;
	s0 =	simm.s32 @!p0 $0x0  }
0x12: {  	s1 =	sld [smem:$0x3F9C];
	s0 =	simm.s32 @p0 $0x1  }
0x13: {  	[smem:$0x3FB7] =	sst s0;
	s0 =	simm.s32 @!p1 $0x0  }
0x14: {  	s2 =	sld [smem:$0x3F9B];
	s0 =	simm.s32 @p1 $0x1  }
0x15: {  	[smem:$0x3FB8] =	sst s0;
	s0 =	simm.s32 @!p2 $0x0  }
0x16: {  	s3 =	sld [smem:$0x3FDB];
	s0 =	simm.s32 @p2 $0x1  }
0x17: {  	s4 =	simm.s32 $0x1BF5;
	[smem:$0x3FBA] =	sst s0  }
0x18: {  	s0 =	sld [smem:$0x3F9D];
	_ =	swait.ge [sflag:s4], $0x0  }
0x19: {  	s7 =	sld [smem:$0x3F9E]  }
0x1a: {  	s8 =	sadd.s32 $0xFFFFE003, lr  }
0x1b: {  	s9 =	sadd.s32 $0xFFFFFEF7, lr;
	s5 =	simm.s32 $0xFFFFFFFF;
	p2 =	slt.u32 s8, $0xFFFFF086  }
0x1c: {  	p1 =	slt.u32 s9, $0xF7A;
	s5 =	simm.s32 @!p2 $0x0  }
0x1d: {  	s5 =	simm.s32 @p1 $0x1;
	p0 =	seq.s32 s7, s2  }
0x1e: {  	s7 =	smul.u32 @!p0 $0xF7A, s2;
	p2 =	seq.s32 @!p0 s5, $0x0  }
0x1f: {  	s9 =	smul.u32 $0xF7A, s1;
	s8 =	simm.s32 @!p0 $0x1BF5;
	p2 =	por !p2, p0  }
0x20: {  	[sflag:s8] =	ssyncset.s32 @!p0 $0xFFFFF086;
	s6 =	sadd.s32 @!p0 s3, s7;
	s7 =	simm.s32 @!p0 $0x108  }
0x21: {  	s3 =	sadd.s32 s3, s9;
	s6 =	sadd.s32 @!p0 $0x88, s6;
	s7 =	simm.s32 @p2 $0x1082  }
0x22: {  	[simem:s7], [sflag:s8] =	dma.local @!p0 [hbm:s6], $0xF7A  }
0x23: {  	s9 =	sor.u32 $0xD0000000, s2;
	s6 =	simm.s32 $0x108;
	_ =	swait.ge @!p0 [sflag:s8], $0x0  }
0x24: {  	s3 =	sadd.s32 $0x88, s3;
	s6 =	simm.s32 @!p1 $0x1082;
	[sflag:s4] =	ssyncset.s32 $0xFFFFF086  }
0x25: {  	[simem:s6], [sflag:s4] =	dma.local [hbm:s3], $0xF7A  }
0x26: {  	[smem:$0x3F9E] =	sst s1;
	(tag) =	ssettag s2;
	_ =	strace s9  }
0x27: {  	s1 =	sld [smem:$0x3FAE]  }
0x28: {  	s2 =	sld [smem:$0x3FAF]  }
0x29: {  	s4 =	sld [smem:$0x3FB1]  }
0x2a: {  	p0 =	seq.s32 s5, $0x0;
	s5 =	sld [smem:$0x3FB2]  }
0x2b: {  	s6 =	sld [smem:$0x3FB3]  }
0x2c: {  	s7 =	sld [smem:$0x3FB4]  }
0x2d: {  	s3 =	simm.s32 $0x108;
	s8 =	sld [smem:$0x3FB5]  }
0x2e: {  	s3 =	simm.s32 @!p0 $0x1082;
	s9 =	sld [smem:$0x3FB6]  }
0x2f: {  	lr =	sadd.s32 s0, s3;
	s0 =	sld [smem:$0x3FAD]  }
0x30: {  	s3 =	sld [smem:$0x3FB0]  }
0x31: {  	[smem:$0x3FB9] =	sst s10  }
0x32: {  	s10 =	sld [smem:$0x3FB7];
	_ =	sdelay $0x3  }
0x33: {  	p0 =	seq.s32 s10, $0x1;
	s10 =	sld [smem:$0x3FB9];
	_ =	sdelay $0x3  }
0x34: {  	[smem:$0x3FB9] =	sst s10  }
0x35: {  	s10 =	sld [smem:$0x3FB8];
	_ =	sdelay $0x3  }
0x36: {  	p1 =	seq.s32 s10, $0x1;
	s10 =	sld [smem:$0x3FB9];
	_ =	sdelay $0x3  }
0x37: {  	[smem:$0x3FB9] =	sst s10  }
0x38: {  	s10 =	sld [smem:$0x3FBA]  }
0x39: {  	_ = 	snop;
	(pc) =	sbr.ind lr, $3  }
0x3a: {  	_ = 	snop  }
0x3b: {  	_ = 	snop  }
0x3c: {  	p2 =	seq.s32 s10, $0x1;
	s10 =	sld [smem:$0x3FB9]  }
0x3d: {  	_ =	shalt  }
0x3e: {  	_ =	shalt  }
0x3f: {  	_ =	shalt  }
0x40: {  	_ =	shalt  }
0x41: {  	_ =	shalt  }
0x42: {  	_ =	shalt  }
0x43: {  	_ =	shalt  }
0x44: {  	_ =	shalt  }
0x45: {  	_ =	shalt  }
0x46: {  	_ =	shalt  }
0x47: {  	_ =	shalt  }
0x48: {  	_ =	shalt  }
0x49: {  	_ =	shalt  }
0x4a: {  	_ =	shalt  }
0x4b: {  	_ =	shalt  }
0x4c: {  	_ =	shalt  }
0x4d: {  	_ =	shalt  }
0x4e: {  	_ =	shalt  }
0x4f: {  	_ =	shalt  }
0x50: {  	_ =	shalt  }
0x51: {  	_ =	shalt  }
0x52: {  	_ =	shalt  }
0x53: {  	_ =	shalt  }
0x54: {  	_ =	shalt  }
0x55: {  	_ =	shalt  }
0x56: {  	_ =	shalt  }
0x57: {  	_ =	shalt  }
0x58: {  	_ =	shalt  }
0x59: {  	_ =	shalt  }
0x5a: {  	_ =	shalt  }
0x5b: {  	_ =	shalt  }
0x5c: {  	_ =	shalt  }
0x5d: {  	_ =	shalt  }
0x5e: {  	_ =	shalt  }
0x5f: {  	_ =	shalt  }
0x60: {  	_ =	shalt  }
0x61: {  	_ =	shalt  }
0x62: {  	_ =	shalt  }
0x63: {  	_ =	shalt  }
0x64: {  	_ =	shalt  }
0x65: {  	_ =	shalt  }
0x66: {  	_ =	shalt  }
0x67: {  	_ =	shalt  }
0x68: {  	_ =	shalt  }
0x69: {  	_ =	shalt  }
0x6a: {  	_ =	shalt  }
0x6b: {  	_ =	shalt  }
0x6c: {  	_ =	shalt  }
0x6d: {  	_ =	shalt  }
0x6e: {  	_ =	shalt  }
0x6f: {  	_ =	shalt  }
0x70: {  	_ =	shalt  }
0x71: {  	_ =	shalt  }
0x72: {  	_ =	shalt  }
0x73: {  	_ =	shalt  }
0x74: {  	_ =	shalt  }
0x75: {  	_ =	shalt  }
0x76: {  	_ =	shalt  }
0x77: {  	_ =	shalt  }
0x78: {  	_ =	shalt  }
0x79: {  	_ =	shalt  }
0x7a: {  	_ =	shalt  }
0x7b: {  	_ =	shalt  }
0x7c: {  	_ =	shalt  }
0x7d: {  	_ =	shalt  }
0x7e: {  	_ =	shalt  }
0x7f: {  	_ =	shalt  }
0x80: {  	_ =	shalt  }
0x81: {  	_ =	shalt  }
0x82: {  	_ =	shalt  }
0x83: {  	_ =	shalt  }
0x84: {  	_ =	shalt  }
0x85: {  	_ =	shalt  }
0x86: {  	_ =	shalt  }
0x87: {  	_ =	shalt  }
.Lfunc_end0:
.L_simem_size_0:
called_computation_lowered:
.L_overlay_start_0:
0x88: {  	s2 =	sld [smem:$0x3FD9]  }
0x89: {  	s3 =	sld [smem:$0x3FFE];
	_ =	sdelay $0x1  }
0x8a: {  	s1 =	srdreg.scid  }
0x8b: {  	s0 =	sand.u32 $0x1, s1  }
0x8c: {  	s17 =	sshll.u32 s0, $0xA;
	s2 =	sadd.s32 s3, s2  }
0x8d: {  	s2 =	sadd.s32 s2, s17  }
0x8e: {  	[smem:$0x3FC5] =	sst s2  }
0x8f: {  	_ = 	snop  }
0x90: {  	s2 =	sld [smem:$0x3FC8]  }
0x91: {  	s18 =	sld [smem:$0x3FC7];
	(tm) =	ssettm $0x1  }
0x92: {  	s4 =	sld [smem:$0x3FFB];
	_ =	sdelay $0x3  }
0x93: {  	_ =	strace s4  }
0x94: {  	s4 =	sld [smem:$0x3FFC];
	_ =	sdelay $0x3  }
0x95: {  	_ =	strace s4  }
0x96: {  	s4 =	sld [smem:$0x3FFD];
	_ =	sdelay $0x3  }
0x97: {  	_ =	strace s4  }
0x98: {  	_ =	strace $0x8FFFFFFF  }
0x99: {  	s19 =	sld [smem:$0x3FDB];
	_ =	sdelay $0x1  }
0x9a: {  	s5 =	simm.s32 $_scs_section_size  }
0x9b: {  	s6 =	simm.s32 $_size__tile_overlayer_lowered;
	s7 =	simm.s32 $_tile_overlayer_lowered  }
0x9c: {  	s22 =	simm.s32 $0x1BFF;
	s21 =	sshll.u32 s7, $0x1;
	s4 =	sadd.s32 s5, s19  }
0x9d: {  	s8 =	simm.s32 $0x0;
	s20 =	sshll.u32 s6, $0x1;
	s6 =	sadd.s32 s21, s4  }
0x9e: {  	[timem:s8], [sflag:s22] =	dma.local [hbm:s6], s20  }
0x9f: {  	_ =	swait.ge [sflag:s22], s20  }
0xa0: {  	s5 =	ssub.s32 $0x0, s20;
	[sflag:s22] =	ssyncset.done $0x0  }
0xa1: {  	[sflag:s22] =	ssyncadd.s32 s5;
	_ =	sdelay $0x1  }
0xa2: {  	s23 =	simm.s32 $0x1B8B  }
0xa3: {  	_ =	swait.ge [sflag:s23], $0x1  }
0xa4: {  	[sflag:s23] =	ssyncset.done $0x0  }
0xa5: {  	s25 =	simm.s32 $0x1B8E;
	s24 =	sld [smem:$0x3FFE];
	[sflag:s23] =	ssyncadd.s32 $0xFFFFFFFF  }
0xa6: {  	s26 =	simm.s32 $execute0_lowered;
	[smem:$0x3FD2] =	sst s25  }
0xa7: {  	s6 =	sshll.u32 s26, $0x1;
	_ =	strace $0x80000046;
	[dreg:$0x1] =	wrdreg $0xFFFFFFFF  }
0xa8: {  	s28 =	simm.s32 $_size_execute0_lowered;
	s4 =	sadd.s32 s4, s6;
	[dreg:$0x0] =	wrdreg $0x0  }
0xa9: {  	s6 =	sshll.u32 s28, $0x1;
	[dreg:$0x2] =	wrdreg s4  }
0xaa: {  	[dreg:$0x3] =	wrdreg s6  }
0xab: {  	[dreg:$0x4] =	wrdreg $0xC0  }
0xac: {  	_ =	task [dreg:s8], $0x5FFFF  }
0xad: {  	[dreg:$0x1] =	wrdreg $0xFFFFFFFF  }
0xae: {  	[dreg:$0x0] =	wrdreg $0x60  }
0xaf: {  	[dreg:$0x2] =	wrdreg s2  }
0xb0: {  	[dreg:$0x3] =	wrdreg s18  }
0xb1: {  	[dreg:$0x4] =	wrdreg s24  }
0xb2: {  	[dreg:$0x5] =	wrdreg $0x9  }
0xb3: {  	_ =	task.clear_ibuf [dreg:s8], $0x6FFFF;
	_ =	strace $0x90000046  }
0xb4: {  	s29 =	simm.s32 $0x9;
	_ =	strace $0x80000048  }
0xb5: {  	_ =	swait.ge [sflag:s29], $0x1  }
0xb6: {  	[sflag:s29] =	ssyncadd.s32 $0xFFFFFFFF  }
0xb7: {  	_ =	strace $0x90000048  }
0xb8: {  	_ =	sfence  }
0xb9: {  	s30 =	sld [smem:$0x0];
	_ =	sdelay $0x2  }
0xba: {  	s31 =	sshll.u32 s1, $0xD;
	s1 =	sshrl.u32 s1, $0x2  }
0xbb: {  	s3 =	sand.u32 $0x4000, s31;
	s1 =	sadd.s32 s1, s30  }
0xbc: {  	s0 =	sor.u32 s3, s0;
	s1 =	sshll.u32 s1, $0x11  }
0xbd: {  	s0 =	sor.u32 s1, s0  }
0xbe: {  	s0 =	sadd.s32 $0x8F2B, s0  }
0xbf: {  	[sflag:s0] =	ssyncadd.remote.s32 $0x1  }
0xc0: {  	_ =	sfence.sel $0xFFFF  }
0xc1: {  	[dreg:$0x0] =	wrdreg $0xFFFFFFFF;
	(pc) =	sbr.abs _section_cstart, $3  }
0xc2: {  	[dreg:$0x1] =	wrdreg $0xFFFFFFFF  }
0xc3: {  	_ =	task.clear_ibuf [dreg:s8], $0x2FFFF;
	_ =	strace $0x9FFFFFFF  }
0xc4: {  	(tm) =	ssettm $0x7FFFFFFF  }
0xc5: {  	_ =	shalt  }
tec
execute0_lowered:
.L_overlay_start_1:
0x0: {  	(tag) =	ssettag $0x1  }
0x1: {  	s1 =	srdreg.scid;
	s13 =	rddreg [dreg:$0x0]  }
0x2: {  	s0 =	stileid.u32;
	s14 =	rddreg [dreg:$0x1]  }
0x3: {  	s16 =	rddreg [dreg:$0x2];
	s2 =	simm.s32 $0x0;
	s19 =	simm.s32 $0x5100  }
0x4: {  	s20 =	simm.s32 $0x5200;
	s3 =	sand.u32 $0x1, s1;
	s30 =	sshll.u32 s0, $0x1  }
0x5: {  	s21 =	simm.s32 $0x0;
	s1 =	rddreg [dreg:$0x3];
	s15 =	sor.u32 s3, s30  }
0x6: {  	[smem:$0x7FF] =	sst s2;
	s3 =	ssub.s32 $0x2, s3;
	s4 =	smul.u32 $0x3C0, s15  }
0x7: {  	_ =	strace $0x80000047;
	s31 =	sshrl.u32 s3, $0x1;
	s15 =	sshll.u32 s15, $0x1  }
0x8: {  	s18 =	ssub.s32 s3, s31;
	s15 =	sadd.s32 s16, s15;
	s17 =	sshrl.u32 s4, $0x3  }
0x9: {  	s16 =	smax.u32 s18, $0x1;
	s18 =	simm.s32 $0x1;
	s5 =	sadd.s32 $0x21D4, s17  }
0xa: {  	s6 =	sadd.s32 $0x21E8, s17;
	s8 =	sadd.s32 $0x21FC, s17;
	s10 =	sadd.s32 $0x2210, s17  }
0xb: {  	s12 =	sadd.s32 $0x2224, s17;
	s17 =	sadd.s32 $0x2238, s17;
	s3 =	sadd.s32 s13, s5  }
0xc: {  	s4 =	sadd.s32 s14, s5;
	s5 =	sadd.s32 s13, s6;
	s6 =	sadd.s32 s14, s6  }
0xd: {  	v0 =	vlaneseq.u32;
	s7 =	sadd.s32 s13, s8;
	s8 =	sadd.s32 s14, s8;
	s9 =	sadd.s32 s13, s10  }
0xe: {  	v1 =	vor.u32 $0x10, v0;
	s10 =	sadd.s32 s14, s10;
	s11 =	sadd.s32 s13, s12;
	s12 =	sadd.s32 s14, s12  }
0xf: {  	v2 =	vor.u32 $0x20, v0;
	v3 =	vor.u32 $0x30, v0;
	v4 =	vor.u32 $0x40, v0;
	s13 =	sadd.s32 s13, s17;
	s14 =	sadd.s32 s14, s17;
	s17 =	simm.s32 $0x5000  }
.LBB2_1:
0x10: {  	[tilespmem:s17], [sflag:$0x1] =	stream.linear.gather [hbm4b:s3+s2], $0xA0, $0x38;
	[tilespmem:$0x5280] =	vst v63  }
0x11: {  	_ =	swait.ge [sflag:s18], $0xA0  }
0x12: {  	[sflag:s18] =	ssyncset.done $0x0  }
0x13: {  	[sflag:s18] =	ssyncadd.s32 $0xFFFFFF60  }
0x14: {  	[tilespmem:s19], [sflag:$0x1] =	stream.linear.gather [hbm4b:s4+s2], $0xA0, $0x38;
	[tilespmem:$0x5280] =	vst v63  }
0x15: {  	_ =	swait.ge [sflag:s18], $0xA0  }
0x16: {  	[sflag:s18] =	ssyncset.done $0x0  }
0x17: {  	v5 =	vimm.f32 $0.0e+00;
	s22 =	simm.s32 $0x20;
	s23 =	simm.s32 $0x0;
	[sflag:s18] =	ssyncadd.s32 $0xFFFFFF60  }
.LBB2_2:
0x18: {  	v10 =	vld [tilespmem:s22+$0x0]  }
0x19: {  	v13 =	vld [tilespmem:s22+$0xFFFFFFE0];
	_ =	sdelay $0x1  }
0x1a: {  	v12 =	vld [tilespmem:s22+$0xFFFFFFF0];
	_ =	sdelay $0x1  }
0x1b: {  	v6 =	vand.u32 $0x7FFFFFFF, v10  }
0x1c: {  	v9 =	vld [tilespmem:s22+$0x10];
	v7 =	vand.u32 $0x7FFFFFFF, v13;
	v6 =	vsub.f32 $0.0e+00, v6  }
0x1d: {  	v7 =	vsub.f32 $0.0e+00, v7  }
0x1e: {  	v11 =	vld [tilespmem:s22+$0x20];
	v8 =	vand.u32 $0x7FFFFFFF, v12;
	v6 =	vmul.f32 $1.442695020e+00, v6  }
0x1f: {  	v8 =	vsub.f32 $0.0e+00, v8;
	v7 =	vmul.f32 $1.442695020e+00, v7  }
0x20: {  	(erf) = vpow2.f32 v6  }
0x21: {  	v8 =	vmul.f32 $1.442695020e+00, v8;
	v6 =	vand.u32 $0x7FFFFFFF, v9;
	(erf) = vpow2.f32 v7  }
0x22: {  	v6 =	vsub.f32 $0.0e+00, v6  }
0x23: {  	v7 =	vand.u32 $0x7FFFFFFF, v11;
	(erf) = vpow2.f32 v8  }
0x24: {  	v7 =	vsub.f32 $0.0e+00, v7;
	v6 =	vmul.f32 $1.442695020e+00, v6  }
0x25: {  	s24 =	sshll.u32 s23, $0x4  }
0x26: {  	s25 =	simm.s32 $0x0;
	v8 =	vmul.f32 $1.442695020e+00, v7;
	v7 =	vld [tilespmem:s24+$0x5000];
	(erf) = vpow2.f32 v6  }
0x27: {  	v14 =	vmov s25;
	v6 =	vld [tilespmem:s24+$0x5100]  }
0x28: {  	(erf) = vpow2.f32 v8;
	v8 =	vand.u32 $0xF, v14  }
0x29: {  	v14 =	vbroadcast v8, $0x0;
	v19 =	vpop (erf)  }
0x2a: {  	v16 =	vpop (erf)  }
0x2b: {  	v17 =	vperm.xlane v7, v14;
	v15 =	vmul.f32 $3.010262550e-02, v16  }
0x2c: {  	v18 =	vperm.xlane v6, v14;
	v21 =	vmul.f32 $3.010262550e-02, v19;
	v20 =	vpop (erf)  }
0x2d: {  	vm4 =	veq.s32 v17, v4;
	v14 =	vadd.f32 $-1.301194130e-01, v15;
	v15 =	vmul.f32 $3.010262550e-02, v20  }
0x2e: {  	vm3 =	veq.s32 v17, v3;
	vm0 =	veq.s32 v17, v2;
	v21 =	vadd.f32 $-1.301194130e-01, v21  }
0x2f: {  	vm1 =	veq.s32 v17, v1;
	v22 =	vpop (erf);
	v14 =	vmul.f32 v14, v16;
	v15 =	vadd.f32 $-1.301194130e-01, v15  }
0x30: {  	vm2 =	veq.s32 v17, v0;
	v17 =	vmul.f32 v21, v19;
	v23 =	vmul.f32 $3.010262550e-02, v22  }
0x31: {  	v34 =	vmax.f32 v11, $0.0e+00;
	v25 =	vpop (erf);
	v14 =	vadd.f32 $2.833043340e-01, v14;
	v15 =	vmul.f32 v15, v20  }
0x32: {  	v17 =	vadd.f32 $2.833043340e-01, v17;
	v21 =	vadd.f32 $-1.301194130e-01, v23;
	v23 =	vmul.f32 $3.010262550e-02, v25  }
0x33: {  	v27 =	vmax.f32 v9, $0.0e+00;
	v14 =	vmul.f32 v14, v16;
	v15 =	vadd.f32 $2.833043340e-01, v15  }
0x34: {  	v17 =	vmul.f32 v17, v19;
	v21 =	vmul.f32 v21, v22;
	v23 =	vadd.f32 $-1.301194130e-01, v23  }
0x35: {  	v31 =	vmax.f32 v10, $0.0e+00;
	v14 =	vadd.f32 $-4.891568420e-01, v14;
	v15 =	vmul.f32 v15, v20  }
0x36: {  	v17 =	vadd.f32 $-4.891568420e-01, v17;
	v21 =	vadd.f32 $2.833043340e-01, v21;
	v23 =	vmul.f32 v23, v25  }
0x37: {  	v29 =	vmax.f32 v12, $0.0e+00;
	v24 =	vmul.f32 v14, v16;
	v15 =	vadd.f32 $-4.891568420e-01, v15  }
0x38: {  	v17 =	vmul.f32 v17, v19;
	v21 =	vmul.f32 v21, v22;
	v23 =	vadd.f32 $2.833043340e-01, v23  }
0x39: {  	v30 =	vmax.f32 v13, $0.0e+00;
	s24 =	sadd.s32 $0x80, s22;
	v24 =	vadd.f32 $9.990104430e-01, v24;
	v26 =	vmul.f32 v15, v20  }
0x3a: {  	s31 =	simm.s32 $0x1;
	v14 =	vld [tilespmem:s24+$0x20];
	v32 =	vadd.f32 $9.990104430e-01, v17;
	v21 =	vadd.f32 $-4.891568420e-01, v21;
	v23 =	vmul.f32 v23, v25  }
0x3b: {  	v8 =	vmov s31;
	v15 =	vld [tilespmem:s24+$0x10];
	v24 =	vmul.f32 v24, v16;
	v26 =	vadd.f32 $9.990104430e-01, v26  }
0x3c: {  	v19 =	vmul.f32 v32, v19;
	v16 =	vld [tilespmem:s24+$0x0];
	v21 =	vmul.f32 v21, v22;
	v23 =	vadd.f32 $-4.891568420e-01, v23  }
0x3d: {  	v8 =	vand.u32 $0xF, v8;
	v17 =	vld [tilespmem:s24+$0xFFFFFFE0];
	v24 =	vadd.f32 $2.211703030e-05, v24;
	v20 =	vmul.f32 v26, v20  }
0x3e: {  	v19 =	vadd.f32 $2.211703030e-05, v19;
	v21 =	vadd.f32 $9.990104430e-01, v21;
	v23 =	vmul.f32 v23, v25  }
0x3f: {  	v28 =	vand.u32 $0x7FFFFFFF, v14;
	v24 =	vadd.f32 v24, v30;
	v20 =	vadd.f32 $2.211703030e-05, v20  }
0x40: {  	v26 =	vand.u32 $0x7FFFFFFF, v15;
	v21 =	vmul.f32 v21, v22;
	v22 =	vadd.f32 $9.990104430e-01, v23  }
0x41: {  	v30 =	vand.u32 $0x7FFFFFFF, v16;
	v63 =	vsub.f32 v13, v24;
	v23 =	vadd.f32 v20, v29  }
0x42: {  	v29 =	vand.u32 $0x7FFFFFFF, v17;
	v20 =	vadd.f32 $2.211703030e-05, v21;
	v21 =	vmul.f32 v22, v25  }
0x43: {  	v25 =	vadd.f32 v19, v31;
	v32 =	vmul.f32 $1.442695020e+00, v63;
	v33 =	vsub.f32 v12, v23  }
0x44: {  	v19 =	vnsel vm4, $0x0, v18;
	v22 =	vadd.f32 v20, v27;
	v20 =	vadd.f32 $2.211703030e-05, v21  }
0x45: {  	v31 =	vmul.f32 $1.442695020e+00, v33;
	v33 =	vsub.f32 v10, v25;
	(erf) = vpow2.f32 v32  }
0x46: {  	s25 =	simm.s32 $0x2;
	v27 =	vnsel vm3, $0x0, v18;
	v32 =	vsub.f32 v9, v22;
	v21 =	vadd.f32 v20, v34  }
.LBB2_3:
0x47: {  	p0 =	sne.s32 s25, $0xF;
	v20 =	vmul.f32 $1.442695020e+00, v33;
	v33 =	vnsel vm0, $0x0, v18;
	(erf) = vpow2.f32 v31  }
0x48: {  	v34 =	vnsel vm1, $0x0, v18;
	v31 =	vld [tilespmem:s24+$0xFFFFFFF0];
	v32 =	vmul.f32 $1.442695020e+00, v32;
	v35 =	vsub.f32 v11, v21  }
0x49: {  	v18 =	vnsel vm2, $0x0, v18;
	v36 =	vmul.f32 v11, v19;
	v11 =	vmovc v14;
	(erf) = vpow2.f32 v20  }
0x4a: {  	v14 =	vsub.f32 $0.0e+00, v28;
	v20 =	vmul.f32 $1.442695020e+00, v35;
	(erf) = vpow2.f32 v32  }
0x4b: {  	v28 =	vsub.f32 $0.0e+00, v30;
	v30 =	vmul.f32 v10, v33;
	v10 =	vmovc v16;
	v32 =	vmul.f32 v9, v27;
	v9 =	vmovc v15  }
0x4c: {  	v16 =	vmul.f32 v12, v34;
	v15 =	vsub.f32 $0.0e+00, v29;
	(erf) = vpow2.f32 v20  }
0x4d: {  	v28 =	vmul.f32 $1.442695020e+00, v28;
	v29 =	vmul.f32 v18, v13;
	v13 =	vmovc v17;
	v35 =	vand.u32 $0x7FFFFFFF, v31;
	v12 =	vmovc v31  }
0x4e: {  	v14 =	vmul.f32 $1.442695020e+00, v14;
	v31 =	vmul.f32 $1.442695020e+00, v15;
	v17 =	vsub.f32 $0.0e+00, v35;
	v20 =	vpop (erf)  }
0x4f: {  	(erf) = vpow2.f32 v28;
	v18 =	vsub.f32 v20, v18;
	v20 =	vsub.f32 v24, v29  }
0x50: {  	v26 =	vsub.f32 $0.0e+00, v26;
	v17 =	vmul.f32 $1.442695020e+00, v17;
	(erf) = vpow2.f32 v31;
	v15 =	vpop (erf)  }
0x51: {  	v16 =	vsub.f32 v23, v16;
	v20 =	vmul.f32 v18, v20;
	v15 =	vsub.f32 v15, v34  }
0x52: {  	v23 =	vmul.f32 $1.442695020e+00, v26;
	v25 =	vsub.f32 v25, v30;
	(erf) = vpow2.f32 v17;
	v24 =	vpop (erf)  }
0x53: {  	v18 =	vmul.f32 v20, v18;
	v16 =	vmul.f32 v15, v16;
	v20 =	vsub.f32 v24, v33;
	v24 =	vpop (erf)  }
0x54: {  	v22 =	vsub.f32 v22, v32;
	(erf) = vpow2.f32 v23;
	v23 =	vsub.f32 v24, v27  }
0x55: {  	v5 =	vadd.f32 v18, v5;
	v15 =	vmul.f32 v16, v15;
	v16 =	vmul.f32 v20, v25;
	v17 =	vpop (erf)  }
0x56: {  	(erf) = vpow2.f32 v14;
	v14 =	vsub.f32 v17, v19;
	v17 =	vsub.f32 v21, v36  }
0x57: {  	v5 =	vadd.f32 v15, v5;
	v15 =	vmul.f32 v16, v20;
	v16 =	vmul.f32 v23, v22  }
0x58: {  	v24 =	vbroadcast v8, $0x0;
	v18 =	vmov s25;
	v20 =	vpop (erf)  }
0x59: {  	v21 =	vpop (erf);
	v5 =	vadd.f32 v15, v5;
	v15 =	vmul.f32 v16, v23;
	v16 =	vmul.f32 v14, v17  }
0x5a: {  	v8 =	vand.u32 $0xF, v18;
	v17 =	vperm.xlane v7, v24;
	v22 =	vmul.f32 $3.010262550e-02, v21  }
0x5b: {  	v18 =	vperm.xlane v6, v24;
	v19 =	vpop (erf);
	v5 =	vadd.f32 v15, v5;
	v14 =	vmul.f32 v16, v14  }
0x5c: {  	vm4 =	veq.s32 v17, v4;
	v15 =	vadd.f32 $-1.301194130e-01, v22;
	v16 =	vmul.f32 $3.010262550e-02, v19  }
0x5d: {  	vm3 =	veq.s32 v17, v3;
	v22 =	vmul.f32 $3.010262550e-02, v20;
	v23 =	vpop (erf);
	v5 =	vadd.f32 v14, v5  }
0x5e: {  	vm0 =	veq.s32 v17, v2;
	v14 =	vmul.f32 v15, v21;
	v15 =	vadd.f32 $-1.301194130e-01, v16  }
0x5f: {  	vm1 =	veq.s32 v17, v1;
	v16 =	vadd.f32 $-1.301194130e-01, v22;
	v22 =	vmul.f32 $3.010262550e-02, v23;
	v25 =	vpop (erf)  }
0x60: {  	vm2 =	veq.s32 v17, v0;
	v14 =	vadd.f32 $2.833043340e-01, v14;
	v15 =	vmul.f32 v15, v19  }
0x61: {  	v16 =	vmul.f32 v16, v20;
	v17 =	vadd.f32 $-1.301194130e-01, v22;
	v22 =	vmul.f32 $3.010262550e-02, v25  }
0x62: {  	v34 =	vmax.f32 v11, $0.0e+00;
	v14 =	vmul.f32 v14, v21;
	v15 =	vadd.f32 $2.833043340e-01, v15  }
0x63: {  	v16 =	vadd.f32 $2.833043340e-01, v16;
	v17 =	vmul.f32 v17, v23;
	v22 =	vadd.f32 $-1.301194130e-01, v22  }
0x64: {  	v27 =	vmax.f32 v9, $0.0e+00;
	v14 =	vadd.f32 $-4.891568420e-01, v14;
	v15 =	vmul.f32 v15, v19  }
0x65: {  	v16 =	vmul.f32 v16, v20;
	v17 =	vadd.f32 $2.833043340e-01, v17;
	v22 =	vmul.f32 v22, v25  }
0x66: {  	s24 =	sadd.s32 $0x80, s24;
	v31 =	vmax.f32 v10, $0.0e+00;
	v24 =	vmul.f32 v14, v21;
	v15 =	vadd.f32 $-4.891568420e-01, v15  }
0x67: {  	v16 =	vadd.f32 $-4.891568420e-01, v16;
	v17 =	vmul.f32 v17, v23;
	v22 =	vadd.f32 $2.833043340e-01, v22;
	v14 =	vld [tilespmem:s24+$0x20]  }
0x68: {  	v29 =	vmax.f32 v12, $0.0e+00;
	v24 =	vadd.f32 $9.990104430e-01, v24;
	v26 =	vmul.f32 v15, v19  }
0x69: {  	v28 =	vmul.f32 v16, v20;
	v17 =	vadd.f32 $-4.891568420e-01, v17;
	v22 =	vmul.f32 v22, v25;
	v15 =	vld [tilespmem:s24+$0x10]  }
0x6a: {  	v21 =	vmul.f32 v24, v21;
	v24 =	vmax.f32 v13, $0.0e+00;
	v26 =	vadd.f32 $9.990104430e-01, v26  }
0x6b: {  	v30 =	vadd.f32 $9.990104430e-01, v28;
	v32 =	vmul.f32 v17, v23;
	v22 =	vadd.f32 $-4.891568420e-01, v22;
	v16 =	vld [tilespmem:s24+$0x0]  }
0x6c: {  	v17 =	vld [tilespmem:s24+$0xFFFFFFE0];
	v28 =	vand.u32 $0x7FFFFFFF, v14;
	v21 =	vadd.f32 $2.211703030e-05, v21;
	v19 =	vmul.f32 v26, v19  }
0x6d: {  	v20 =	vmul.f32 v30, v20;
	v30 =	vadd.f32 $9.990104430e-01, v32;
	v22 =	vmul.f32 v22, v25  }
0x6e: {  	v26 =	vand.u32 $0x7FFFFFFF, v15;
	v24 =	vadd.f32 v21, v24;
	v19 =	vadd.f32 $2.211703030e-05, v19  }
0x6f: {  	v20 =	vadd.f32 $2.211703030e-05, v20;
	v21 =	vmul.f32 v30, v23;
	v22 =	vadd.f32 $9.990104430e-01, v22  }
0x70: {  	v30 =	vand.u32 $0x7FFFFFFF, v16;
	v32 =	vsub.f32 v13, v24;
	v23 =	vadd.f32 v19, v29  }
.Ltmp0:
0x71: {  	v19 =	vadd.f32 $2.211703030e-05, v21;
	v21 =	vmul.f32 v22, v25;
	v29 =	vand.u32 $0x7FFFFFFF, v17;
	(pc) =	sbr.rel @p0 .LBB2_3-.Ltmp0, $4  }
0x72: {  	v25 =	vadd.f32 v20, v31;
	v32 =	vmul.f32 $1.442695020e+00, v32;
	v33 =	vsub.f32 v12, v23  }
0x73: {  	v22 =	vadd.f32 v19, v27;
	v20 =	vadd.f32 $2.211703030e-05, v21;
	v19 =	vnsel vm4, $0x0, v18  }
0x74: {  	v31 =	vmul.f32 $1.442695020e+00, v33;
	v33 =	vsub.f32 v10, v25;
	(erf) = vpow2.f32 v32  }
0x75: {  	s25 =	sadd.s32 $0x1, s25;
	v27 =	vnsel vm3, $0x0, v18;
	v32 =	vsub.f32 v9, v22;
	v21 =	vadd.f32 v20, v34  }
0x76: {  	v20 =	vld [tilespmem:s24+$0xFFFFFFF0];
	_ =	sdelay $0x1  }
0x77: {  	v33 =	vmul.f32 $1.442695020e+00, v33;
	v34 =	vsub.f32 v11, v21  }
0x78: {  	(erf) = vpow2.f32 v31;
	v30 =	vsub.f32 $0.0e+00, v30;
	v56 =	vmul.f32 $1.442695020e+00, v32  }
0x79: {  	v29 =	vsub.f32 $0.0e+00, v29;
	(erf) = vpow2.f32 v33;
	v57 =	vmul.f32 $1.442695020e+00, v34  }
0x7a: {  	v30 =	vmul.f32 $1.442695020e+00, v30;
	(erf) = vpow2.f32 v56;
	v58 =	vand.u32 $0x7FFFFFFF, v20  }
0x7b: {  	v29 =	vmul.f32 $1.442695020e+00, v29;
	(erf) = vpow2.f32 v57;
	v31 =	vsub.f32 $0.0e+00, v58  }
0x7c: {  	(erf) = vpow2.f32 v30  }
0x7d: {  	(erf) = vpow2.f32 v29;
	v59 =	vmul.f32 $1.442695020e+00, v31  }
0x7e: {  	v26 =	vsub.f32 $0.0e+00, v26  }
0x7f: {  	(erf) = vpow2.f32 v59  }
0x80: {  	v28 =	vsub.f32 $0.0e+00, v28;
	v26 =	vmul.f32 $1.442695020e+00, v26;
	v60 =	vpop (erf)  }
0x81: {  	v62 =	vpop (erf)  }
0x82: {  	v61 =	vnsel vm2, $0x0, v18;
	v28 =	vmul.f32 $1.442695020e+00, v28;
	v33 =	vpop (erf);
	(erf) = vpow2.f32 v26  }
0x83: {  	v63 =	vnsel vm1, $0x0, v18;
	v39 =	vmul.f32 v11, v19;
	v9 =	vmul.f32 v9, v27;
	v37 =	vpop (erf)  }
0x84: {  	v36 =	vnsel vm0, $0x0, v18;
	v13 =	vmul.f32 v61, v13;
	v38 =	vpop (erf);
	(erf) = vpow2.f32 v28  }
0x85: {  	v8 =	vbroadcast v8, $0x0;
	v35 =	vmax.f32 v14, $0.0e+00;
	v12 =	vmul.f32 v12, v63;
	v40 =	vpop (erf)  }
0x86: {  	v10 =	vmul.f32 v10, v36;
	v13 =	vsub.f32 v24, v13;
	v29 =	vsub.f32 v60, v61;
	v42 =	vpop (erf)  }
0x87: {  	v32 =	vmax.f32 v16, $0.0e+00;
	v9 =	vsub.f32 v22, v9;
	v43 =	vmul.f32 $3.010262550e-02, v42  }
0x88: {  	v11 =	vsub.f32 v21, v39;
	v7 =	vperm.xlane v7, v8;
	v13 =	vmul.f32 v29, v13;
	v44 =	vpop (erf)  }
0x89: {  	v10 =	vsub.f32 v25, v10;
	v25 =	vadd.f32 $-1.301194130e-01, v43;
	v45 =	vmul.f32 $3.010262550e-02, v44  }
0x8a: {  	v12 =	vsub.f32 v23, v12;
	v13 =	vmul.f32 v13, v29;
	v46 =	vmul.f32 $3.010262550e-02, v40  }
0x8b: {  	v26 =	vsub.f32 v37, v27;
	v47 =	vpop (erf);
	v25 =	vmul.f32 v25, v42;
	v27 =	vadd.f32 $-1.301194130e-01, v45  }
0x8c: {  	v5 =	vadd.f32 v13, v5;
	v13 =	vadd.f32 $-1.301194130e-01, v46;
	v48 =	vmul.f32 $3.010262550e-02, v47  }
0x8d: {  	v31 =	vmax.f32 v15, $0.0e+00;
	v50 =	vpop (erf);
	v25 =	vadd.f32 $2.833043340e-01, v25;
	v27 =	vmul.f32 v27, v44  }
0x8e: {  	v13 =	vmul.f32 v13, v40;
	v30 =	vadd.f32 $-1.301194130e-01, v48;
	v51 =	vmul.f32 $3.010262550e-02, v50  }
0x8f: {  	v18 =	vsub.f32 v33, v36;
	v52 =	vmul.f32 v25, v42;
	v53 =	vadd.f32 $2.833043340e-01, v27  }
0x90: {  	v13 =	vadd.f32 $2.833043340e-01, v13;
	v54 =	vmul.f32 v30, v47;
	v55 =	vadd.f32 $-1.301194130e-01, v51  }
0x91: {  	v10 =	vmul.f32 v18, v10;
	v56 =	vadd.f32 $-4.891568420e-01, v52;
	v57 =	vmul.f32 v53, v44  }
0x92: {  	v13 =	vmul.f32 v13, v40;
	v58 =	vadd.f32 $2.833043340e-01, v54;
	v59 =	vmul.f32 v55, v50  }
0x93: {  	v10 =	vmul.f32 v10, v18;
	v18 =	vmul.f32 v56, v42;
	v21 =	vadd.f32 $-4.891568420e-01, v57  }
0x94: {  	v13 =	vadd.f32 $-4.891568420e-01, v13;
	v25 =	vmul.f32 v58, v47;
	v27 =	vadd.f32 $2.833043340e-01, v59  }
0x95: {  	v41 =	vsub.f32 v62, v63;
	v18 =	vadd.f32 $9.990104430e-01, v18;
	v21 =	vmul.f32 v21, v44  }
0x96: {  	v13 =	vmul.f32 v13, v40;
	v25 =	vadd.f32 $-4.891568420e-01, v25;
	v27 =	vmul.f32 v27, v50  }
0x97: {  	v62 =	vmax.f32 v17, $0.0e+00;
	v18 =	vmul.f32 v18, v42;
	v21 =	vadd.f32 $9.990104430e-01, v21  }
0x98: {  	v13 =	vadd.f32 $9.990104430e-01, v13;
	v60 =	vmul.f32 v25, v47;
	v61 =	vadd.f32 $-4.891568420e-01, v27  }
0x99: {  	v63 =	vmax.f32 v20, $0.0e+00;
	v18 =	vadd.f32 $2.211703030e-05, v18;
	v21 =	vmul.f32 v21, v44  }
0x9a: {  	v13 =	vmul.f32 v13, v40;
	v23 =	vadd.f32 $9.990104430e-01, v60;
	v25 =	vmul.f32 v61, v50  }
0x9b: {  	v9 =	vmul.f32 v26, v9;
	v18 =	vadd.f32 v18, v62;
	v21 =	vadd.f32 $2.211703030e-05, v21  }
0x9c: {  	v13 =	vadd.f32 $2.211703030e-05, v13;
	v22 =	vmul.f32 v23, v47;
	v30 =	vadd.f32 $9.990104430e-01, v25  }
0x9d: {  	v9 =	vmul.f32 v9, v26;
	v26 =	vsub.f32 v17, v18;
	v21 =	vadd.f32 v21, v63  }
0x9e: {  	v49 =	vsub.f32 v38, v19;
	v22 =	vadd.f32 $2.211703030e-05, v22;
	v23 =	vmul.f32 v30, v50  }
0x9f: {  	v13 =	vadd.f32 v13, v32;
	v33 =	vmul.f32 $1.442695020e+00, v26;
	v34 =	vsub.f32 v20, v21  }
0xa0: {  	v6 =	vperm.xlane v6, v8;
	v22 =	vadd.f32 v22, v31;
	v23 =	vadd.f32 $2.211703030e-05, v23  }
0xa1: {  	v37 =	vsub.f32 v16, v13;
	(erf) = vpow2.f32 v33;
	v36 =	vmul.f32 $1.442695020e+00, v34  }
0xa2: {  	v12 =	vmul.f32 v41, v12;
	v38 =	vsub.f32 v15, v22;
	v23 =	vadd.f32 v23, v35  }
0xa3: {  	v39 =	vmul.f32 $1.442695020e+00, v37;
	(erf) = vpow2.f32 v36  }
0xa4: {  	v12 =	vmul.f32 v12, v41;
	v24 =	vmul.f32 $1.442695020e+00, v38;
	v40 =	vsub.f32 v14, v23  }
0xa5: {  	vm12 =	veq.s32 v7, v0;
	vm13 =	veq.s32 v7, v4;
	(erf) = vpow2.f32 v39  }
0xa6: {  	v5 =	vadd.f32 v12, v5;
	v41 =	vmul.f32 $1.442695020e+00, v40;
	(erf) = vpow2.f32 v24  }
0xa7: {  	vm14 =	veq.s32 v7, v2;
	vm15 =	veq.s32 v7, v1;
	vm3 =	veq.s32 v7, v3  }
0xa8: {  	v5 =	vadd.f32 v10, v5;
	v43 =	vnsel vm12, $0x0, v6;
	(erf) = vpow2.f32 v41  }
0xa9: {  	v7 =	vnsel vm14, $0x0, v6;
	v11 =	vmul.f32 v49, v11;
	v44 =	vmul.f32 v43, v17  }
0xaa: {  	v5 =	vadd.f32 v9, v5;
	v45 =	vnsel vm15, $0x0, v6;
	v48 =	vnsel vm3, $0x0, v6;
	v46 =	vpop (erf)  }
0xab: {  	v47 =	vmul.f32 v20, v45;
	v8 =	vsub.f32 v18, v44;
	v10 =	vsub.f32 v46, v43  }
0xac: {  	v6 =	vnsel vm13, $0x0, v6;
	v42 =	vmul.f32 v11, v49;
	v49 =	vmul.f32 v16, v7;
	v50 =	vpop (erf)  }
0xad: {  	v51 =	vsub.f32 v21, v47;
	v8 =	vmul.f32 v10, v8;
	v11 =	vsub.f32 v50, v45  }
0xae: {  	v52 =	vmul.f32 v15, v48;
	v5 =	vadd.f32 v42, v5;
	v12 =	vsub.f32 v13, v49;
	v53 =	vpop (erf)  }
0xaf: {  	v8 =	vmul.f32 v8, v10;
	v7 =	vsub.f32 v53, v7;
	v55 =	vpop (erf);
	v54 =	vmul.f32 v11, v51  }
0xb0: {  	v56 =	vmul.f32 v14, v6;
	v57 =	vsub.f32 v22, v52;
	v9 =	vsub.f32 v55, v48  }
0xb1: {  	v5 =	vadd.f32 v8, v5;
	v59 =	vmul.f32 v7, v12;
	v60 =	vpop (erf);
	v58 =	vmul.f32 v54, v11  }
0xb2: {  	v61 =	vsub.f32 v23, v56;
	v6 =	vsub.f32 v60, v6  }
0xb3: {  	s23 =	sadd.s32 $0x1, s23;
	v62 =	vmul.f32 v9, v57;
	v7 =	vmul.f32 v59, v7;
	v5 =	vadd.f32 v58, v5  }
0xb4: {  	p0 =	sne.s32 s23, $0xA  }
.Ltmp1:
0xb5: {  	v63 =	vmul.f32 v6, v61;
	v5 =	vadd.f32 v7, v5;
	v7 =	vmul.f32 v62, v9;
	(pc) =	sbr.rel @p0 .LBB2_2-.Ltmp1, $3  }
0xb6: {  	_ = 	snop  }
0xb7: {  	v6 =	vmul.f32 v63, v6;
	v5 =	vadd.f32 v7, v5;
	_ =	sdelay $0x1  }
0xb8: {  	s22 =	sadd.s32 $0x800, s22;
	v5 =	vadd.f32 v6, v5  }
0xb9: {  	s22 =	simm.s32 $0x0  }
0xba: {  	[tilespmem:s17], [sflag:$0x1] =	stream.linear.gather [hbm4b:s5+s22], $0xA0, $0x38;
	[tilespmem:$0x5280] =	vst v63  }
0xbb: {  	_ =	swait.ge [sflag:s18], $0xA0  }
0xbc: {  	[sflag:s18] =	ssyncset.done $0x0  }
0xbd: {  	[sflag:s18] =	ssyncadd.s32 $0xFFFFFF60  }
0xbe: {  	[tilespmem:s19], [sflag:$0x1] =	stream.linear.gather [hbm4b:s6+s22], $0xA0, $0x38;
	[tilespmem:$0x5280] =	vst v63  }
0xbf: {  	_ =	swait.ge [sflag:s18], $0xA0  }
0xc0: {  	[sflag:s18] =	ssyncset.done $0x0  }
0xc1: {  	s23 =	simm.s32 $0x20;
	s24 =	simm.s32 $0x0;
	[sflag:s18] =	ssyncadd.s32 $0xFFFFFF60  }
.LBB2_6:
0xc2: {  	v10 =	vld [tilespmem:s23+$0x0]  }
0xc3: {  	v13 =	vld [tilespmem:s23+$0xFFFFFFE0];
	_ =	sdelay $0x1  }
0xc4: {  	v12 =	vld [tilespmem:s23+$0xFFFFFFF0];
	_ =	sdelay $0x1  }
0xc5: {  	v6 =	vand.u32 $0x7FFFFFFF, v10  }
0xc6: {  	v9 =	vld [tilespmem:s23+$0x10];
	v7 =	vand.u32 $0x7FFFFFFF, v13;
	v6 =	vsub.f32 $0.0e+00, v6  }
0xc7: {  	v7 =	vsub.f32 $0.0e+00, v7  }
0xc8: {  	v11 =	vld [tilespmem:s23+$0x20];
	v8 =	vand.u32 $0x7FFFFFFF, v12;
	v6 =	vmul.f32 $1.442695020e+00, v6  }
0xc9: {  	v8 =	vsub.f32 $0.0e+00, v8;
	v7 =	vmul.f32 $1.442695020e+00, v7  }
0xca: {  	(erf) = vpow2.f32 v6  }
0xcb: {  	v8 =	vmul.f32 $1.442695020e+00, v8;
	v6 =	vand.u32 $0x7FFFFFFF, v9;
	(erf) = vpow2.f32 v7  }
0xcc: {  	v6 =	vsub.f32 $0.0e+00, v6  }
0xcd: {  	v7 =	vand.u32 $0x7FFFFFFF, v11;
	(erf) = vpow2.f32 v8  }
0xce: {  	v7 =	vsub.f32 $0.0e+00, v7;
	v6 =	vmul.f32 $1.442695020e+00, v6  }
0xcf: {  	s25 =	sshll.u32 s24, $0x4  }
0xd0: {  	v8 =	vmul.f32 $1.442695020e+00, v7;
	v7 =	vld [tilespmem:s25+$0x5000];
	(erf) = vpow2.f32 v6  }
0xd1: {  	v14 =	vmov s22;
	v6 =	vld [tilespmem:s25+$0x5100]  }
0xd2: {  	(erf) = vpow2.f32 v8;
	v8 =	vand.u32 $0xF, v14  }
0xd3: {  	v14 =	vbroadcast v8, $0x0;
	v19 =	vpop (erf)  }
0xd4: {  	v16 =	vpop (erf)  }
0xd5: {  	v17 =	vperm.xlane v7, v14;
	v15 =	vmul.f32 $3.010262550e-02, v16  }
0xd6: {  	v18 =	vperm.xlane v6, v14;
	v21 =	vmul.f32 $3.010262550e-02, v19;
	v20 =	vpop (erf)  }
0xd7: {  	vm4 =	veq.s32 v17, v4;
	v14 =	vadd.f32 $-1.301194130e-01, v15;
	v15 =	vmul.f32 $3.010262550e-02, v20  }
0xd8: {  	vm3 =	veq.s32 v17, v3;
	vm0 =	veq.s32 v17, v2;
	v21 =	vadd.f32 $-1.301194130e-01, v21  }
0xd9: {  	vm1 =	veq.s32 v17, v1;
	v22 =	vpop (erf);
	v14 =	vmul.f32 v14, v16;
	v15 =	vadd.f32 $-1.301194130e-01, v15  }
0xda: {  	vm2 =	veq.s32 v17, v0;
	v17 =	vmul.f32 v21, v19;
	v23 =	vmul.f32 $3.010262550e-02, v22  }
0xdb: {  	v34 =	vmax.f32 v11, $0.0e+00;
	v25 =	vpop (erf);
	v14 =	vadd.f32 $2.833043340e-01, v14;
	v15 =	vmul.f32 v15, v20  }
0xdc: {  	v17 =	vadd.f32 $2.833043340e-01, v17;
	v21 =	vadd.f32 $-1.301194130e-01, v23;
	v23 =	vmul.f32 $3.010262550e-02, v25  }
0xdd: {  	v27 =	vmax.f32 v9, $0.0e+00;
	v14 =	vmul.f32 v14, v16;
	v15 =	vadd.f32 $2.833043340e-01, v15  }
0xde: {  	v17 =	vmul.f32 v17, v19;
	v21 =	vmul.f32 v21, v22;
	v23 =	vadd.f32 $-1.301194130e-01, v23  }
0xdf: {  	v31 =	vmax.f32 v10, $0.0e+00;
	v14 =	vadd.f32 $-4.891568420e-01, v14;
	v15 =	vmul.f32 v15, v20  }
0xe0: {  	v17 =	vadd.f32 $-4.891568420e-01, v17;
	v21 =	vadd.f32 $2.833043340e-01, v21;
	v23 =	vmul.f32 v23, v25  }
0xe1: {  	v29 =	vmax.f32 v12, $0.0e+00;
	v24 =	vmul.f32 v14, v16;
	v15 =	vadd.f32 $-4.891568420e-01, v15  }
0xe2: {  	v17 =	vmul.f32 v17, v19;
	v21 =	vmul.f32 v21, v22;
	v23 =	vadd.f32 $2.833043340e-01, v23  }
0xe3: {  	v30 =	vmax.f32 v13, $0.0e+00;
	s25 =	sadd.s32 $0x80, s23;
	v24 =	vadd.f32 $9.990104430e-01, v24;
	v26 =	vmul.f32 v15, v20  }
0xe4: {  	s31 =	simm.s32 $0x1;
	v14 =	vld [tilespmem:s25+$0x20];
	v32 =	vadd.f32 $9.990104430e-01, v17;
	v21 =	vadd.f32 $-4.891568420e-01, v21;
	v23 =	vmul.f32 v23, v25  }
0xe5: {  	v8 =	vmov s31;
	v15 =	vld [tilespmem:s25+$0x10];
	v24 =	vmul.f32 v24, v16;
	v26 =	vadd.f32 $9.990104430e-01, v26  }
0xe6: {  	v19 =	vmul.f32 v32, v19;
	v16 =	vld [tilespmem:s25+$0x0];
	v21 =	vmul.f32 v21, v22;
	v23 =	vadd.f32 $-4.891568420e-01, v23  }
0xe7: {  	v8 =	vand.u32 $0xF, v8;
	v17 =	vld [tilespmem:s25+$0xFFFFFFE0];
	v24 =	vadd.f32 $2.211703030e-05, v24;
	v20 =	vmul.f32 v26, v20  }
0xe8: {  	v19 =	vadd.f32 $2.211703030e-05, v19;
	v21 =	vadd.f32 $9.990104430e-01, v21;
	v23 =	vmul.f32 v23, v25  }
0xe9: {  	v28 =	vand.u32 $0x7FFFFFFF, v14;
	v24 =	vadd.f32 v24, v30;
	v20 =	vadd.f32 $2.211703030e-05, v20  }
0xea: {  	v26 =	vand.u32 $0x7FFFFFFF, v15;
	v21 =	vmul.f32 v21, v22;
	v22 =	vadd.f32 $9.990104430e-01, v23  }
0xeb: {  	v30 =	vand.u32 $0x7FFFFFFF, v16;
	v63 =	vsub.f32 v13, v24;
	v23 =	vadd.f32 v20, v29  }
0xec: {  	v29 =	vand.u32 $0x7FFFFFFF, v17;
	v20 =	vadd.f32 $2.211703030e-05, v21;
	v21 =	vmul.f32 v22, v25  }
0xed: {  	v25 =	vadd.f32 v19, v31;
	v32 =	vmul.f32 $1.442695020e+00, v63;
	v33 =	vsub.f32 v12, v23  }
0xee: {  	v19 =	vnsel vm4, $0x0, v18;
	v22 =	vadd.f32 v20, v27;
	v20 =	vadd.f32 $2.211703030e-05, v21  }
0xef: {  	v31 =	vmul.f32 $1.442695020e+00, v33;
	v33 =	vsub.f32 v10, v25;
	(erf) = vpow2.f32 v32  }
0xf0: {  	s26 =	simm.s32 $0x2;
	v27 =	vnsel vm3, $0x0, v18;
	v32 =	vsub.f32 v9, v22;
	v21 =	vadd.f32 v20, v34  }
.LBB2_7:
0xf1: {  	p0 =	sne.s32 s26, $0xF;
	v20 =	vmul.f32 $1.442695020e+00, v33;
	v33 =	vnsel vm0, $0x0, v18;
	(erf) = vpow2.f32 v31  }
0xf2: {  	v34 =	vnsel vm1, $0x0, v18;
	v31 =	vld [tilespmem:s25+$0xFFFFFFF0];
	v32 =	vmul.f32 $1.442695020e+00, v32;
	v35 =	vsub.f32 v11, v21  }
0xf3: {  	v18 =	vnsel vm2, $0x0, v18;
	v36 =	vmul.f32 v11, v19;
	v11 =	vmovc v14;
	(erf) = vpow2.f32 v20  }
0xf4: {  	v14 =	vsub.f32 $0.0e+00, v28;
	v20 =	vmul.f32 $1.442695020e+00, v35;
	(erf) = vpow2.f32 v32  }
0xf5: {  	v28 =	vsub.f32 $0.0e+00, v30;
	v30 =	vmul.f32 v10, v33;
	v10 =	vmovc v16;
	v32 =	vmul.f32 v9, v27;
	v9 =	vmovc v15  }
0xf6: {  	v16 =	vmul.f32 v12, v34;
	v15 =	vsub.f32 $0.0e+00, v29;
	(erf) = vpow2.f32 v20  }
0xf7: {  	v28 =	vmul.f32 $1.442695020e+00, v28;
	v29 =	vmul.f32 v18, v13;
	v13 =	vmovc v17;
	v35 =	vand.u32 $0x7FFFFFFF, v31;
	v12 =	vmovc v31  }
0xf8: {  	v14 =	vmul.f32 $1.442695020e+00, v14;
	v31 =	vmul.f32 $1.442695020e+00, v15;
	v17 =	vsub.f32 $0.0e+00, v35;
	v20 =	vpop (erf)  }
0xf9: {  	(erf) = vpow2.f32 v28;
	v18 =	vsub.f32 v20, v18;
	v20 =	vsub.f32 v24, v29  }
0xfa: {  	v26 =	vsub.f32 $0.0e+00, v26;
	v17 =	vmul.f32 $1.442695020e+00, v17;
	(erf) = vpow2.f32 v31;
	v15 =	vpop (erf)  }
0xfb: {  	v16 =	vsub.f32 v23, v16;
	v20 =	vmul.f32 v18, v20;
	v15 =	vsub.f32 v15, v34  }
0xfc: {  	v23 =	vmul.f32 $1.442695020e+00, v26;
	v25 =	vsub.f32 v25, v30;
	(erf) = vpow2.f32 v17;
	v24 =	vpop (erf)  }
0xfd: {  	v18 =	vmul.f32 v20, v18;
	v16 =	vmul.f32 v15, v16;
	v20 =	vsub.f32 v24, v33;
	v24 =	vpop (erf)  }
0xfe: {  	v22 =	vsub.f32 v22, v32;
	(erf) = vpow2.f32 v23;
	v23 =	vsub.f32 v24, v27  }
0xff: {  	v5 =	vadd.f32 v18, v5;
	v15 =	vmul.f32 v16, v15;
	v16 =	vmul.f32 v20, v25;
	v17 =	vpop (erf)  }
0x100: {  	(erf) = vpow2.f32 v14;
	v14 =	vsub.f32 v17, v19;
	v17 =	vsub.f32 v21, v36  }
0x101: {  	v5 =	vadd.f32 v15, v5;
	v15 =	vmul.f32 v16, v20;
	v16 =	vmul.f32 v23, v22  }
0x102: {  	v24 =	vbroadcast v8, $0x0;
	v18 =	vmov s26;
	v20 =	vpop (erf)  }
0x103: {  	v21 =	vpop (erf);
	v5 =	vadd.f32 v15, v5;
	v15 =	vmul.f32 v16, v23;
	v16 =	vmul.f32 v14, v17  }
0x104: {  	v8 =	vand.u32 $0xF, v18;
	v17 =	vperm.xlane v7, v24;
	v22 =	vmul.f32 $3.010262550e-02, v21  }
0x105: {  	v18 =	vperm.xlane v6, v24;
	v19 =	vpop (erf);
	v5 =	vadd.f32 v15, v5;
	v14 =	vmul.f32 v16, v14  }
0x106: {  	vm4 =	veq.s32 v17, v4;
	v15 =	vadd.f32 $-1.301194130e-01, v22;
	v16 =	vmul.f32 $3.010262550e-02, v19  }
0x107: {  	vm3 =	veq.s32 v17, v3;
	v22 =	vmul.f32 $3.010262550e-02, v20;
	v23 =	vpop (erf);
	v5 =	vadd.f32 v14, v5  }
0x108: {  	vm0 =	veq.s32 v17, v2;
	v14 =	vmul.f32 v15, v21;
	v15 =	vadd.f32 $-1.301194130e-01, v16  }
0x109: {  	vm1 =	veq.s32 v17, v1;
	v16 =	vadd.f32 $-1.301194130e-01, v22;
	v22 =	vmul.f32 $3.010262550e-02, v23;
	v25 =	vpop (erf)  }
0x10a: {  	vm2 =	veq.s32 v17, v0;
	v14 =	vadd.f32 $2.833043340e-01, v14;
	v15 =	vmul.f32 v15, v19  }
0x10b: {  	v16 =	vmul.f32 v16, v20;
	v17 =	vadd.f32 $-1.301194130e-01, v22;
	v22 =	vmul.f32 $3.010262550e-02, v25  }
0x10c: {  	v34 =	vmax.f32 v11, $0.0e+00;
	v14 =	vmul.f32 v14, v21;
	v15 =	vadd.f32 $2.833043340e-01, v15  }
0x10d: {  	v16 =	vadd.f32 $2.833043340e-01, v16;
	v17 =	vmul.f32 v17, v23;
	v22 =	vadd.f32 $-1.301194130e-01, v22  }
0x10e: {  	v27 =	vmax.f32 v9, $0.0e+00;
	v14 =	vadd.f32 $-4.891568420e-01, v14;
	v15 =	vmul.f32 v15, v19  }
0x10f: {  	v16 =	vmul.f32 v16, v20;
	v17 =	vadd.f32 $2.833043340e-01, v17;
	v22 =	vmul.f32 v22, v25  }
0x110: {  	s25 =	sadd.s32 $0x80, s25;
	v31 =	vmax.f32 v10, $0.0e+00;
	v24 =	vmul.f32 v14, v21;
	v15 =	vadd.f32 $-4.891568420e-01, v15  }
0x111: {  	v16 =	vadd.f32 $-4.891568420e-01, v16;
	v17 =	vmul.f32 v17, v23;
	v22 =	vadd.f32 $2.833043340e-01, v22;
	v14 =	vld [tilespmem:s25+$0x20]  }
0x112: {  	v29 =	vmax.f32 v12, $0.0e+00;
	v24 =	vadd.f32 $9.990104430e-01, v24;
	v26 =	vmul.f32 v15, v19  }
0x113: {  	v28 =	vmul.f32 v16, v20;
	v17 =	vadd.f32 $-4.891568420e-01, v17;
	v22 =	vmul.f32 v22, v25;
	v15 =	vld [tilespmem:s25+$0x10]  }
0x114: {  	v21 =	vmul.f32 v24, v21;
	v24 =	vmax.f32 v13, $0.0e+00;
	v26 =	vadd.f32 $9.990104430e-01, v26  }
0x115: {  	v30 =	vadd.f32 $9.990104430e-01, v28;
	v32 =	vmul.f32 v17, v23;
	v22 =	vadd.f32 $-4.891568420e-01, v22;
	v16 =	vld [tilespmem:s25+$0x0]  }
0x116: {  	v17 =	vld [tilespmem:s25+$0xFFFFFFE0];
	v28 =	vand.u32 $0x7FFFFFFF, v14;
	v21 =	vadd.f32 $2.211703030e-05, v21;
	v19 =	vmul.f32 v26, v19  }
0x117: {  	v20 =	vmul.f32 v30, v20;
	v30 =	vadd.f32 $9.990104430e-01, v32;
	v22 =	vmul.f32 v22, v25  }
0x118: {  	v26 =	vand.u32 $0x7FFFFFFF, v15;
	v24 =	vadd.f32 v21, v24;
	v19 =	vadd.f32 $2.211703030e-05, v19  }
0x119: {  	v20 =	vadd.f32 $2.211703030e-05, v20;
	v21 =	vmul.f32 v30, v23;
	v22 =	vadd.f32 $9.990104430e-01, v22  }
0x11a: {  	v30 =	vand.u32 $0x7FFFFFFF, v16;
	v32 =	vsub.f32 v13, v24;
	v23 =	vadd.f32 v19, v29  }
.Ltmp2:
0x11b: {  	v19 =	vadd.f32 $2.211703030e-05, v21;
	v21 =	vmul.f32 v22, v25;
	v29 =	vand.u32 $0x7FFFFFFF, v17;
	(pc) =	sbr.rel @p0 .LBB2_7-.Ltmp2, $4  }
0x11c: {  	v25 =	vadd.f32 v20, v31;
	v32 =	vmul.f32 $1.442695020e+00, v32;
	v33 =	vsub.f32 v12, v23  }
0x11d: {  	v22 =	vadd.f32 v19, v27;
	v20 =	vadd.f32 $2.211703030e-05, v21;
	v19 =	vnsel vm4, $0x0, v18  }
0x11e: {  	v31 =	vmul.f32 $1.442695020e+00, v33;
	v33 =	vsub.f32 v10, v25;
	(erf) = vpow2.f32 v32  }
0x11f: {  	s26 =	sadd.s32 $0x1, s26;
	v27 =	vnsel vm3, $0x0, v18;
	v32 =	vsub.f32 v9, v22;
	v21 =	vadd.f32 v20, v34  }
0x120: {  	v20 =	vld [tilespmem:s25+$0xFFFFFFF0];
	_ =	sdelay $0x1  }
0x121: {  	v33 =	vmul.f32 $1.442695020e+00, v33;
	v34 =	vsub.f32 v11, v21  }
0x122: {  	(erf) = vpow2.f32 v31;
	v30 =	vsub.f32 $0.0e+00, v30;
	v56 =	vmul.f32 $1.442695020e+00, v32  }
0x123: {  	v29 =	vsub.f32 $0.0e+00, v29;
	(erf) = vpow2.f32 v33;
	v57 =	vmul.f32 $1.442695020e+00, v34  }
0x124: {  	v30 =	vmul.f32 $1.442695020e+00, v30;
	(erf) = vpow2.f32 v56;
	v58 =	vand.u32 $0x7FFFFFFF, v20  }
0x125: {  	v29 =	vmul.f32 $1.442695020e+00, v29;
	(erf) = vpow2.f32 v57;
	v31 =	vsub.f32 $0.0e+00, v58  }
0x126: {  	(erf) = vpow2.f32 v30  }
0x127: {  	(erf) = vpow2.f32 v29;
	v59 =	vmul.f32 $1.442695020e+00, v31  }
0x128: {  	v26 =	vsub.f32 $0.0e+00, v26  }
0x129: {  	(erf) = vpow2.f32 v59  }
0x12a: {  	v28 =	vsub.f32 $0.0e+00, v28;
	v26 =	vmul.f32 $1.442695020e+00, v26;
	v60 =	vpop (erf)  }
0x12b: {  	v62 =	vpop (erf)  }
0x12c: {  	v61 =	vnsel vm2, $0x0, v18;
	v28 =	vmul.f32 $1.442695020e+00, v28;
	v33 =	vpop (erf);
	(erf) = vpow2.f32 v26  }
0x12d: {  	v63 =	vnsel vm1, $0x0, v18;
	v39 =	vmul.f32 v11, v19;
	v9 =	vmul.f32 v9, v27;
	v37 =	vpop (erf)  }
0x12e: {  	v36 =	vnsel vm0, $0x0, v18;
	v13 =	vmul.f32 v61, v13;
	v38 =	vpop (erf);
	(erf) = vpow2.f32 v28  }
0x12f: {  	v8 =	vbroadcast v8, $0x0;
	v35 =	vmax.f32 v14, $0.0e+00;
	v12 =	vmul.f32 v12, v63;
	v40 =	vpop (erf)  }
0x130: {  	v10 =	vmul.f32 v10, v36;
	v13 =	vsub.f32 v24, v13;
	v29 =	vsub.f32 v60, v61;
	v42 =	vpop (erf)  }
0x131: {  	v32 =	vmax.f32 v16, $0.0e+00;
	v9 =	vsub.f32 v22, v9;
	v43 =	vmul.f32 $3.010262550e-02, v42  }
0x132: {  	v11 =	vsub.f32 v21, v39;
	v7 =	vperm.xlane v7, v8;
	v13 =	vmul.f32 v29, v13;
	v44 =	vpop (erf)  }
0x133: {  	v10 =	vsub.f32 v25, v10;
	v25 =	vadd.f32 $-1.301194130e-01, v43;
	v45 =	vmul.f32 $3.010262550e-02, v44  }
0x134: {  	v12 =	vsub.f32 v23, v12;
	v13 =	vmul.f32 v13, v29;
	v46 =	vmul.f32 $3.010262550e-02, v40  }
0x135: {  	v26 =	vsub.f32 v37, v27;
	v47 =	vpop (erf);
	v25 =	vmul.f32 v25, v42;
	v27 =	vadd.f32 $-1.301194130e-01, v45  }
0x136: {  	v5 =	vadd.f32 v13, v5;
	v13 =	vadd.f32 $-1.301194130e-01, v46;
	v48 =	vmul.f32 $3.010262550e-02, v47  }
0x137: {  	v31 =	vmax.f32 v15, $0.0e+00;
	v50 =	vpop (erf);
	v25 =	vadd.f32 $2.833043340e-01, v25;
	v27 =	vmul.f32 v27, v44  }
0x138: {  	v13 =	vmul.f32 v13, v40;
	v30 =	vadd.f32 $-1.301194130e-01, v48;
	v51 =	vmul.f32 $3.010262550e-02, v50  }
0x139: {  	v18 =	vsub.f32 v33, v36;
	v52 =	vmul.f32 v25, v42;
	v53 =	vadd.f32 $2.833043340e-01, v27  }
0x13a: {  	v13 =	vadd.f32 $2.833043340e-01, v13;
	v54 =	vmul.f32 v30, v47;
	v55 =	vadd.f32 $-1.301194130e-01, v51  }
0x13b: {  	v10 =	vmul.f32 v18, v10;
	v56 =	vadd.f32 $-4.891568420e-01, v52;
	v57 =	vmul.f32 v53, v44  }
0x13c: {  	v13 =	vmul.f32 v13, v40;
	v58 =	vadd.f32 $2.833043340e-01, v54;
	v59 =	vmul.f32 v55, v50  }
0x13d: {  	v10 =	vmul.f32 v10, v18;
	v18 =	vmul.f32 v56, v42;
	v21 =	vadd.f32 $-4.891568420e-01, v57  }
0x13e: {  	v13 =	vadd.f32 $-4.891568420e-01, v13;
	v25 =	vmul.f32 v58, v47;
	v27 =	vadd.f32 $2.833043340e-01, v59  }
0x13f: {  	v41 =	vsub.f32 v62, v63;
	v18 =	vadd.f32 $9.990104430e-01, v18;
	v21 =	vmul.f32 v21, v44  }
0x140: {  	v13 =	vmul.f32 v13, v40;
	v25 =	vadd.f32 $-4.891568420e-01, v25;
	v27 =	vmul.f32 v27, v50  }
0x141: {  	v62 =	vmax.f32 v17, $0.0e+00;
	v18 =	vmul.f32 v18, v42;
	v21 =	vadd.f32 $9.990104430e-01, v21  }
0x142: {  	v13 =	vadd.f32 $9.990104430e-01, v13;
	v60 =	vmul.f32 v25, v47;
	v61 =	vadd.f32 $-4.891568420e-01, v27  }
0x143: {  	v63 =	vmax.f32 v20, $0.0e+00;
	v18 =	vadd.f32 $2.211703030e-05, v18;
	v21 =	vmul.f32 v21, v44  }
0x144: {  	v13 =	vmul.f32 v13, v40;
	v23 =	vadd.f32 $9.990104430e-01, v60;
	v25 =	vmul.f32 v61, v50  }
0x145: {  	v9 =	vmul.f32 v26, v9;
	v18 =	vadd.f32 v18, v62;
	v21 =	vadd.f32 $2.211703030e-05, v21  }
0x146: {  	v13 =	vadd.f32 $2.211703030e-05, v13;
	v22 =	vmul.f32 v23, v47;
	v30 =	vadd.f32 $9.990104430e-01, v25  }
0x147: {  	v9 =	vmul.f32 v9, v26;
	v26 =	vsub.f32 v17, v18;
	v21 =	vadd.f32 v21, v63  }
0x148: {  	v49 =	vsub.f32 v38, v19;
	v22 =	vadd.f32 $2.211703030e-05, v22;
	v23 =	vmul.f32 v30, v50  }
0x149: {  	v13 =	vadd.f32 v13, v32;
	v33 =	vmul.f32 $1.442695020e+00, v26;
	v34 =	vsub.f32 v20, v21  }
0x14a: {  	v6 =	vperm.xlane v6, v8;
	v22 =	vadd.f32 v22, v31;
	v23 =	vadd.f32 $2.211703030e-05, v23  }
0x14b: {  	v37 =	vsub.f32 v16, v13;
	(erf) = vpow2.f32 v33;
	v36 =	vmul.f32 $1.442695020e+00, v34  }
0x14c: {  	v12 =	vmul.f32 v41, v12;
	v38 =	vsub.f32 v15, v22;
	v23 =	vadd.f32 v23, v35  }
0x14d: {  	v39 =	vmul.f32 $1.442695020e+00, v37;
	(erf) = vpow2.f32 v36  }
0x14e: {  	v12 =	vmul.f32 v12, v41;
	v24 =	vmul.f32 $1.442695020e+00, v38;
	v40 =	vsub.f32 v14, v23  }
0x14f: {  	vm12 =	veq.s32 v7, v0;
	vm13 =	veq.s32 v7, v4;
	(erf) = vpow2.f32 v39  }
0x150: {  	v5 =	vadd.f32 v12, v5;
	v41 =	vmul.f32 $1.442695020e+00, v40;
	(erf) = vpow2.f32 v24  }
0x151: {  	vm14 =	veq.s32 v7, v2;
	vm15 =	veq.s32 v7, v1;
	vm3 =	veq.s32 v7, v3  }
0x152: {  	v5 =	vadd.f32 v10, v5;
	v43 =	vnsel vm12, $0x0, v6;
	(erf) = vpow2.f32 v41  }
0x153: {  	v7 =	vnsel vm14, $0x0, v6;
	v11 =	vmul.f32 v49, v11;
	v44 =	vmul.f32 v43, v17  }
0x154: {  	v5 =	vadd.f32 v9, v5;
	v45 =	vnsel vm15, $0x0, v6;
	v48 =	vnsel vm3, $0x0, v6;
	v46 =	vpop (erf)  }
0x155: {  	v47 =	vmul.f32 v20, v45;
	v8 =	vsub.f32 v18, v44;
	v10 =	vsub.f32 v46, v43  }
0x156: {  	v6 =	vnsel vm13, $0x0, v6;
	v42 =	vmul.f32 v11, v49;
	v49 =	vmul.f32 v16, v7;
	v50 =	vpop (erf)  }
0x157: {  	v51 =	vsub.f32 v21, v47;
	v8 =	vmul.f32 v10, v8;
	v11 =	vsub.f32 v50, v45  }
0x158: {  	v52 =	vmul.f32 v15, v48;
	v5 =	vadd.f32 v42, v5;
	v12 =	vsub.f32 v13, v49;
	v53 =	vpop (erf)  }
0x159: {  	v8 =	vmul.f32 v8, v10;
	v7 =	vsub.f32 v53, v7;
	v55 =	vpop (erf);
	v54 =	vmul.f32 v11, v51  }
0x15a: {  	v56 =	vmul.f32 v14, v6;
	v57 =	vsub.f32 v22, v52;
	v9 =	vsub.f32 v55, v48  }
0x15b: {  	v5 =	vadd.f32 v8, v5;
	v59 =	vmul.f32 v7, v12;
	v60 =	vpop (erf);
	v58 =	vmul.f32 v54, v11  }
0x15c: {  	v61 =	vsub.f32 v23, v56;
	v6 =	vsub.f32 v60, v6  }
0x15d: {  	s24 =	sadd.s32 $0x1, s24;
	v62 =	vmul.f32 v9, v57;
	v7 =	vmul.f32 v59, v7;
	v5 =	vadd.f32 v58, v5  }
0x15e: {  	p0 =	sne.s32 s24, $0xA  }
.Ltmp3:
0x15f: {  	v63 =	vmul.f32 v6, v61;
	v5 =	vadd.f32 v7, v5;
	v7 =	vmul.f32 v62, v9;
	(pc) =	sbr.rel @p0 .LBB2_6-.Ltmp3, $3  }
0x160: {  	_ = 	snop  }
0x161: {  	v6 =	vmul.f32 v63, v6;
	v5 =	vadd.f32 v7, v5;
	_ =	sdelay $0x1  }
0x162: {  	s23 =	sadd.s32 $0x800, s23;
	v5 =	vadd.f32 v6, v5  }
0x163: {  	s22 =	simm.s32 $0x0  }
0x164: {  	[tilespmem:s17], [sflag:$0x1] =	stream.linear.gather [hbm4b:s7+s22], $0xA0, $0x38;
	[tilespmem:$0x5280] =	vst v63  }
0x165: {  	_ =	swait.ge [sflag:s18], $0xA0  }
0x166: {  	[sflag:s18] =	ssyncset.done $0x0  }
0x167: {  	[sflag:s18] =	ssyncadd.s32 $0xFFFFFF60  }
0x168: {  	[tilespmem:s19], [sflag:$0x1] =	stream.linear.gather [hbm4b:s8+s22], $0xA0, $0x38;
	[tilespmem:$0x5280] =	vst v63  }
0x169: {  	_ =	swait.ge [sflag:s18], $0xA0  }
0x16a: {  	[sflag:s18] =	ssyncset.done $0x0  }
0x16b: {  	s23 =	simm.s32 $0x20;
	s24 =	simm.s32 $0x0;
	[sflag:s18] =	ssyncadd.s32 $0xFFFFFF60  }
.LBB2_10:
0x16c: {  	v10 =	vld [tilespmem:s23+$0x0]  }
0x16d: {  	v13 =	vld [tilespmem:s23+$0xFFFFFFE0];
	_ =	sdelay $0x1  }
0x16e: {  	v12 =	vld [tilespmem:s23+$0xFFFFFFF0];
	_ =	sdelay $0x1  }
0x16f: {  	v6 =	vand.u32 $0x7FFFFFFF, v10  }
0x170: {  	v9 =	vld [tilespmem:s23+$0x10];
	v7 =	vand.u32 $0x7FFFFFFF, v13;
	v6 =	vsub.f32 $0.0e+00, v6  }
0x171: {  	v7 =	vsub.f32 $0.0e+00, v7  }
0x172: {  	v11 =	vld [tilespmem:s23+$0x20];
	v8 =	vand.u32 $0x7FFFFFFF, v12;
	v6 =	vmul.f32 $1.442695020e+00, v6  }
0x173: {  	v8 =	vsub.f32 $0.0e+00, v8;
	v7 =	vmul.f32 $1.442695020e+00, v7  }
0x174: {  	(erf) = vpow2.f32 v6  }
0x175: {  	v8 =	vmul.f32 $1.442695020e+00, v8;
	v6 =	vand.u32 $0x7FFFFFFF, v9;
	(erf) = vpow2.f32 v7  }
0x176: {  	v6 =	vsub.f32 $0.0e+00, v6  }
0x177: {  	v7 =	vand.u32 $0x7FFFFFFF, v11;
	(erf) = vpow2.f32 v8  }
0x178: {  	v7 =	vsub.f32 $0.0e+00, v7;
	v6 =	vmul.f32 $1.442695020e+00, v6  }
0x179: {  	s25 =	sshll.u32 s24, $0x4  }
0x17a: {  	v8 =	vmul.f32 $1.442695020e+00, v7;
	v7 =	vld [tilespmem:s25+$0x5000];
	(erf) = vpow2.f32 v6  }
0x17b: {  	v14 =	vmov s22;
	v6 =	vld [tilespmem:s25+$0x5100]  }
0x17c: {  	(erf) = vpow2.f32 v8;
	v8 =	vand.u32 $0xF, v14  }
0x17d: {  	v14 =	vbroadcast v8, $0x0;
	v19 =	vpop (erf)  }
0x17e: {  	v16 =	vpop (erf)  }
0x17f: {  	v17 =	vperm.xlane v7, v14;
	v15 =	vmul.f32 $3.010262550e-02, v16  }
0x180: {  	v18 =	vperm.xlane v6, v14;
	v21 =	vmul.f32 $3.010262550e-02, v19;
	v20 =	vpop (erf)  }
0x181: {  	vm4 =	veq.s32 v17, v4;
	v14 =	vadd.f32 $-1.301194130e-01, v15;
	v15 =	vmul.f32 $3.010262550e-02, v20  }
0x182: {  	vm3 =	veq.s32 v17, v3;
	vm0 =	veq.s32 v17, v2;
	v21 =	vadd.f32 $-1.301194130e-01, v21  }
0x183: {  	vm1 =	veq.s32 v17, v1;
	v22 =	vpop (erf);
	v14 =	vmul.f32 v14, v16;
	v15 =	vadd.f32 $-1.301194130e-01, v15  }
0x184: {  	vm2 =	veq.s32 v17, v0;
	v17 =	vmul.f32 v21, v19;
	v23 =	vmul.f32 $3.010262550e-02, v22  }
0x185: {  	v34 =	vmax.f32 v11, $0.0e+00;
	v25 =	vpop (erf);
	v14 =	vadd.f32 $2.833043340e-01, v14;
	v15 =	vmul.f32 v15, v20  }
0x186: {  	v17 =	vadd.f32 $2.833043340e-01, v17;
	v21 =	vadd.f32 $-1.301194130e-01, v23;
	v23 =	vmul.f32 $3.010262550e-02, v25  }
0x187: {  	v27 =	vmax.f32 v9, $0.0e+00;
	v14 =	vmul.f32 v14, v16;
	v15 =	vadd.f32 $2.833043340e-01, v15  }
0x188: {  	v17 =	vmul.f32 v17, v19;
	v21 =	vmul.f32 v21, v22;
	v23 =	vadd.f32 $-1.301194130e-01, v23  }
0x189: {  	v31 =	vmax.f32 v10, $0.0e+00;
	v14 =	vadd.f32 $-4.891568420e-01, v14;
	v15 =	vmul.f32 v15, v20  }
0x18a: {  	v17 =	vadd.f32 $-4.891568420e-01, v17;
	v21 =	vadd.f32 $2.833043340e-01, v21;
	v23 =	vmul.f32 v23, v25  }
0x18b: {  	v29 =	vmax.f32 v12, $0.0e+00;
	v24 =	vmul.f32 v14, v16;
	v15 =	vadd.f32 $-4.891568420e-01, v15  }
0x18c: {  	v17 =	vmul.f32 v17, v19;
	v21 =	vmul.f32 v21, v22;
	v23 =	vadd.f32 $2.833043340e-01, v23  }
0x18d: {  	v30 =	vmax.f32 v13, $0.0e+00;
	s25 =	sadd.s32 $0x80, s23;
	v24 =	vadd.f32 $9.990104430e-01, v24;
	v26 =	vmul.f32 v15, v20  }
0x18e: {  	s31 =	simm.s32 $0x1;
	v14 =	vld [tilespmem:s25+$0x20];
	v32 =	vadd.f32 $9.990104430e-01, v17;
	v21 =	vadd.f32 $-4.891568420e-01, v21;
	v23 =	vmul.f32 v23, v25  }
0x18f: {  	v8 =	vmov s31;
	v15 =	vld [tilespmem:s25+$0x10];
	v24 =	vmul.f32 v24, v16;
	v26 =	vadd.f32 $9.990104430e-01, v26  }
0x190: {  	v19 =	vmul.f32 v32, v19;
	v16 =	vld [tilespmem:s25+$0x0];
	v21 =	vmul.f32 v21, v22;
	v23 =	vadd.f32 $-4.891568420e-01, v23  }
0x191: {  	v8 =	vand.u32 $0xF, v8;
	v17 =	vld [tilespmem:s25+$0xFFFFFFE0];
	v24 =	vadd.f32 $2.211703030e-05, v24;
	v20 =	vmul.f32 v26, v20  }
0x192: {  	v19 =	vadd.f32 $2.211703030e-05, v19;
	v21 =	vadd.f32 $9.990104430e-01, v21;
	v23 =	vmul.f32 v23, v25  }
0x193: {  	v28 =	vand.u32 $0x7FFFFFFF, v14;
	v24 =	vadd.f32 v24, v30;
	v20 =	vadd.f32 $2.211703030e-05, v20  }
0x194: {  	v26 =	vand.u32 $0x7FFFFFFF, v15;
	v21 =	vmul.f32 v21, v22;
	v22 =	vadd.f32 $9.990104430e-01, v23  }
0x195: {  	v30 =	vand.u32 $0x7FFFFFFF, v16;
	v63 =	vsub.f32 v13, v24;
	v23 =	vadd.f32 v20, v29  }
0x196: {  	v29 =	vand.u32 $0x7FFFFFFF, v17;
	v20 =	vadd.f32 $2.211703030e-05, v21;
	v21 =	vmul.f32 v22, v25  }
0x197: {  	v25 =	vadd.f32 v19, v31;
	v32 =	vmul.f32 $1.442695020e+00, v63;
	v33 =	vsub.f32 v12, v23  }
0x198: {  	v19 =	vnsel vm4, $0x0, v18;
	v22 =	vadd.f32 v20, v27;
	v20 =	vadd.f32 $2.211703030e-05, v21  }
0x199: {  	v31 =	vmul.f32 $1.442695020e+00, v33;
	v33 =	vsub.f32 v10, v25;
	(erf) = vpow2.f32 v32  }
0x19a: {  	s26 =	simm.s32 $0x2;
	v27 =	vnsel vm3, $0x0, v18;
	v32 =	vsub.f32 v9, v22;
	v21 =	vadd.f32 v20, v34  }
.LBB2_11:
0x19b: {  	p0 =	sne.s32 s26, $0xF;
	v20 =	vmul.f32 $1.442695020e+00, v33;
	v33 =	vnsel vm0, $0x0, v18;
	(erf) = vpow2.f32 v31  }
0x19c: {  	v34 =	vnsel vm1, $0x0, v18;
	v31 =	vld [tilespmem:s25+$0xFFFFFFF0];
	v32 =	vmul.f32 $1.442695020e+00, v32;
	v35 =	vsub.f32 v11, v21  }
0x19d: {  	v18 =	vnsel vm2, $0x0, v18;
	v36 =	vmul.f32 v11, v19;
	v11 =	vmovc v14;
	(erf) = vpow2.f32 v20  }
0x19e: {  	v14 =	vsub.f32 $0.0e+00, v28;
	v20 =	vmul.f32 $1.442695020e+00, v35;
	(erf) = vpow2.f32 v32  }
0x19f: {  	v28 =	vsub.f32 $0.0e+00, v30;
	v30 =	vmul.f32 v10, v33;
	v10 =	vmovc v16;
	v32 =	vmul.f32 v9, v27;
	v9 =	vmovc v15  }
0x1a0: {  	v16 =	vmul.f32 v12, v34;
	v15 =	vsub.f32 $0.0e+00, v29;
	(erf) = vpow2.f32 v20  }
0x1a1: {  	v28 =	vmul.f32 $1.442695020e+00, v28;
	v29 =	vmul.f32 v18, v13;
	v13 =	vmovc v17;
	v35 =	vand.u32 $0x7FFFFFFF, v31;
	v12 =	vmovc v31  }
0x1a2: {  	v14 =	vmul.f32 $1.442695020e+00, v14;
	v31 =	vmul.f32 $1.442695020e+00, v15;
	v17 =	vsub.f32 $0.0e+00, v35;
	v20 =	vpop (erf)  }
0x1a3: {  	(erf) = vpow2.f32 v28;
	v18 =	vsub.f32 v20, v18;
	v20 =	vsub.f32 v24, v29  }
0x1a4: {  	v26 =	vsub.f32 $0.0e+00, v26;
	v17 =	vmul.f32 $1.442695020e+00, v17;
	(erf) = vpow2.f32 v31;
	v15 =	vpop (erf)  }
0x1a5: {  	v16 =	vsub.f32 v23, v16;
	v20 =	vmul.f32 v18, v20;
	v15 =	vsub.f32 v15, v34  }
0x1a6: {  	v23 =	vmul.f32 $1.442695020e+00, v26;
	v25 =	vsub.f32 v25, v30;
	(erf) = vpow2.f32 v17;
	v24 =	vpop (erf)  }
0x1a7: {  	v18 =	vmul.f32 v20, v18;
	v16 =	vmul.f32 v15, v16;
	v20 =	vsub.f32 v24, v33;
	v24 =	vpop (erf)  }
0x1a8: {  	v22 =	vsub.f32 v22, v32;
	(erf) = vpow2.f32 v23;
	v23 =	vsub.f32 v24, v27  }
0x1a9: {  	v5 =	vadd.f32 v18, v5;
	v15 =	vmul.f32 v16, v15;
	v16 =	vmul.f32 v20, v25;
	v17 =	vpop (erf)  }
0x1aa: {  	(erf) = vpow2.f32 v14;
	v14 =	vsub.f32 v17, v19;
	v17 =	vsub.f32 v21, v36  }
0x1ab: {  	v5 =	vadd.f32 v15, v5;
	v15 =	vmul.f32 v16, v20;
	v16 =	vmul.f32 v23, v22  }
0x1ac: {  	v24 =	vbroadcast v8, $0x0;
	v18 =	vmov s26;
	v20 =	vpop (erf)  }
0x1ad: {  	v21 =	vpop (erf);
	v5 =	vadd.f32 v15, v5;
	v15 =	vmul.f32 v16, v23;
	v16 =	vmul.f32 v14, v17  }
0x1ae: {  	v8 =	vand.u32 $0xF, v18;
	v17 =	vperm.xlane v7, v24;
	v22 =	vmul.f32 $3.010262550e-02, v21  }
0x1af: {  	v18 =	vperm.xlane v6, v24;
	v19 =	vpop (erf);
	v5 =	vadd.f32 v15, v5;
	v14 =	vmul.f32 v16, v14  }
0x1b0: {  	vm4 =	veq.s32 v17, v4;
	v15 =	vadd.f32 $-1.301194130e-01, v22;
	v16 =	vmul.f32 $3.010262550e-02, v19  }
0x1b1: {  	vm3 =	veq.s32 v17, v3;
	v22 =	vmul.f32 $3.010262550e-02, v20;
	v23 =	vpop (erf);
	v5 =	vadd.f32 v14, v5  }
0x1b2: {  	vm0 =	veq.s32 v17, v2;
	v14 =	vmul.f32 v15, v21;
	v15 =	vadd.f32 $-1.301194130e-01, v16  }
0x1b3: {  	vm1 =	veq.s32 v17, v1;
	v16 =	vadd.f32 $-1.301194130e-01, v22;
	v22 =	vmul.f32 $3.010262550e-02, v23;
	v25 =	vpop (erf)  }
0x1b4: {  	vm2 =	veq.s32 v17, v0;
	v14 =	vadd.f32 $2.833043340e-01, v14;
	v15 =	vmul.f32 v15, v19  }
0x1b5: {  	v16 =	vmul.f32 v16, v20;
	v17 =	vadd.f32 $-1.301194130e-01, v22;
	v22 =	vmul.f32 $3.010262550e-02, v25  }
0x1b6: {  	v34 =	vmax.f32 v11, $0.0e+00;
	v14 =	vmul.f32 v14, v21;
	v15 =	vadd.f32 $2.833043340e-01, v15  }
0x1b7: {  	v16 =	vadd.f32 $2.833043340e-01, v16;
	v17 =	vmul.f32 v17, v23;
	v22 =	vadd.f32 $-1.301194130e-01, v22  }
0x1b8: {  	v27 =	vmax.f32 v9, $0.0e+00;
	v14 =	vadd.f32 $-4.891568420e-01, v14;
	v15 =	vmul.f32 v15, v19  }
0x1b9: {  	v16 =	vmul.f32 v16, v20;
	v17 =	vadd.f32 $2.833043340e-01, v17;
	v22 =	vmul.f32 v22, v25  }
0x1ba: {  	s25 =	sadd.s32 $0x80, s25;
	v31 =	vmax.f32 v10, $0.0e+00;
	v24 =	vmul.f32 v14, v21;
	v15 =	vadd.f32 $-4.891568420e-01, v15  }
0x1bb: {  	v16 =	vadd.f32 $-4.891568420e-01, v16;
	v17 =	vmul.f32 v17, v23;
	v22 =	vadd.f32 $2.833043340e-01, v22;
	v14 =	vld [tilespmem:s25+$0x20]  }
0x1bc: {  	v29 =	vmax.f32 v12, $0.0e+00;
	v24 =	vadd.f32 $9.990104430e-01, v24;
	v26 =	vmul.f32 v15, v19  }
0x1bd: {  	v28 =	vmul.f32 v16, v20;
	v17 =	vadd.f32 $-4.891568420e-01, v17;
	v22 =	vmul.f32 v22, v25;
	v15 =	vld [tilespmem:s25+$0x10]  }
0x1be: {  	v21 =	vmul.f32 v24, v21;
	v24 =	vmax.f32 v13, $0.0e+00;
	v26 =	vadd.f32 $9.990104430e-01, v26  }
0x1bf: {  	v30 =	vadd.f32 $9.990104430e-01, v28;
	v32 =	vmul.f32 v17, v23;
	v22 =	vadd.f32 $-4.891568420e-01, v22;
	v16 =	vld [tilespmem:s25+$0x0]  }
0x1c0: {  	v17 =	vld [tilespmem:s25+$0xFFFFFFE0];
	v28 =	vand.u32 $0x7FFFFFFF, v14;
	v21 =	vadd.f32 $2.211703030e-05, v21;
	v19 =	vmul.f32 v26, v19  }
0x1c1: {  	v20 =	vmul.f32 v30, v20;
	v30 =	vadd.f32 $9.990104430e-01, v32;
	v22 =	vmul.f32 v22, v25  }
0x1c2: {  	v26 =	vand.u32 $0x7FFFFFFF, v15;
	v24 =	vadd.f32 v21, v24;
	v19 =	vadd.f32 $2.211703030e-05, v19  }
0x1c3: {  	v20 =	vadd.f32 $2.211703030e-05, v20;
	v21 =	vmul.f32 v30, v23;
	v22 =	vadd.f32 $9.990104430e-01, v22  }
0x1c4: {  	v30 =	vand.u32 $0x7FFFFFFF, v16;
	v32 =	vsub.f32 v13, v24;
	v23 =	vadd.f32 v19, v29  }
.Ltmp4:
0x1c5: {  	v19 =	vadd.f32 $2.211703030e-05, v21;
	v21 =	vmul.f32 v22, v25;
	v29 =	vand.u32 $0x7FFFFFFF, v17;
	(pc) =	sbr.rel @p0 .LBB2_11-.Ltmp4, $4  }
0x1c6: {  	v25 =	vadd.f32 v20, v31;
	v32 =	vmul.f32 $1.442695020e+00, v32;
	v33 =	vsub.f32 v12, v23  }
0x1c7: {  	v22 =	vadd.f32 v19, v27;
	v20 =	vadd.f32 $2.211703030e-05, v21;
	v19 =	vnsel vm4, $0x0, v18  }
0x1c8: {  	v31 =	vmul.f32 $1.442695020e+00, v33;
	v33 =	vsub.f32 v10, v25;
	(erf) = vpow2.f32 v32  }
0x1c9: {  	s26 =	sadd.s32 $0x1, s26;
	v27 =	vnsel vm3, $0x0, v18;
	v32 =	vsub.f32 v9, v22;
	v21 =	vadd.f32 v20, v34  }
0x1ca: {  	v20 =	vld [tilespmem:s25+$0xFFFFFFF0];
	_ =	sdelay $0x1  }
0x1cb: {  	v33 =	vmul.f32 $1.442695020e+00, v33;
	v34 =	vsub.f32 v11, v21  }
0x1cc: {  	(erf) = vpow2.f32 v31;
	v30 =	vsub.f32 $0.0e+00, v30;
	v56 =	vmul.f32 $1.442695020e+00, v32  }
0x1cd: {  	v29 =	vsub.f32 $0.0e+00, v29;
	(erf) = vpow2.f32 v33;
	v57 =	vmul.f32 $1.442695020e+00, v34  }
0x1ce: {  	v30 =	vmul.f32 $1.442695020e+00, v30;
	(erf) = vpow2.f32 v56;
	v58 =	vand.u32 $0x7FFFFFFF, v20  }
0x1cf: {  	v29 =	vmul.f32 $1.442695020e+00, v29;
	(erf) = vpow2.f32 v57;
	v31 =	vsub.f32 $0.0e+00, v58  }
0x1d0: {  	(erf) = vpow2.f32 v30  }
0x1d1: {  	(erf) = vpow2.f32 v29;
	v59 =	vmul.f32 $1.442695020e+00, v31  }
0x1d2: {  	v26 =	vsub.f32 $0.0e+00, v26  }
0x1d3: {  	(erf) = vpow2.f32 v59  }
0x1d4: {  	v28 =	vsub.f32 $0.0e+00, v28;
	v26 =	vmul.f32 $1.442695020e+00, v26;
	v60 =	vpop (erf)  }
0x1d5: {  	v62 =	vpop (erf)  }
0x1d6: {  	v61 =	vnsel vm2, $0x0, v18;
	v28 =	vmul.f32 $1.442695020e+00, v28;
	v33 =	vpop (erf);
	(erf) = vpow2.f32 v26  }
0x1d7: {  	v63 =	vnsel vm1, $0x0, v18;
	v39 =	vmul.f32 v11, v19;
	v9 =	vmul.f32 v9, v27;
	v37 =	vpop (erf)  }
0x1d8: {  	v36 =	vnsel vm0, $0x0, v18;
	v13 =	vmul.f32 v61, v13;
	v38 =	vpop (erf);
	(erf) = vpow2.f32 v28  }
0x1d9: {  	v8 =	vbroadcast v8, $0x0;
	v35 =	vmax.f32 v14, $0.0e+00;
	v12 =	vmul.f32 v12, v63;
	v40 =	vpop (erf)  }
0x1da: {  	v10 =	vmul.f32 v10, v36;
	v13 =	vsub.f32 v24, v13;
	v29 =	vsub.f32 v60, v61;
	v42 =	vpop (erf)  }
0x1db: {  	v32 =	vmax.f32 v16, $0.0e+00;
	v9 =	vsub.f32 v22, v9;
	v43 =	vmul.f32 $3.010262550e-02, v42  }
0x1dc: {  	v11 =	vsub.f32 v21, v39;
	v7 =	vperm.xlane v7, v8;
	v13 =	vmul.f32 v29, v13;
	v44 =	vpop (erf)  }
0x1dd: {  	v10 =	vsub.f32 v25, v10;
	v25 =	vadd.f32 $-1.301194130e-01, v43;
	v45 =	vmul.f32 $3.010262550e-02, v44  }
0x1de: {  	v12 =	vsub.f32 v23, v12;
	v13 =	vmul.f32 v13, v29;
	v46 =	vmul.f32 $3.010262550e-02, v40  }
0x1df: {  	v26 =	vsub.f32 v37, v27;
	v47 =	vpop (erf);
	v25 =	vmul.f32 v25, v42;
	v27 =	vadd.f32 $-1.301194130e-01, v45  }
0x1e0: {  	v5 =	vadd.f32 v13, v5;
	v13 =	vadd.f32 $-1.301194130e-01, v46;
	v48 =	vmul.f32 $3.010262550e-02, v47  }
0x1e1: {  	v31 =	vmax.f32 v15, $0.0e+00;
	v50 =	vpop (erf);
	v25 =	vadd.f32 $2.833043340e-01, v25;
	v27 =	vmul.f32 v27, v44  }
0x1e2: {  	v13 =	vmul.f32 v13, v40;
	v30 =	vadd.f32 $-1.301194130e-01, v48;
	v51 =	vmul.f32 $3.010262550e-02, v50  }
0x1e3: {  	v18 =	vsub.f32 v33, v36;
	v52 =	vmul.f32 v25, v42;
	v53 =	vadd.f32 $2.833043340e-01, v27  }
0x1e4: {  	v13 =	vadd.f32 $2.833043340e-01, v13;
	v54 =	vmul.f32 v30, v47;
	v55 =	vadd.f32 $-1.301194130e-01, v51  }
0x1e5: {  	v10 =	vmul.f32 v18, v10;
	v56 =	vadd.f32 $-4.891568420e-01, v52;
	v57 =	vmul.f32 v53, v44  }
0x1e6: {  	v13 =	vmul.f32 v13, v40;
	v58 =	vadd.f32 $2.833043340e-01, v54;
	v59 =	vmul.f32 v55, v50  }
0x1e7: {  	v10 =	vmul.f32 v10, v18;
	v18 =	vmul.f32 v56, v42;
	v21 =	vadd.f32 $-4.891568420e-01, v57  }
0x1e8: {  	v13 =	vadd.f32 $-4.891568420e-01, v13;
	v25 =	vmul.f32 v58, v47;
	v27 =	vadd.f32 $2.833043340e-01, v59  }
0x1e9: {  	v41 =	vsub.f32 v62, v63;
	v18 =	vadd.f32 $9.990104430e-01, v18;
	v21 =	vmul.f32 v21, v44  }
0x1ea: {  	v13 =	vmul.f32 v13, v40;
	v25 =	vadd.f32 $-4.891568420e-01, v25;
	v27 =	vmul.f32 v27, v50  }
0x1eb: {  	v62 =	vmax.f32 v17, $0.0e+00;
	v18 =	vmul.f32 v18, v42;
	v21 =	vadd.f32 $9.990104430e-01, v21  }
0x1ec: {  	v13 =	vadd.f32 $9.990104430e-01, v13;
	v60 =	vmul.f32 v25, v47;
	v61 =	vadd.f32 $-4.891568420e-01, v27  }
0x1ed: {  	v63 =	vmax.f32 v20, $0.0e+00;
	v18 =	vadd.f32 $2.211703030e-05, v18;
	v21 =	vmul.f32 v21, v44  }
0x1ee: {  	v13 =	vmul.f32 v13, v40;
	v23 =	vadd.f32 $9.990104430e-01, v60;
	v25 =	vmul.f32 v61, v50  }
0x1ef: {  	v9 =	vmul.f32 v26, v9;
	v18 =	vadd.f32 v18, v62;
	v21 =	vadd.f32 $2.211703030e-05, v21  }
0x1f0: {  	v13 =	vadd.f32 $2.211703030e-05, v13;
	v22 =	vmul.f32 v23, v47;
	v30 =	vadd.f32 $9.990104430e-01, v25  }
0x1f1: {  	v9 =	vmul.f32 v9, v26;
	v26 =	vsub.f32 v17, v18;
	v21 =	vadd.f32 v21, v63  }
0x1f2: {  	v49 =	vsub.f32 v38, v19;
	v22 =	vadd.f32 $2.211703030e-05, v22;
	v23 =	vmul.f32 v30, v50  }
0x1f3: {  	v13 =	vadd.f32 v13, v32;
	v33 =	vmul.f32 $1.442695020e+00, v26;
	v34 =	vsub.f32 v20, v21  }
0x1f4: {  	v6 =	vperm.xlane v6, v8;
	v22 =	vadd.f32 v22, v31;
	v23 =	vadd.f32 $2.211703030e-05, v23  }
0x1f5: {  	v37 =	vsub.f32 v16, v13;
	(erf) = vpow2.f32 v33;
	v36 =	vmul.f32 $1.442695020e+00, v34  }
0x1f6: {  	v12 =	vmul.f32 v41, v12;
	v38 =	vsub.f32 v15, v22;
	v23 =	vadd.f32 v23, v35  }
0x1f7: {  	v39 =	vmul.f32 $1.442695020e+00, v37;
	(erf) = vpow2.f32 v36  }
0x1f8: {  	v12 =	vmul.f32 v12, v41;
	v24 =	vmul.f32 $1.442695020e+00, v38;
	v40 =	vsub.f32 v14, v23  }
0x1f9: {  	vm12 =	veq.s32 v7, v0;
	vm13 =	veq.s32 v7, v4;
	(erf) = vpow2.f32 v39  }
0x1fa: {  	v5 =	vadd.f32 v12, v5;
	v41 =	vmul.f32 $1.442695020e+00, v40;
	(erf) = vpow2.f32 v24  }
0x1fb: {  	vm14 =	veq.s32 v7, v2;
	vm15 =	veq.s32 v7, v1;
	vm3 =	veq.s32 v7, v3  }
0x1fc: {  	v5 =	vadd.f32 v10, v5;
	v43 =	vnsel vm12, $0x0, v6;
	(erf) = vpow2.f32 v41  }
0x1fd: {  	v7 =	vnsel vm14, $0x0, v6;
	v11 =	vmul.f32 v49, v11;
	v44 =	vmul.f32 v43, v17  }
0x1fe: {  	v5 =	vadd.f32 v9, v5;
	v45 =	vnsel vm15, $0x0, v6;
	v48 =	vnsel vm3, $0x0, v6;
	v46 =	vpop (erf)  }
0x1ff: {  	v47 =	vmul.f32 v20, v45;
	v8 =	vsub.f32 v18, v44;
	v10 =	vsub.f32 v46, v43  }
0x200: {  	v6 =	vnsel vm13, $0x0, v6;
	v42 =	vmul.f32 v11, v49;
	v49 =	vmul.f32 v16, v7;
	v50 =	vpop (erf)  }
0x201: {  	v51 =	vsub.f32 v21, v47;
	v8 =	vmul.f32 v10, v8;
	v11 =	vsub.f32 v50, v45  }
0x202: {  	v52 =	vmul.f32 v15, v48;
	v5 =	vadd.f32 v42, v5;
	v12 =	vsub.f32 v13, v49;
	v53 =	vpop (erf)  }
0x203: {  	v8 =	vmul.f32 v8, v10;
	v7 =	vsub.f32 v53, v7;
	v55 =	vpop (erf);
	v54 =	vmul.f32 v11, v51  }
0x204: {  	v56 =	vmul.f32 v14, v6;
	v57 =	vsub.f32 v22, v52;
	v9 =	vsub.f32 v55, v48  }
0x205: {  	v5 =	vadd.f32 v8, v5;
	v59 =	vmul.f32 v7, v12;
	v60 =	vpop (erf);
	v58 =	vmul.f32 v54, v11  }
0x206: {  	v61 =	vsub.f32 v23, v56;
	v6 =	vsub.f32 v60, v6  }
0x207: {  	s24 =	sadd.s32 $0x1, s24;
	v62 =	vmul.f32 v9, v57;
	v7 =	vmul.f32 v59, v7;
	v5 =	vadd.f32 v58, v5  }
0x208: {  	p0 =	sne.s32 s24, $0xA  }
.Ltmp5:
0x209: {  	v63 =	vmul.f32 v6, v61;
	v5 =	vadd.f32 v7, v5;
	v7 =	vmul.f32 v62, v9;
	(pc) =	sbr.rel @p0 .LBB2_10-.Ltmp5, $3  }
0x20a: {  	_ = 	snop  }
0x20b: {  	v6 =	vmul.f32 v63, v6;
	v5 =	vadd.f32 v7, v5;
	_ =	sdelay $0x1  }
0x20c: {  	s23 =	sadd.s32 $0x800, s23;
	v5 =	vadd.f32 v6, v5  }
0x20d: {  	s22 =	simm.s32 $0x0  }
0x20e: {  	[tilespmem:s17], [sflag:$0x1] =	stream.linear.gather [hbm4b:s9+s22], $0xA0, $0x38;
	[tilespmem:$0x5280] =	vst v63  }
0x20f: {  	_ =	swait.ge [sflag:s18], $0xA0  }
0x210: {  	[sflag:s18] =	ssyncset.done $0x0  }
0x211: {  	[sflag:s18] =	ssyncadd.s32 $0xFFFFFF60  }
0x212: {  	[tilespmem:s19], [sflag:$0x1] =	stream.linear.gather [hbm4b:s10+s22], $0xA0, $0x38;
	[tilespmem:$0x5280] =	vst v63  }
0x213: {  	_ =	swait.ge [sflag:s18], $0xA0  }
0x214: {  	[sflag:s18] =	ssyncset.done $0x0  }
0x215: {  	s23 =	simm.s32 $0x20;
	s24 =	simm.s32 $0x0;
	[sflag:s18] =	ssyncadd.s32 $0xFFFFFF60  }
.LBB2_14:
0x216: {  	v10 =	vld [tilespmem:s23+$0x0]  }
0x217: {  	v13 =	vld [tilespmem:s23+$0xFFFFFFE0];
	_ =	sdelay $0x1  }
0x218: {  	v12 =	vld [tilespmem:s23+$0xFFFFFFF0];
	_ =	sdelay $0x1  }
0x219: {  	v6 =	vand.u32 $0x7FFFFFFF, v10  }
0x21a: {  	v9 =	vld [tilespmem:s23+$0x10];
	v7 =	vand.u32 $0x7FFFFFFF, v13;
	v6 =	vsub.f32 $0.0e+00, v6  }
0x21b: {  	v7 =	vsub.f32 $0.0e+00, v7  }
0x21c: {  	v11 =	vld [tilespmem:s23+$0x20];
	v8 =	vand.u32 $0x7FFFFFFF, v12;
	v6 =	vmul.f32 $1.442695020e+00, v6  }
0x21d: {  	v8 =	vsub.f32 $0.0e+00, v8;
	v7 =	vmul.f32 $1.442695020e+00, v7  }
0x21e: {  	(erf) = vpow2.f32 v6  }
0x21f: {  	v8 =	vmul.f32 $1.442695020e+00, v8;
	v6 =	vand.u32 $0x7FFFFFFF, v9;
	(erf) = vpow2.f32 v7  }
0x220: {  	v6 =	vsub.f32 $0.0e+00, v6  }
0x221: {  	v7 =	vand.u32 $0x7FFFFFFF, v11;
	(erf) = vpow2.f32 v8  }
0x222: {  	v7 =	vsub.f32 $0.0e+00, v7;
	v6 =	vmul.f32 $1.442695020e+00, v6  }
0x223: {  	s25 =	sshll.u32 s24, $0x4  }
0x224: {  	v8 =	vmul.f32 $1.442695020e+00, v7;
	v7 =	vld [tilespmem:s25+$0x5000];
	(erf) = vpow2.f32 v6  }
0x225: {  	v14 =	vmov s22;
	v6 =	vld [tilespmem:s25+$0x5100]  }
0x226: {  	(erf) = vpow2.f32 v8;
	v8 =	vand.u32 $0xF, v14  }
0x227: {  	v14 =	vbroadcast v8, $0x0;
	v19 =	vpop (erf)  }
0x228: {  	v16 =	vpop (erf)  }
0x229: {  	v17 =	vperm.xlane v7, v14;
	v15 =	vmul.f32 $3.010262550e-02, v16  }
0x22a: {  	v18 =	vperm.xlane v6, v14;
	v21 =	vmul.f32 $3.010262550e-02, v19;
	v20 =	vpop (erf)  }
0x22b: {  	vm4 =	veq.s32 v17, v4;
	v14 =	vadd.f32 $-1.301194130e-01, v15;
	v15 =	vmul.f32 $3.010262550e-02, v20  }
0x22c: {  	vm3 =	veq.s32 v17, v3;
	vm0 =	veq.s32 v17, v2;
	v21 =	vadd.f32 $-1.301194130e-01, v21  }
0x22d: {  	vm1 =	veq.s32 v17, v1;
	v22 =	vpop (erf);
	v14 =	vmul.f32 v14, v16;
	v15 =	vadd.f32 $-1.301194130e-01, v15  }
0x22e: {  	vm2 =	veq.s32 v17, v0;
	v17 =	vmul.f32 v21, v19;
	v23 =	vmul.f32 $3.010262550e-02, v22  }
0x22f: {  	v34 =	vmax.f32 v11, $0.0e+00;
	v25 =	vpop (erf);
	v14 =	vadd.f32 $2.833043340e-01, v14;
	v15 =	vmul.f32 v15, v20  }
0x230: {  	v17 =	vadd.f32 $2.833043340e-01, v17;
	v21 =	vadd.f32 $-1.301194130e-01, v23;
	v23 =	vmul.f32 $3.010262550e-02, v25  }
0x231: {  	v27 =	vmax.f32 v9, $0.0e+00;
	v14 =	vmul.f32 v14, v16;
	v15 =	vadd.f32 $2.833043340e-01, v15  }
0x232: {  	v17 =	vmul.f32 v17, v19;
	v21 =	vmul.f32 v21, v22;
	v23 =	vadd.f32 $-1.301194130e-01, v23  }
0x233: {  	v31 =	vmax.f32 v10, $0.0e+00;
	v14 =	vadd.f32 $-4.891568420e-01, v14;
	v15 =	vmul.f32 v15, v20  }
0x234: {  	v17 =	vadd.f32 $-4.891568420e-01, v17;
	v21 =	vadd.f32 $2.833043340e-01, v21;
	v23 =	vmul.f32 v23, v25  }
0x235: {  	v29 =	vmax.f32 v12, $0.0e+00;
	v24 =	vmul.f32 v14, v16;
	v15 =	vadd.f32 $-4.891568420e-01, v15  }
0x236: {  	v17 =	vmul.f32 v17, v19;
	v21 =	vmul.f32 v21, v22;
	v23 =	vadd.f32 $2.833043340e-01, v23  }
0x237: {  	v30 =	vmax.f32 v13, $0.0e+00;
	s25 =	sadd.s32 $0x80, s23;
	v24 =	vadd.f32 $9.990104430e-01, v24;
	v26 =	vmul.f32 v15, v20  }
0x238: {  	s31 =	simm.s32 $0x1;
	v14 =	vld [tilespmem:s25+$0x20];
	v32 =	vadd.f32 $9.990104430e-01, v17;
	v21 =	vadd.f32 $-4.891568420e-01, v21;
	v23 =	vmul.f32 v23, v25  }
0x239: {  	v8 =	vmov s31;
	v15 =	vld [tilespmem:s25+$0x10];
	v24 =	vmul.f32 v24, v16;
	v26 =	vadd.f32 $9.990104430e-01, v26  }
0x23a: {  	v19 =	vmul.f32 v32, v19;
	v16 =	vld [tilespmem:s25+$0x0];
	v21 =	vmul.f32 v21, v22;
	v23 =	vadd.f32 $-4.891568420e-01, v23  }
0x23b: {  	v8 =	vand.u32 $0xF, v8;
	v17 =	vld [tilespmem:s25+$0xFFFFFFE0];
	v24 =	vadd.f32 $2.211703030e-05, v24;
	v20 =	vmul.f32 v26, v20  }
0x23c: {  	v19 =	vadd.f32 $2.211703030e-05, v19;
	v21 =	vadd.f32 $9.990104430e-01, v21;
	v23 =	vmul.f32 v23, v25  }
0x23d: {  	v28 =	vand.u32 $0x7FFFFFFF, v14;
	v24 =	vadd.f32 v24, v30;
	v20 =	vadd.f32 $2.211703030e-05, v20  }
0x23e: {  	v26 =	vand.u32 $0x7FFFFFFF, v15;
	v21 =	vmul.f32 v21, v22;
	v22 =	vadd.f32 $9.990104430e-01, v23  }
0x23f: {  	v30 =	vand.u32 $0x7FFFFFFF, v16;
	v63 =	vsub.f32 v13, v24;
	v23 =	vadd.f32 v20, v29  }
0x240: {  	v29 =	vand.u32 $0x7FFFFFFF, v17;
	v20 =	vadd.f32 $2.211703030e-05, v21;
	v21 =	vmul.f32 v22, v25  }
0x241: {  	v25 =	vadd.f32 v19, v31;
	v32 =	vmul.f32 $1.442695020e+00, v63;
	v33 =	vsub.f32 v12, v23  }
0x242: {  	v19 =	vnsel vm4, $0x0, v18;
	v22 =	vadd.f32 v20, v27;
	v20 =	vadd.f32 $2.211703030e-05, v21  }
0x243: {  	v31 =	vmul.f32 $1.442695020e+00, v33;
	v33 =	vsub.f32 v10, v25;
	(erf) = vpow2.f32 v32  }
0x244: {  	s26 =	simm.s32 $0x2;
	v27 =	vnsel vm3, $0x0, v18;
	v32 =	vsub.f32 v9, v22;
	v21 =	vadd.f32 v20, v34  }
.LBB2_15:
0x245: {  	p0 =	sne.s32 s26, $0xF;
	v20 =	vmul.f32 $1.442695020e+00, v33;
	v33 =	vnsel vm0, $0x0, v18;
	(erf) = vpow2.f32 v31  }
0x246: {  	v34 =	vnsel vm1, $0x0, v18;
	v31 =	vld [tilespmem:s25+$0xFFFFFFF0];
	v32 =	vmul.f32 $1.442695020e+00, v32;
	v35 =	vsub.f32 v11, v21  }
0x247: {  	v18 =	vnsel vm2, $0x0, v18;
	v36 =	vmul.f32 v11, v19;
	v11 =	vmovc v14;
	(erf) = vpow2.f32 v20  }
0x248: {  	v14 =	vsub.f32 $0.0e+00, v28;
	v20 =	vmul.f32 $1.442695020e+00, v35;
	(erf) = vpow2.f32 v32  }
0x249: {  	v28 =	vsub.f32 $0.0e+00, v30;
	v30 =	vmul.f32 v10, v33;
	v10 =	vmovc v16;
	v32 =	vmul.f32 v9, v27;
	v9 =	vmovc v15  }
0x24a: {  	v16 =	vmul.f32 v12, v34;
	v15 =	vsub.f32 $0.0e+00, v29;
	(erf) = vpow2.f32 v20  }
0x24b: {  	v28 =	vmul.f32 $1.442695020e+00, v28;
	v29 =	vmul.f32 v18, v13;
	v13 =	vmovc v17;
	v35 =	vand.u32 $0x7FFFFFFF, v31;
	v12 =	vmovc v31  }
0x24c: {  	v14 =	vmul.f32 $1.442695020e+00, v14;
	v31 =	vmul.f32 $1.442695020e+00, v15;
	v17 =	vsub.f32 $0.0e+00, v35;
	v20 =	vpop (erf)  }
0x24d: {  	(erf) = vpow2.f32 v28;
	v18 =	vsub.f32 v20, v18;
	v20 =	vsub.f32 v24, v29  }
0x24e: {  	v26 =	vsub.f32 $0.0e+00, v26;
	v17 =	vmul.f32 $1.442695020e+00, v17;
	(erf) = vpow2.f32 v31;
	v15 =	vpop (erf)  }
0x24f: {  	v16 =	vsub.f32 v23, v16;
	v20 =	vmul.f32 v18, v20;
	v15 =	vsub.f32 v15, v34  }
0x250: {  	v23 =	vmul.f32 $1.442695020e+00, v26;
	v25 =	vsub.f32 v25, v30;
	(erf) = vpow2.f32 v17;
	v24 =	vpop (erf)  }
0x251: {  	v18 =	vmul.f32 v20, v18;
	v16 =	vmul.f32 v15, v16;
	v20 =	vsub.f32 v24, v33;
	v24 =	vpop (erf)  }
0x252: {  	v22 =	vsub.f32 v22, v32;
	(erf) = vpow2.f32 v23;
	v23 =	vsub.f32 v24, v27  }
0x253: {  	v5 =	vadd.f32 v18, v5;
	v15 =	vmul.f32 v16, v15;
	v16 =	vmul.f32 v20, v25;
	v17 =	vpop (erf)  }
0x254: {  	(erf) = vpow2.f32 v14;
	v14 =	vsub.f32 v17, v19;
	v17 =	vsub.f32 v21, v36  }
0x255: {  	v5 =	vadd.f32 v15, v5;
	v15 =	vmul.f32 v16, v20;
	v16 =	vmul.f32 v23, v22  }
0x256: {  	v24 =	vbroadcast v8, $0x0;
	v18 =	vmov s26;
	v20 =	vpop (erf)  }
0x257: {  	v21 =	vpop (erf);
	v5 =	vadd.f32 v15, v5;
	v15 =	vmul.f32 v16, v23;
	v16 =	vmul.f32 v14, v17  }
0x258: {  	v8 =	vand.u32 $0xF, v18;
	v17 =	vperm.xlane v7, v24;
	v22 =	vmul.f32 $3.010262550e-02, v21  }
0x259: {  	v18 =	vperm.xlane v6, v24;
	v19 =	vpop (erf);
	v5 =	vadd.f32 v15, v5;
	v14 =	vmul.f32 v16, v14  }
0x25a: {  	vm4 =	veq.s32 v17, v4;
	v15 =	vadd.f32 $-1.301194130e-01, v22;
	v16 =	vmul.f32 $3.010262550e-02, v19  }
0x25b: {  	vm3 =	veq.s32 v17, v3;
	v22 =	vmul.f32 $3.010262550e-02, v20;
	v23 =	vpop (erf);
	v5 =	vadd.f32 v14, v5  }
0x25c: {  	vm0 =	veq.s32 v17, v2;
	v14 =	vmul.f32 v15, v21;
	v15 =	vadd.f32 $-1.301194130e-01, v16  }
0x25d: {  	vm1 =	veq.s32 v17, v1;
	v16 =	vadd.f32 $-1.301194130e-01, v22;
	v22 =	vmul.f32 $3.010262550e-02, v23;
	v25 =	vpop (erf)  }
0x25e: {  	vm2 =	veq.s32 v17, v0;
	v14 =	vadd.f32 $2.833043340e-01, v14;
	v15 =	vmul.f32 v15, v19  }
0x25f: {  	v16 =	vmul.f32 v16, v20;
	v17 =	vadd.f32 $-1.301194130e-01, v22;
	v22 =	vmul.f32 $3.010262550e-02, v25  }
0x260: {  	v34 =	vmax.f32 v11, $0.0e+00;
	v14 =	vmul.f32 v14, v21;
	v15 =	vadd.f32 $2.833043340e-01, v15  }
0x261: {  	v16 =	vadd.f32 $2.833043340e-01, v16;
	v17 =	vmul.f32 v17, v23;
	v22 =	vadd.f32 $-1.301194130e-01, v22  }
0x262: {  	v27 =	vmax.f32 v9, $0.0e+00;
	v14 =	vadd.f32 $-4.891568420e-01, v14;
	v15 =	vmul.f32 v15, v19  }
0x263: {  	v16 =	vmul.f32 v16, v20;
	v17 =	vadd.f32 $2.833043340e-01, v17;
	v22 =	vmul.f32 v22, v25  }
0x264: {  	s25 =	sadd.s32 $0x80, s25;
	v31 =	vmax.f32 v10, $0.0e+00;
	v24 =	vmul.f32 v14, v21;
	v15 =	vadd.f32 $-4.891568420e-01, v15  }
0x265: {  	v16 =	vadd.f32 $-4.891568420e-01, v16;
	v17 =	vmul.f32 v17, v23;
	v22 =	vadd.f32 $2.833043340e-01, v22;
	v14 =	vld [tilespmem:s25+$0x20]  }
0x266: {  	v29 =	vmax.f32 v12, $0.0e+00;
	v24 =	vadd.f32 $9.990104430e-01, v24;
	v26 =	vmul.f32 v15, v19  }
0x267: {  	v28 =	vmul.f32 v16, v20;
	v17 =	vadd.f32 $-4.891568420e-01, v17;
	v22 =	vmul.f32 v22, v25;
	v15 =	vld [tilespmem:s25+$0x10]  }
0x268: {  	v21 =	vmul.f32 v24, v21;
	v24 =	vmax.f32 v13, $0.0e+00;
	v26 =	vadd.f32 $9.990104430e-01, v26  }
0x269: {  	v30 =	vadd.f32 $9.990104430e-01, v28;
	v32 =	vmul.f32 v17, v23;
	v22 =	vadd.f32 $-4.891568420e-01, v22;
	v16 =	vld [tilespmem:s25+$0x0]  }
0x26a: {  	v17 =	vld [tilespmem:s25+$0xFFFFFFE0];
	v28 =	vand.u32 $0x7FFFFFFF, v14;
	v21 =	vadd.f32 $2.211703030e-05, v21;
	v19 =	vmul.f32 v26, v19  }
0x26b: {  	v20 =	vmul.f32 v30, v20;
	v30 =	vadd.f32 $9.990104430e-01, v32;
	v22 =	vmul.f32 v22, v25  }
0x26c: {  	v26 =	vand.u32 $0x7FFFFFFF, v15;
	v24 =	vadd.f32 v21, v24;
	v19 =	vadd.f32 $2.211703030e-05, v19  }
0x26d: {  	v20 =	vadd.f32 $2.211703030e-05, v20;
	v21 =	vmul.f32 v30, v23;
	v22 =	vadd.f32 $9.990104430e-01, v22  }
0x26e: {  	v30 =	vand.u32 $0x7FFFFFFF, v16;
	v32 =	vsub.f32 v13, v24;
	v23 =	vadd.f32 v19, v29  }
.Ltmp6:
0x26f: {  	v19 =	vadd.f32 $2.211703030e-05, v21;
	v21 =	vmul.f32 v22, v25;
	v29 =	vand.u32 $0x7FFFFFFF, v17;
	(pc) =	sbr.rel @p0 .LBB2_15-.Ltmp6, $4  }
0x270: {  	v25 =	vadd.f32 v20, v31;
	v32 =	vmul.f32 $1.442695020e+00, v32;
	v33 =	vsub.f32 v12, v23  }
0x271: {  	v22 =	vadd.f32 v19, v27;
	v20 =	vadd.f32 $2.211703030e-05, v21;
	v19 =	vnsel vm4, $0x0, v18  }
0x272: {  	v31 =	vmul.f32 $1.442695020e+00, v33;
	v33 =	vsub.f32 v10, v25;
	(erf) = vpow2.f32 v32  }
0x273: {  	s26 =	sadd.s32 $0x1, s26;
	v27 =	vnsel vm3, $0x0, v18;
	v32 =	vsub.f32 v9, v22;
	v21 =	vadd.f32 v20, v34  }
0x274: {  	v20 =	vld [tilespmem:s25+$0xFFFFFFF0];
	_ =	sdelay $0x1  }
0x275: {  	v33 =	vmul.f32 $1.442695020e+00, v33;
	v34 =	vsub.f32 v11, v21  }
0x276: {  	(erf) = vpow2.f32 v31;
	v30 =	vsub.f32 $0.0e+00, v30;
	v56 =	vmul.f32 $1.442695020e+00, v32  }
0x277: {  	v29 =	vsub.f32 $0.0e+00, v29;
	(erf) = vpow2.f32 v33;
	v57 =	vmul.f32 $1.442695020e+00, v34  }
0x278: {  	v30 =	vmul.f32 $1.442695020e+00, v30;
	(erf) = vpow2.f32 v56;
	v58 =	vand.u32 $0x7FFFFFFF, v20  }
0x279: {  	v29 =	vmul.f32 $1.442695020e+00, v29;
	(erf) = vpow2.f32 v57;
	v31 =	vsub.f32 $0.0e+00, v58  }
0x27a: {  	(erf) = vpow2.f32 v30  }
0x27b: {  	(erf) = vpow2.f32 v29;
	v59 =	vmul.f32 $1.442695020e+00, v31  }
0x27c: {  	v26 =	vsub.f32 $0.0e+00, v26  }
0x27d: {  	(erf) = vpow2.f32 v59  }
0x27e: {  	v28 =	vsub.f32 $0.0e+00, v28;
	v26 =	vmul.f32 $1.442695020e+00, v26;
	v60 =	vpop (erf)  }
0x27f: {  	v62 =	vpop (erf)  }
0x280: {  	v61 =	vnsel vm2, $0x0, v18;
	v28 =	vmul.f32 $1.442695020e+00, v28;
	v33 =	vpop (erf);
	(erf) = vpow2.f32 v26  }
0x281: {  	v63 =	vnsel vm1, $0x0, v18;
	v39 =	vmul.f32 v11, v19;
	v9 =	vmul.f32 v9, v27;
	v37 =	vpop (erf)  }
0x282: {  	v36 =	vnsel vm0, $0x0, v18;
	v13 =	vmul.f32 v61, v13;
	v38 =	vpop (erf);
	(erf) = vpow2.f32 v28  }
0x283: {  	v8 =	vbroadcast v8, $0x0;
	v35 =	vmax.f32 v14, $0.0e+00;
	v12 =	vmul.f32 v12, v63;
	v40 =	vpop (erf)  }
0x284: {  	v10 =	vmul.f32 v10, v36;
	v13 =	vsub.f32 v24, v13;
	v29 =	vsub.f32 v60, v61;
	v42 =	vpop (erf)  }
0x285: {  	v32 =	vmax.f32 v16, $0.0e+00;
	v9 =	vsub.f32 v22, v9;
	v43 =	vmul.f32 $3.010262550e-02, v42  }
0x286: {  	v11 =	vsub.f32 v21, v39;
	v7 =	vperm.xlane v7, v8;
	v13 =	vmul.f32 v29, v13;
	v44 =	vpop (erf)  }
0x287: {  	v10 =	vsub.f32 v25, v10;
	v25 =	vadd.f32 $-1.301194130e-01, v43;
	v45 =	vmul.f32 $3.010262550e-02, v44  }
0x288: {  	v12 =	vsub.f32 v23, v12;
	v13 =	vmul.f32 v13, v29;
	v46 =	vmul.f32 $3.010262550e-02, v40  }
0x289: {  	v26 =	vsub.f32 v37, v27;
	v47 =	vpop (erf);
	v25 =	vmul.f32 v25, v42;
	v27 =	vadd.f32 $-1.301194130e-01, v45  }
0x28a: {  	v5 =	vadd.f32 v13, v5;
	v13 =	vadd.f32 $-1.301194130e-01, v46;
	v48 =	vmul.f32 $3.010262550e-02, v47  }
0x28b: {  	v31 =	vmax.f32 v15, $0.0e+00;
	v50 =	vpop (erf);
	v25 =	vadd.f32 $2.833043340e-01, v25;
	v27 =	vmul.f32 v27, v44  }
0x28c: {  	v13 =	vmul.f32 v13, v40;
	v30 =	vadd.f32 $-1.301194130e-01, v48;
	v51 =	vmul.f32 $3.010262550e-02, v50  }
0x28d: {  	v18 =	vsub.f32 v33, v36;
	v52 =	vmul.f32 v25, v42;
	v53 =	vadd.f32 $2.833043340e-01, v27  }
0x28e: {  	v13 =	vadd.f32 $2.833043340e-01, v13;
	v54 =	vmul.f32 v30, v47;
	v55 =	vadd.f32 $-1.301194130e-01, v51  }
0x28f: {  	v10 =	vmul.f32 v18, v10;
	v56 =	vadd.f32 $-4.891568420e-01, v52;
	v57 =	vmul.f32 v53, v44  }
0x290: {  	v13 =	vmul.f32 v13, v40;
	v58 =	vadd.f32 $2.833043340e-01, v54;
	v59 =	vmul.f32 v55, v50  }
0x291: {  	v10 =	vmul.f32 v10, v18;
	v18 =	vmul.f32 v56, v42;
	v21 =	vadd.f32 $-4.891568420e-01, v57  }
0x292: {  	v13 =	vadd.f32 $-4.891568420e-01, v13;
	v25 =	vmul.f32 v58, v47;
	v27 =	vadd.f32 $2.833043340e-01, v59  }
0x293: {  	v41 =	vsub.f32 v62, v63;
	v18 =	vadd.f32 $9.990104430e-01, v18;
	v21 =	vmul.f32 v21, v44  }
0x294: {  	v13 =	vmul.f32 v13, v40;
	v25 =	vadd.f32 $-4.891568420e-01, v25;
	v27 =	vmul.f32 v27, v50  }
0x295: {  	v62 =	vmax.f32 v17, $0.0e+00;
	v18 =	vmul.f32 v18, v42;
	v21 =	vadd.f32 $9.990104430e-01, v21  }
0x296: {  	v13 =	vadd.f32 $9.990104430e-01, v13;
	v60 =	vmul.f32 v25, v47;
	v61 =	vadd.f32 $-4.891568420e-01, v27  }
0x297: {  	v63 =	vmax.f32 v20, $0.0e+00;
	v18 =	vadd.f32 $2.211703030e-05, v18;
	v21 =	vmul.f32 v21, v44  }
0x298: {  	v13 =	vmul.f32 v13, v40;
	v23 =	vadd.f32 $9.990104430e-01, v60;
	v25 =	vmul.f32 v61, v50  }
0x299: {  	v9 =	vmul.f32 v26, v9;
	v18 =	vadd.f32 v18, v62;
	v21 =	vadd.f32 $2.211703030e-05, v21  }
0x29a: {  	v13 =	vadd.f32 $2.211703030e-05, v13;
	v22 =	vmul.f32 v23, v47;
	v30 =	vadd.f32 $9.990104430e-01, v25  }
0x29b: {  	v9 =	vmul.f32 v9, v26;
	v26 =	vsub.f32 v17, v18;
	v21 =	vadd.f32 v21, v63  }
0x29c: {  	v49 =	vsub.f32 v38, v19;
	v22 =	vadd.f32 $2.211703030e-05, v22;
	v23 =	vmul.f32 v30, v50  }
0x29d: {  	v13 =	vadd.f32 v13, v32;
	v33 =	vmul.f32 $1.442695020e+00, v26;
	v34 =	vsub.f32 v20, v21  }
0x29e: {  	v6 =	vperm.xlane v6, v8;
	v22 =	vadd.f32 v22, v31;
	v23 =	vadd.f32 $2.211703030e-05, v23  }
0x29f: {  	v37 =	vsub.f32 v16, v13;
	(erf) = vpow2.f32 v33;
	v36 =	vmul.f32 $1.442695020e+00, v34  }
0x2a0: {  	v12 =	vmul.f32 v41, v12;
	v38 =	vsub.f32 v15, v22;
	v23 =	vadd.f32 v23, v35  }
0x2a1: {  	v39 =	vmul.f32 $1.442695020e+00, v37;
	(erf) = vpow2.f32 v36  }
0x2a2: {  	v12 =	vmul.f32 v12, v41;
	v24 =	vmul.f32 $1.442695020e+00, v38;
	v40 =	vsub.f32 v14, v23  }
0x2a3: {  	vm12 =	veq.s32 v7, v0;
	vm13 =	veq.s32 v7, v4;
	(erf) = vpow2.f32 v39  }
0x2a4: {  	v5 =	vadd.f32 v12, v5;
	v41 =	vmul.f32 $1.442695020e+00, v40;
	(erf) = vpow2.f32 v24  }
0x2a5: {  	vm14 =	veq.s32 v7, v2;
	vm15 =	veq.s32 v7, v1;
	vm3 =	veq.s32 v7, v3  }
0x2a6: {  	v5 =	vadd.f32 v10, v5;
	v43 =	vnsel vm12, $0x0, v6;
	(erf) = vpow2.f32 v41  }
0x2a7: {  	v7 =	vnsel vm14, $0x0, v6;
	v11 =	vmul.f32 v49, v11;
	v44 =	vmul.f32 v43, v17  }
0x2a8: {  	v5 =	vadd.f32 v9, v5;
	v45 =	vnsel vm15, $0x0, v6;
	v48 =	vnsel vm3, $0x0, v6;
	v46 =	vpop (erf)  }
0x2a9: {  	v47 =	vmul.f32 v20, v45;
	v8 =	vsub.f32 v18, v44;
	v10 =	vsub.f32 v46, v43  }
0x2aa: {  	v6 =	vnsel vm13, $0x0, v6;
	v42 =	vmul.f32 v11, v49;
	v49 =	vmul.f32 v16, v7;
	v50 =	vpop (erf)  }
0x2ab: {  	v51 =	vsub.f32 v21, v47;
	v8 =	vmul.f32 v10, v8;
	v11 =	vsub.f32 v50, v45  }
0x2ac: {  	v52 =	vmul.f32 v15, v48;
	v5 =	vadd.f32 v42, v5;
	v12 =	vsub.f32 v13, v49;
	v53 =	vpop (erf)  }
0x2ad: {  	v8 =	vmul.f32 v8, v10;
	v7 =	vsub.f32 v53, v7;
	v55 =	vpop (erf);
	v54 =	vmul.f32 v11, v51  }
0x2ae: {  	v56 =	vmul.f32 v14, v6;
	v57 =	vsub.f32 v22, v52;
	v9 =	vsub.f32 v55, v48  }
0x2af: {  	v5 =	vadd.f32 v8, v5;
	v59 =	vmul.f32 v7, v12;
	v60 =	vpop (erf);
	v58 =	vmul.f32 v54, v11  }
0x2b0: {  	v61 =	vsub.f32 v23, v56;
	v6 =	vsub.f32 v60, v6  }
0x2b1: {  	s24 =	sadd.s32 $0x1, s24;
	v62 =	vmul.f32 v9, v57;
	v7 =	vmul.f32 v59, v7;
	v5 =	vadd.f32 v58, v5  }
0x2b2: {  	p0 =	sne.s32 s24, $0xA  }
.Ltmp7:
0x2b3: {  	v63 =	vmul.f32 v6, v61;
	v5 =	vadd.f32 v7, v5;
	v7 =	vmul.f32 v62, v9;
	(pc) =	sbr.rel @p0 .LBB2_14-.Ltmp7, $3  }
0x2b4: {  	_ = 	snop  }
0x2b5: {  	v6 =	vmul.f32 v63, v6;
	v5 =	vadd.f32 v7, v5;
	_ =	sdelay $0x1  }
0x2b6: {  	s23 =	sadd.s32 $0x800, s23;
	v5 =	vadd.f32 v6, v5  }
0x2b7: {  	s22 =	simm.s32 $0x0  }
0x2b8: {  	[tilespmem:s17], [sflag:$0x1] =	stream.linear.gather [hbm4b:s11+s22], $0xA0, $0x38;
	[tilespmem:$0x5280] =	vst v63  }
0x2b9: {  	_ =	swait.ge [sflag:s18], $0xA0  }
0x2ba: {  	[sflag:s18] =	ssyncset.done $0x0  }
0x2bb: {  	[sflag:s18] =	ssyncadd.s32 $0xFFFFFF60  }
0x2bc: {  	[tilespmem:s19], [sflag:$0x1] =	stream.linear.gather [hbm4b:s12+s22], $0xA0, $0x38;
	[tilespmem:$0x5280] =	vst v63  }
0x2bd: {  	_ =	swait.ge [sflag:s18], $0xA0  }
0x2be: {  	[sflag:s18] =	ssyncset.done $0x0  }
0x2bf: {  	s23 =	simm.s32 $0x20;
	s24 =	simm.s32 $0x0;
	[sflag:s18] =	ssyncadd.s32 $0xFFFFFF60  }
.LBB2_18:
0x2c0: {  	v10 =	vld [tilespmem:s23+$0x0]  }
0x2c1: {  	v13 =	vld [tilespmem:s23+$0xFFFFFFE0];
	_ =	sdelay $0x1  }
0x2c2: {  	v12 =	vld [tilespmem:s23+$0xFFFFFFF0];
	_ =	sdelay $0x1  }
0x2c3: {  	v6 =	vand.u32 $0x7FFFFFFF, v10  }
0x2c4: {  	v9 =	vld [tilespmem:s23+$0x10];
	v7 =	vand.u32 $0x7FFFFFFF, v13;
	v6 =	vsub.f32 $0.0e+00, v6  }
0x2c5: {  	v7 =	vsub.f32 $0.0e+00, v7  }
0x2c6: {  	v11 =	vld [tilespmem:s23+$0x20];
	v8 =	vand.u32 $0x7FFFFFFF, v12;
	v6 =	vmul.f32 $1.442695020e+00, v6  }
0x2c7: {  	v8 =	vsub.f32 $0.0e+00, v8;
	v7 =	vmul.f32 $1.442695020e+00, v7  }
0x2c8: {  	(erf) = vpow2.f32 v6  }
0x2c9: {  	v8 =	vmul.f32 $1.442695020e+00, v8;
	v6 =	vand.u32 $0x7FFFFFFF, v9;
	(erf) = vpow2.f32 v7  }
0x2ca: {  	v6 =	vsub.f32 $0.0e+00, v6  }
0x2cb: {  	v7 =	vand.u32 $0x7FFFFFFF, v11;
	(erf) = vpow2.f32 v8  }
0x2cc: {  	v7 =	vsub.f32 $0.0e+00, v7;
	v6 =	vmul.f32 $1.442695020e+00, v6  }
0x2cd: {  	s25 =	sshll.u32 s24, $0x4  }
0x2ce: {  	v8 =	vmul.f32 $1.442695020e+00, v7;
	v7 =	vld [tilespmem:s25+$0x5000];
	(erf) = vpow2.f32 v6  }
0x2cf: {  	v14 =	vmov s22;
	v6 =	vld [tilespmem:s25+$0x5100]  }
0x2d0: {  	(erf) = vpow2.f32 v8;
	v8 =	vand.u32 $0xF, v14  }
0x2d1: {  	v14 =	vbroadcast v8, $0x0;
	v19 =	vpop (erf)  }
0x2d2: {  	v16 =	vpop (erf)  }
0x2d3: {  	v17 =	vperm.xlane v7, v14;
	v15 =	vmul.f32 $3.010262550e-02, v16  }
0x2d4: {  	v18 =	vperm.xlane v6, v14;
	v21 =	vmul.f32 $3.010262550e-02, v19;
	v20 =	vpop (erf)  }
0x2d5: {  	vm4 =	veq.s32 v17, v4;
	v14 =	vadd.f32 $-1.301194130e-01, v15;
	v15 =	vmul.f32 $3.010262550e-02, v20  }
0x2d6: {  	vm3 =	veq.s32 v17, v3;
	vm0 =	veq.s32 v17, v2;
	v21 =	vadd.f32 $-1.301194130e-01, v21  }
0x2d7: {  	vm1 =	veq.s32 v17, v1;
	v22 =	vpop (erf);
	v14 =	vmul.f32 v14, v16;
	v15 =	vadd.f32 $-1.301194130e-01, v15  }
0x2d8: {  	vm2 =	veq.s32 v17, v0;
	v17 =	vmul.f32 v21, v19;
	v23 =	vmul.f32 $3.010262550e-02, v22  }
0x2d9: {  	v34 =	vmax.f32 v11, $0.0e+00;
	v25 =	vpop (erf);
	v14 =	vadd.f32 $2.833043340e-01, v14;
	v15 =	vmul.f32 v15, v20  }
0x2da: {  	v17 =	vadd.f32 $2.833043340e-01, v17;
	v21 =	vadd.f32 $-1.301194130e-01, v23;
	v23 =	vmul.f32 $3.010262550e-02, v25  }
0x2db: {  	v27 =	vmax.f32 v9, $0.0e+00;
	v14 =	vmul.f32 v14, v16;
	v15 =	vadd.f32 $2.833043340e-01, v15  }
0x2dc: {  	v17 =	vmul.f32 v17, v19;
	v21 =	vmul.f32 v21, v22;
	v23 =	vadd.f32 $-1.301194130e-01, v23  }
0x2dd: {  	v31 =	vmax.f32 v10, $0.0e+00;
	v14 =	vadd.f32 $-4.891568420e-01, v14;
	v15 =	vmul.f32 v15, v20  }
0x2de: {  	v17 =	vadd.f32 $-4.891568420e-01, v17;
	v21 =	vadd.f32 $2.833043340e-01, v21;
	v23 =	vmul.f32 v23, v25  }
0x2df: {  	v29 =	vmax.f32 v12, $0.0e+00;
	v24 =	vmul.f32 v14, v16;
	v15 =	vadd.f32 $-4.891568420e-01, v15  }
0x2e0: {  	v17 =	vmul.f32 v17, v19;
	v21 =	vmul.f32 v21, v22;
	v23 =	vadd.f32 $2.833043340e-01, v23  }
0x2e1: {  	v30 =	vmax.f32 v13, $0.0e+00;
	s25 =	sadd.s32 $0x80, s23;
	v24 =	vadd.f32 $9.990104430e-01, v24;
	v26 =	vmul.f32 v15, v20  }
0x2e2: {  	s31 =	simm.s32 $0x1;
	v14 =	vld [tilespmem:s25+$0x20];
	v32 =	vadd.f32 $9.990104430e-01, v17;
	v21 =	vadd.f32 $-4.891568420e-01, v21;
	v23 =	vmul.f32 v23, v25  }
0x2e3: {  	v8 =	vmov s31;
	v15 =	vld [tilespmem:s25+$0x10];
	v24 =	vmul.f32 v24, v16;
	v26 =	vadd.f32 $9.990104430e-01, v26  }
0x2e4: {  	v19 =	vmul.f32 v32, v19;
	v16 =	vld [tilespmem:s25+$0x0];
	v21 =	vmul.f32 v21, v22;
	v23 =	vadd.f32 $-4.891568420e-01, v23  }
0x2e5: {  	v8 =	vand.u32 $0xF, v8;
	v17 =	vld [tilespmem:s25+$0xFFFFFFE0];
	v24 =	vadd.f32 $2.211703030e-05, v24;
	v20 =	vmul.f32 v26, v20  }
0x2e6: {  	v19 =	vadd.f32 $2.211703030e-05, v19;
	v21 =	vadd.f32 $9.990104430e-01, v21;
	v23 =	vmul.f32 v23, v25  }
0x2e7: {  	v28 =	vand.u32 $0x7FFFFFFF, v14;
	v24 =	vadd.f32 v24, v30;
	v20 =	vadd.f32 $2.211703030e-05, v20  }
0x2e8: {  	v26 =	vand.u32 $0x7FFFFFFF, v15;
	v21 =	vmul.f32 v21, v22;
	v22 =	vadd.f32 $9.990104430e-01, v23  }
0x2e9: {  	v30 =	vand.u32 $0x7FFFFFFF, v16;
	v63 =	vsub.f32 v13, v24;
	v23 =	vadd.f32 v20, v29  }
0x2ea: {  	v29 =	vand.u32 $0x7FFFFFFF, v17;
	v20 =	vadd.f32 $2.211703030e-05, v21;
	v21 =	vmul.f32 v22, v25  }
0x2eb: {  	v25 =	vadd.f32 v19, v31;
	v32 =	vmul.f32 $1.442695020e+00, v63;
	v33 =	vsub.f32 v12, v23  }
0x2ec: {  	v19 =	vnsel vm4, $0x0, v18;
	v22 =	vadd.f32 v20, v27;
	v20 =	vadd.f32 $2.211703030e-05, v21  }
0x2ed: {  	v31 =	vmul.f32 $1.442695020e+00, v33;
	v33 =	vsub.f32 v10, v25;
	(erf) = vpow2.f32 v32  }
0x2ee: {  	s26 =	simm.s32 $0x2;
	v27 =	vnsel vm3, $0x0, v18;
	v32 =	vsub.f32 v9, v22;
	v21 =	vadd.f32 v20, v34  }
.LBB2_19:
0x2ef: {  	p0 =	sne.s32 s26, $0xF;
	v20 =	vmul.f32 $1.442695020e+00, v33;
	v33 =	vnsel vm0, $0x0, v18;
	(erf) = vpow2.f32 v31  }
0x2f0: {  	v34 =	vnsel vm1, $0x0, v18;
	v31 =	vld [tilespmem:s25+$0xFFFFFFF0];
	v32 =	vmul.f32 $1.442695020e+00, v32;
	v35 =	vsub.f32 v11, v21  }
0x2f1: {  	v18 =	vnsel vm2, $0x0, v18;
	v36 =	vmul.f32 v11, v19;
	v11 =	vmovc v14;
	(erf) = vpow2.f32 v20  }
0x2f2: {  	v14 =	vsub.f32 $0.0e+00, v28;
	v20 =	vmul.f32 $1.442695020e+00, v35;
	(erf) = vpow2.f32 v32  }
0x2f3: {  	v28 =	vsub.f32 $0.0e+00, v30;
	v30 =	vmul.f32 v10, v33;
	v10 =	vmovc v16;
	v32 =	vmul.f32 v9, v27;
	v9 =	vmovc v15  }
0x2f4: {  	v16 =	vmul.f32 v12, v34;
	v15 =	vsub.f32 $0.0e+00, v29;
	(erf) = vpow2.f32 v20  }
0x2f5: {  	v28 =	vmul.f32 $1.442695020e+00, v28;
	v29 =	vmul.f32 v18, v13;
	v13 =	vmovc v17;
	v35 =	vand.u32 $0x7FFFFFFF, v31;
	v12 =	vmovc v31  }
0x2f6: {  	v14 =	vmul.f32 $1.442695020e+00, v14;
	v31 =	vmul.f32 $1.442695020e+00, v15;
	v17 =	vsub.f32 $0.0e+00, v35;
	v20 =	vpop (erf)  }
0x2f7: {  	(erf) = vpow2.f32 v28;
	v18 =	vsub.f32 v20, v18;
	v20 =	vsub.f32 v24, v29  }
0x2f8: {  	v26 =	vsub.f32 $0.0e+00, v26;
	v17 =	vmul.f32 $1.442695020e+00, v17;
	(erf) = vpow2.f32 v31;
	v15 =	vpop (erf)  }
0x2f9: {  	v16 =	vsub.f32 v23, v16;
	v20 =	vmul.f32 v18, v20;
	v15 =	vsub.f32 v15, v34  }
0x2fa: {  	v23 =	vmul.f32 $1.442695020e+00, v26;
	v25 =	vsub.f32 v25, v30;
	(erf) = vpow2.f32 v17;
	v24 =	vpop (erf)  }
0x2fb: {  	v18 =	vmul.f32 v20, v18;
	v16 =	vmul.f32 v15, v16;
	v20 =	vsub.f32 v24, v33;
	v24 =	vpop (erf)  }
0x2fc: {  	v22 =	vsub.f32 v22, v32;
	(erf) = vpow2.f32 v23;
	v23 =	vsub.f32 v24, v27  }
0x2fd: {  	v5 =	vadd.f32 v18, v5;
	v15 =	vmul.f32 v16, v15;
	v16 =	vmul.f32 v20, v25;
	v17 =	vpop (erf)  }
0x2fe: {  	(erf) = vpow2.f32 v14;
	v14 =	vsub.f32 v17, v19;
	v17 =	vsub.f32 v21, v36  }
0x2ff: {  	v5 =	vadd.f32 v15, v5;
	v15 =	vmul.f32 v16, v20;
	v16 =	vmul.f32 v23, v22  }
0x300: {  	v24 =	vbroadcast v8, $0x0;
	v18 =	vmov s26;
	v20 =	vpop (erf)  }
0x301: {  	v21 =	vpop (erf);
	v5 =	vadd.f32 v15, v5;
	v15 =	vmul.f32 v16, v23;
	v16 =	vmul.f32 v14, v17  }
0x302: {  	v8 =	vand.u32 $0xF, v18;
	v17 =	vperm.xlane v7, v24;
	v22 =	vmul.f32 $3.010262550e-02, v21  }
0x303: {  	v18 =	vperm.xlane v6, v24;
	v19 =	vpop (erf);
	v5 =	vadd.f32 v15, v5;
	v14 =	vmul.f32 v16, v14  }
0x304: {  	vm4 =	veq.s32 v17, v4;
	v15 =	vadd.f32 $-1.301194130e-01, v22;
	v16 =	vmul.f32 $3.010262550e-02, v19  }
0x305: {  	vm3 =	veq.s32 v17, v3;
	v22 =	vmul.f32 $3.010262550e-02, v20;
	v23 =	vpop (erf);
	v5 =	vadd.f32 v14, v5  }
0x306: {  	vm0 =	veq.s32 v17, v2;
	v14 =	vmul.f32 v15, v21;
	v15 =	vadd.f32 $-1.301194130e-01, v16  }
0x307: {  	vm1 =	veq.s32 v17, v1;
	v16 =	vadd.f32 $-1.301194130e-01, v22;
	v22 =	vmul.f32 $3.010262550e-02, v23;
	v25 =	vpop (erf)  }
0x308: {  	vm2 =	veq.s32 v17, v0;
	v14 =	vadd.f32 $2.833043340e-01, v14;
	v15 =	vmul.f32 v15, v19  }
0x309: {  	v16 =	vmul.f32 v16, v20;
	v17 =	vadd.f32 $-1.301194130e-01, v22;
	v22 =	vmul.f32 $3.010262550e-02, v25  }
0x30a: {  	v34 =	vmax.f32 v11, $0.0e+00;
	v14 =	vmul.f32 v14, v21;
	v15 =	vadd.f32 $2.833043340e-01, v15  }
0x30b: {  	v16 =	vadd.f32 $2.833043340e-01, v16;
	v17 =	vmul.f32 v17, v23;
	v22 =	vadd.f32 $-1.301194130e-01, v22  }
0x30c: {  	v27 =	vmax.f32 v9, $0.0e+00;
	v14 =	vadd.f32 $-4.891568420e-01, v14;
	v15 =	vmul.f32 v15, v19  }
0x30d: {  	v16 =	vmul.f32 v16, v20;
	v17 =	vadd.f32 $2.833043340e-01, v17;
	v22 =	vmul.f32 v22, v25  }
0x30e: {  	s25 =	sadd.s32 $0x80, s25;
	v31 =	vmax.f32 v10, $0.0e+00;
	v24 =	vmul.f32 v14, v21;
	v15 =	vadd.f32 $-4.891568420e-01, v15  }
0x30f: {  	v16 =	vadd.f32 $-4.891568420e-01, v16;
	v17 =	vmul.f32 v17, v23;
	v22 =	vadd.f32 $2.833043340e-01, v22;
	v14 =	vld [tilespmem:s25+$0x20]  }
0x310: {  	v29 =	vmax.f32 v12, $0.0e+00;
	v24 =	vadd.f32 $9.990104430e-01, v24;
	v26 =	vmul.f32 v15, v19  }
0x311: {  	v28 =	vmul.f32 v16, v20;
	v17 =	vadd.f32 $-4.891568420e-01, v17;
	v22 =	vmul.f32 v22, v25;
	v15 =	vld [tilespmem:s25+$0x10]  }
0x312: {  	v21 =	vmul.f32 v24, v21;
	v24 =	vmax.f32 v13, $0.0e+00;
	v26 =	vadd.f32 $9.990104430e-01, v26  }
0x313: {  	v30 =	vadd.f32 $9.990104430e-01, v28;
	v32 =	vmul.f32 v17, v23;
	v22 =	vadd.f32 $-4.891568420e-01, v22;
	v16 =	vld [tilespmem:s25+$0x0]  }
0x314: {  	v17 =	vld [tilespmem:s25+$0xFFFFFFE0];
	v28 =	vand.u32 $0x7FFFFFFF, v14;
	v21 =	vadd.f32 $2.211703030e-05, v21;
	v19 =	vmul.f32 v26, v19  }
0x315: {  	v20 =	vmul.f32 v30, v20;
	v30 =	vadd.f32 $9.990104430e-01, v32;
	v22 =	vmul.f32 v22, v25  }
0x316: {  	v26 =	vand.u32 $0x7FFFFFFF, v15;
	v24 =	vadd.f32 v21, v24;
	v19 =	vadd.f32 $2.211703030e-05, v19  }
0x317: {  	v20 =	vadd.f32 $2.211703030e-05, v20;
	v21 =	vmul.f32 v30, v23;
	v22 =	vadd.f32 $9.990104430e-01, v22  }
0x318: {  	v30 =	vand.u32 $0x7FFFFFFF, v16;
	v32 =	vsub.f32 v13, v24;
	v23 =	vadd.f32 v19, v29  }
.Ltmp8:
0x319: {  	v19 =	vadd.f32 $2.211703030e-05, v21;
	v21 =	vmul.f32 v22, v25;
	v29 =	vand.u32 $0x7FFFFFFF, v17;
	(pc) =	sbr.rel @p0 .LBB2_19-.Ltmp8, $4  }
0x31a: {  	v25 =	vadd.f32 v20, v31;
	v32 =	vmul.f32 $1.442695020e+00, v32;
	v33 =	vsub.f32 v12, v23  }
0x31b: {  	v22 =	vadd.f32 v19, v27;
	v20 =	vadd.f32 $2.211703030e-05, v21;
	v19 =	vnsel vm4, $0x0, v18  }
0x31c: {  	v31 =	vmul.f32 $1.442695020e+00, v33;
	v33 =	vsub.f32 v10, v25;
	(erf) = vpow2.f32 v32  }
0x31d: {  	s26 =	sadd.s32 $0x1, s26;
	v27 =	vnsel vm3, $0x0, v18;
	v32 =	vsub.f32 v9, v22;
	v21 =	vadd.f32 v20, v34  }
0x31e: {  	v20 =	vld [tilespmem:s25+$0xFFFFFFF0];
	_ =	sdelay $0x1  }
0x31f: {  	v33 =	vmul.f32 $1.442695020e+00, v33;
	v34 =	vsub.f32 v11, v21  }
0x320: {  	(erf) = vpow2.f32 v31;
	v30 =	vsub.f32 $0.0e+00, v30;
	v56 =	vmul.f32 $1.442695020e+00, v32  }
0x321: {  	v29 =	vsub.f32 $0.0e+00, v29;
	(erf) = vpow2.f32 v33;
	v57 =	vmul.f32 $1.442695020e+00, v34  }
0x322: {  	v30 =	vmul.f32 $1.442695020e+00, v30;
	(erf) = vpow2.f32 v56;
	v58 =	vand.u32 $0x7FFFFFFF, v20  }
0x323: {  	v29 =	vmul.f32 $1.442695020e+00, v29;
	(erf) = vpow2.f32 v57;
	v31 =	vsub.f32 $0.0e+00, v58  }
0x324: {  	(erf) = vpow2.f32 v30  }
0x325: {  	(erf) = vpow2.f32 v29;
	v59 =	vmul.f32 $1.442695020e+00, v31  }
0x326: {  	v26 =	vsub.f32 $0.0e+00, v26  }
0x327: {  	(erf) = vpow2.f32 v59  }
0x328: {  	v28 =	vsub.f32 $0.0e+00, v28;
	v26 =	vmul.f32 $1.442695020e+00, v26;
	v60 =	vpop (erf)  }
0x329: {  	v62 =	vpop (erf)  }
0x32a: {  	v61 =	vnsel vm2, $0x0, v18;
	v28 =	vmul.f32 $1.442695020e+00, v28;
	v33 =	vpop (erf);
	(erf) = vpow2.f32 v26  }
0x32b: {  	v63 =	vnsel vm1, $0x0, v18;
	v39 =	vmul.f32 v11, v19;
	v9 =	vmul.f32 v9, v27;
	v37 =	vpop (erf)  }
0x32c: {  	v36 =	vnsel vm0, $0x0, v18;
	v13 =	vmul.f32 v61, v13;
	v38 =	vpop (erf);
	(erf) = vpow2.f32 v28  }
0x32d: {  	v8 =	vbroadcast v8, $0x0;
	v35 =	vmax.f32 v14, $0.0e+00;
	v12 =	vmul.f32 v12, v63;
	v40 =	vpop (erf)  }
0x32e: {  	v10 =	vmul.f32 v10, v36;
	v13 =	vsub.f32 v24, v13;
	v29 =	vsub.f32 v60, v61;
	v42 =	vpop (erf)  }
0x32f: {  	v32 =	vmax.f32 v16, $0.0e+00;
	v9 =	vsub.f32 v22, v9;
	v43 =	vmul.f32 $3.010262550e-02, v42  }
0x330: {  	v11 =	vsub.f32 v21, v39;
	v7 =	vperm.xlane v7, v8;
	v13 =	vmul.f32 v29, v13;
	v44 =	vpop (erf)  }
0x331: {  	v10 =	vsub.f32 v25, v10;
	v25 =	vadd.f32 $-1.301194130e-01, v43;
	v45 =	vmul.f32 $3.010262550e-02, v44  }
0x332: {  	v12 =	vsub.f32 v23, v12;
	v13 =	vmul.f32 v13, v29;
	v46 =	vmul.f32 $3.010262550e-02, v40  }
0x333: {  	v26 =	vsub.f32 v37, v27;
	v47 =	vpop (erf);
	v25 =	vmul.f32 v25, v42;
	v27 =	vadd.f32 $-1.301194130e-01, v45  }
0x334: {  	v5 =	vadd.f32 v13, v5;
	v13 =	vadd.f32 $-1.301194130e-01, v46;
	v48 =	vmul.f32 $3.010262550e-02, v47  }
0x335: {  	v31 =	vmax.f32 v15, $0.0e+00;
	v50 =	vpop (erf);
	v25 =	vadd.f32 $2.833043340e-01, v25;
	v27 =	vmul.f32 v27, v44  }
0x336: {  	v13 =	vmul.f32 v13, v40;
	v30 =	vadd.f32 $-1.301194130e-01, v48;
	v51 =	vmul.f32 $3.010262550e-02, v50  }
0x337: {  	v18 =	vsub.f32 v33, v36;
	v52 =	vmul.f32 v25, v42;
	v53 =	vadd.f32 $2.833043340e-01, v27  }
0x338: {  	v13 =	vadd.f32 $2.833043340e-01, v13;
	v54 =	vmul.f32 v30, v47;
	v55 =	vadd.f32 $-1.301194130e-01, v51  }
0x339: {  	v10 =	vmul.f32 v18, v10;
	v56 =	vadd.f32 $-4.891568420e-01, v52;
	v57 =	vmul.f32 v53, v44  }
0x33a: {  	v13 =	vmul.f32 v13, v40;
	v58 =	vadd.f32 $2.833043340e-01, v54;
	v59 =	vmul.f32 v55, v50  }
0x33b: {  	v10 =	vmul.f32 v10, v18;
	v18 =	vmul.f32 v56, v42;
	v21 =	vadd.f32 $-4.891568420e-01, v57  }
0x33c: {  	v13 =	vadd.f32 $-4.891568420e-01, v13;
	v25 =	vmul.f32 v58, v47;
	v27 =	vadd.f32 $2.833043340e-01, v59  }
0x33d: {  	v41 =	vsub.f32 v62, v63;
	v18 =	vadd.f32 $9.990104430e-01, v18;
	v21 =	vmul.f32 v21, v44  }
0x33e: {  	v13 =	vmul.f32 v13, v40;
	v25 =	vadd.f32 $-4.891568420e-01, v25;
	v27 =	vmul.f32 v27, v50  }
0x33f: {  	v62 =	vmax.f32 v17, $0.0e+00;
	v18 =	vmul.f32 v18, v42;
	v21 =	vadd.f32 $9.990104430e-01, v21  }
0x340: {  	v13 =	vadd.f32 $9.990104430e-01, v13;
	v60 =	vmul.f32 v25, v47;
	v61 =	vadd.f32 $-4.891568420e-01, v27  }
0x341: {  	v63 =	vmax.f32 v20, $0.0e+00;
	v18 =	vadd.f32 $2.211703030e-05, v18;
	v21 =	vmul.f32 v21, v44  }
0x342: {  	v13 =	vmul.f32 v13, v40;
	v23 =	vadd.f32 $9.990104430e-01, v60;
	v25 =	vmul.f32 v61, v50  }
0x343: {  	v9 =	vmul.f32 v26, v9;
	v18 =	vadd.f32 v18, v62;
	v21 =	vadd.f32 $2.211703030e-05, v21  }
0x344: {  	v13 =	vadd.f32 $2.211703030e-05, v13;
	v22 =	vmul.f32 v23, v47;
	v30 =	vadd.f32 $9.990104430e-01, v25  }
0x345: {  	v9 =	vmul.f32 v9, v26;
	v26 =	vsub.f32 v17, v18;
	v21 =	vadd.f32 v21, v63  }
0x346: {  	v49 =	vsub.f32 v38, v19;
	v22 =	vadd.f32 $2.211703030e-05, v22;
	v23 =	vmul.f32 v30, v50  }
0x347: {  	v13 =	vadd.f32 v13, v32;
	v33 =	vmul.f32 $1.442695020e+00, v26;
	v34 =	vsub.f32 v20, v21  }
0x348: {  	v6 =	vperm.xlane v6, v8;
	v22 =	vadd.f32 v22, v31;
	v23 =	vadd.f32 $2.211703030e-05, v23  }
0x349: {  	v37 =	vsub.f32 v16, v13;
	(erf) = vpow2.f32 v33;
	v36 =	vmul.f32 $1.442695020e+00, v34  }
0x34a: {  	v12 =	vmul.f32 v41, v12;
	v38 =	vsub.f32 v15, v22;
	v23 =	vadd.f32 v23, v35  }
0x34b: {  	v39 =	vmul.f32 $1.442695020e+00, v37;
	(erf) = vpow2.f32 v36  }
0x34c: {  	v12 =	vmul.f32 v12, v41;
	v24 =	vmul.f32 $1.442695020e+00, v38;
	v40 =	vsub.f32 v14, v23  }
0x34d: {  	vm12 =	veq.s32 v7, v0;
	vm13 =	veq.s32 v7, v4;
	(erf) = vpow2.f32 v39  }
0x34e: {  	v5 =	vadd.f32 v12, v5;
	v41 =	vmul.f32 $1.442695020e+00, v40;
	(erf) = vpow2.f32 v24  }
0x34f: {  	vm14 =	veq.s32 v7, v2;
	vm15 =	veq.s32 v7, v1;
	vm3 =	veq.s32 v7, v3  }
0x350: {  	v5 =	vadd.f32 v10, v5;
	v43 =	vnsel vm12, $0x0, v6;
	(erf) = vpow2.f32 v41  }
0x351: {  	v7 =	vnsel vm14, $0x0, v6;
	v11 =	vmul.f32 v49, v11;
	v44 =	vmul.f32 v43, v17  }
0x352: {  	v5 =	vadd.f32 v9, v5;
	v45 =	vnsel vm15, $0x0, v6;
	v48 =	vnsel vm3, $0x0, v6;
	v46 =	vpop (erf)  }
0x353: {  	v47 =	vmul.f32 v20, v45;
	v8 =	vsub.f32 v18, v44;
	v10 =	vsub.f32 v46, v43  }
0x354: {  	v6 =	vnsel vm13, $0x0, v6;
	v42 =	vmul.f32 v11, v49;
	v49 =	vmul.f32 v16, v7;
	v50 =	vpop (erf)  }
0x355: {  	v51 =	vsub.f32 v21, v47;
	v8 =	vmul.f32 v10, v8;
	v11 =	vsub.f32 v50, v45  }
0x356: {  	v52 =	vmul.f32 v15, v48;
	v5 =	vadd.f32 v42, v5;
	v12 =	vsub.f32 v13, v49;
	v53 =	vpop (erf)  }
0x357: {  	v8 =	vmul.f32 v8, v10;
	v7 =	vsub.f32 v53, v7;
	v55 =	vpop (erf);
	v54 =	vmul.f32 v11, v51  }
0x358: {  	v56 =	vmul.f32 v14, v6;
	v57 =	vsub.f32 v22, v52;
	v9 =	vsub.f32 v55, v48  }
0x359: {  	v5 =	vadd.f32 v8, v5;
	v59 =	vmul.f32 v7, v12;
	v60 =	vpop (erf);
	v58 =	vmul.f32 v54, v11  }
0x35a: {  	v61 =	vsub.f32 v23, v56;
	v6 =	vsub.f32 v60, v6  }
0x35b: {  	s24 =	sadd.s32 $0x1, s24;
	v62 =	vmul.f32 v9, v57;
	v7 =	vmul.f32 v59, v7;
	v5 =	vadd.f32 v58, v5  }
0x35c: {  	p0 =	sne.s32 s24, $0xA  }
.Ltmp9:
0x35d: {  	v63 =	vmul.f32 v6, v61;
	v5 =	vadd.f32 v7, v5;
	v7 =	vmul.f32 v62, v9;
	(pc) =	sbr.rel @p0 .LBB2_18-.Ltmp9, $3  }
0x35e: {  	_ = 	snop  }
0x35f: {  	v6 =	vmul.f32 v63, v6;
	v5 =	vadd.f32 v7, v5;
	_ =	sdelay $0x1  }
0x360: {  	s23 =	sadd.s32 $0x800, s23;
	v5 =	vadd.f32 v6, v5  }
0x361: {  	s22 =	simm.s32 $0x0  }
0x362: {  	[tilespmem:s17], [sflag:$0x1] =	stream.linear.gather [hbm4b:s13+s22], $0xA0, $0x38;
	[tilespmem:$0x5280] =	vst v63  }
0x363: {  	_ =	swait.ge [sflag:s18], $0xA0  }
0x364: {  	[sflag:s18] =	ssyncset.done $0x0  }
0x365: {  	[sflag:s18] =	ssyncadd.s32 $0xFFFFFF60  }
0x366: {  	[tilespmem:s19], [sflag:$0x1] =	stream.linear.gather [hbm4b:s14+s22], $0xA0, $0x38;
	[tilespmem:$0x5280] =	vst v63  }
0x367: {  	_ =	swait.ge [sflag:s18], $0xA0  }
0x368: {  	[sflag:s18] =	ssyncset.done $0x0  }
0x369: {  	s23 =	simm.s32 $0x20;
	s24 =	simm.s32 $0x0;
	[sflag:s18] =	ssyncadd.s32 $0xFFFFFF60  }
.LBB2_22:
0x36a: {  	v10 =	vld [tilespmem:s23+$0x0]  }
0x36b: {  	v13 =	vld [tilespmem:s23+$0xFFFFFFE0];
	_ =	sdelay $0x1  }
0x36c: {  	v12 =	vld [tilespmem:s23+$0xFFFFFFF0];
	_ =	sdelay $0x1  }
0x36d: {  	v6 =	vand.u32 $0x7FFFFFFF, v10  }
0x36e: {  	v9 =	vld [tilespmem:s23+$0x10];
	v7 =	vand.u32 $0x7FFFFFFF, v13;
	v6 =	vsub.f32 $0.0e+00, v6  }
0x36f: {  	v7 =	vsub.f32 $0.0e+00, v7  }
0x370: {  	v11 =	vld [tilespmem:s23+$0x20];
	v8 =	vand.u32 $0x7FFFFFFF, v12;
	v6 =	vmul.f32 $1.442695020e+00, v6  }
0x371: {  	v8 =	vsub.f32 $0.0e+00, v8;
	v7 =	vmul.f32 $1.442695020e+00, v7  }
0x372: {  	(erf) = vpow2.f32 v6  }
0x373: {  	v8 =	vmul.f32 $1.442695020e+00, v8;
	v6 =	vand.u32 $0x7FFFFFFF, v9;
	(erf) = vpow2.f32 v7  }
0x374: {  	v6 =	vsub.f32 $0.0e+00, v6  }
0x375: {  	v7 =	vand.u32 $0x7FFFFFFF, v11;
	(erf) = vpow2.f32 v8  }
0x376: {  	v7 =	vsub.f32 $0.0e+00, v7;
	v6 =	vmul.f32 $1.442695020e+00, v6  }
0x377: {  	s25 =	sshll.u32 s24, $0x4  }
0x378: {  	v8 =	vmul.f32 $1.442695020e+00, v7;
	v7 =	vld [tilespmem:s25+$0x5000];
	(erf) = vpow2.f32 v6  }
0x379: {  	v14 =	vmov s22;
	v6 =	vld [tilespmem:s25+$0x5100]  }
0x37a: {  	(erf) = vpow2.f32 v8;
	v8 =	vand.u32 $0xF, v14  }
0x37b: {  	v14 =	vbroadcast v8, $0x0;
	v19 =	vpop (erf)  }
0x37c: {  	v16 =	vpop (erf)  }
0x37d: {  	v17 =	vperm.xlane v7, v14;
	v15 =	vmul.f32 $3.010262550e-02, v16  }
0x37e: {  	v18 =	vperm.xlane v6, v14;
	v21 =	vmul.f32 $3.010262550e-02, v19;
	v20 =	vpop (erf)  }
0x37f: {  	vm4 =	veq.s32 v17, v4;
	v14 =	vadd.f32 $-1.301194130e-01, v15;
	v15 =	vmul.f32 $3.010262550e-02, v20  }
0x380: {  	vm3 =	veq.s32 v17, v3;
	vm0 =	veq.s32 v17, v2;
	v21 =	vadd.f32 $-1.301194130e-01, v21  }
0x381: {  	vm1 =	veq.s32 v17, v1;
	v22 =	vpop (erf);
	v14 =	vmul.f32 v14, v16;
	v15 =	vadd.f32 $-1.301194130e-01, v15  }
0x382: {  	vm2 =	veq.s32 v17, v0;
	v17 =	vmul.f32 v21, v19;
	v23 =	vmul.f32 $3.010262550e-02, v22  }
0x383: {  	v34 =	vmax.f32 v11, $0.0e+00;
	v25 =	vpop (erf);
	v14 =	vadd.f32 $2.833043340e-01, v14;
	v15 =	vmul.f32 v15, v20  }
0x384: {  	v17 =	vadd.f32 $2.833043340e-01, v17;
	v21 =	vadd.f32 $-1.301194130e-01, v23;
	v23 =	vmul.f32 $3.010262550e-02, v25  }
0x385: {  	v27 =	vmax.f32 v9, $0.0e+00;
	v14 =	vmul.f32 v14, v16;
	v15 =	vadd.f32 $2.833043340e-01, v15  }
0x386: {  	v17 =	vmul.f32 v17, v19;
	v21 =	vmul.f32 v21, v22;
	v23 =	vadd.f32 $-1.301194130e-01, v23  }
0x387: {  	v31 =	vmax.f32 v10, $0.0e+00;
	v14 =	vadd.f32 $-4.891568420e-01, v14;
	v15 =	vmul.f32 v15, v20  }
0x388: {  	v17 =	vadd.f32 $-4.891568420e-01, v17;
	v21 =	vadd.f32 $2.833043340e-01, v21;
	v23 =	vmul.f32 v23, v25  }
0x389: {  	v29 =	vmax.f32 v12, $0.0e+00;
	v24 =	vmul.f32 v14, v16;
	v15 =	vadd.f32 $-4.891568420e-01, v15  }
0x38a: {  	v17 =	vmul.f32 v17, v19;
	v21 =	vmul.f32 v21, v22;
	v23 =	vadd.f32 $2.833043340e-01, v23  }
0x38b: {  	v30 =	vmax.f32 v13, $0.0e+00;
	s25 =	sadd.s32 $0x80, s23;
	v24 =	vadd.f32 $9.990104430e-01, v24;
	v26 =	vmul.f32 v15, v20  }
0x38c: {  	s31 =	simm.s32 $0x1;
	v14 =	vld [tilespmem:s25+$0x20];
	v32 =	vadd.f32 $9.990104430e-01, v17;
	v21 =	vadd.f32 $-4.891568420e-01, v21;
	v23 =	vmul.f32 v23, v25  }
0x38d: {  	v8 =	vmov s31;
	v15 =	vld [tilespmem:s25+$0x10];
	v24 =	vmul.f32 v24, v16;
	v26 =	vadd.f32 $9.990104430e-01, v26  }
0x38e: {  	v19 =	vmul.f32 v32, v19;
	v16 =	vld [tilespmem:s25+$0x0];
	v21 =	vmul.f32 v21, v22;
	v23 =	vadd.f32 $-4.891568420e-01, v23  }
0x38f: {  	v8 =	vand.u32 $0xF, v8;
	v17 =	vld [tilespmem:s25+$0xFFFFFFE0];
	v24 =	vadd.f32 $2.211703030e-05, v24;
	v20 =	vmul.f32 v26, v20  }
0x390: {  	v19 =	vadd.f32 $2.211703030e-05, v19;
	v21 =	vadd.f32 $9.990104430e-01, v21;
	v23 =	vmul.f32 v23, v25  }
0x391: {  	v28 =	vand.u32 $0x7FFFFFFF, v14;
	v24 =	vadd.f32 v24, v30;
	v20 =	vadd.f32 $2.211703030e-05, v20  }
0x392: {  	v26 =	vand.u32 $0x7FFFFFFF, v15;
	v21 =	vmul.f32 v21, v22;
	v22 =	vadd.f32 $9.990104430e-01, v23  }
0x393: {  	v30 =	vand.u32 $0x7FFFFFFF, v16;
	v63 =	vsub.f32 v13, v24;
	v23 =	vadd.f32 v20, v29  }
0x394: {  	v29 =	vand.u32 $0x7FFFFFFF, v17;
	v20 =	vadd.f32 $2.211703030e-05, v21;
	v21 =	vmul.f32 v22, v25  }
0x395: {  	v25 =	vadd.f32 v19, v31;
	v32 =	vmul.f32 $1.442695020e+00, v63;
	v33 =	vsub.f32 v12, v23  }
0x396: {  	v19 =	vnsel vm4, $0x0, v18;
	v22 =	vadd.f32 v20, v27;
	v20 =	vadd.f32 $2.211703030e-05, v21  }
0x397: {  	v31 =	vmul.f32 $1.442695020e+00, v33;
	v33 =	vsub.f32 v10, v25;
	(erf) = vpow2.f32 v32  }
0x398: {  	s26 =	simm.s32 $0x2;
	v27 =	vnsel vm3, $0x0, v18;
	v32 =	vsub.f32 v9, v22;
	v21 =	vadd.f32 v20, v34  }
.LBB2_23:
0x399: {  	p0 =	sne.s32 s26, $0xF;
	v20 =	vmul.f32 $1.442695020e+00, v33;
	v33 =	vnsel vm0, $0x0, v18;
	(erf) = vpow2.f32 v31  }
0x39a: {  	v34 =	vnsel vm1, $0x0, v18;
	v31 =	vld [tilespmem:s25+$0xFFFFFFF0];
	v32 =	vmul.f32 $1.442695020e+00, v32;
	v35 =	vsub.f32 v11, v21  }
0x39b: {  	v18 =	vnsel vm2, $0x0, v18;
	v36 =	vmul.f32 v11, v19;
	v11 =	vmovc v14;
	(erf) = vpow2.f32 v20  }
0x39c: {  	v14 =	vsub.f32 $0.0e+00, v28;
	v20 =	vmul.f32 $1.442695020e+00, v35;
	(erf) = vpow2.f32 v32  }
0x39d: {  	v28 =	vsub.f32 $0.0e+00, v30;
	v30 =	vmul.f32 v10, v33;
	v10 =	vmovc v16;
	v32 =	vmul.f32 v9, v27;
	v9 =	vmovc v15  }
0x39e: {  	v16 =	vmul.f32 v12, v34;
	v15 =	vsub.f32 $0.0e+00, v29;
	(erf) = vpow2.f32 v20  }
0x39f: {  	v28 =	vmul.f32 $1.442695020e+00, v28;
	v29 =	vmul.f32 v18, v13;
	v13 =	vmovc v17;
	v35 =	vand.u32 $0x7FFFFFFF, v31;
	v12 =	vmovc v31  }
0x3a0: {  	v14 =	vmul.f32 $1.442695020e+00, v14;
	v31 =	vmul.f32 $1.442695020e+00, v15;
	v17 =	vsub.f32 $0.0e+00, v35;
	v20 =	vpop (erf)  }
0x3a1: {  	(erf) = vpow2.f32 v28;
	v18 =	vsub.f32 v20, v18;
	v20 =	vsub.f32 v24, v29  }
0x3a2: {  	v26 =	vsub.f32 $0.0e+00, v26;
	v17 =	vmul.f32 $1.442695020e+00, v17;
	(erf) = vpow2.f32 v31;
	v15 =	vpop (erf)  }
0x3a3: {  	v16 =	vsub.f32 v23, v16;
	v20 =	vmul.f32 v18, v20;
	v15 =	vsub.f32 v15, v34  }
0x3a4: {  	v23 =	vmul.f32 $1.442695020e+00, v26;
	v25 =	vsub.f32 v25, v30;
	(erf) = vpow2.f32 v17;
	v24 =	vpop (erf)  }
0x3a5: {  	v18 =	vmul.f32 v20, v18;
	v16 =	vmul.f32 v15, v16;
	v20 =	vsub.f32 v24, v33;
	v24 =	vpop (erf)  }
0x3a6: {  	v22 =	vsub.f32 v22, v32;
	(erf) = vpow2.f32 v23;
	v23 =	vsub.f32 v24, v27  }
0x3a7: {  	v5 =	vadd.f32 v18, v5;
	v15 =	vmul.f32 v16, v15;
	v16 =	vmul.f32 v20, v25;
	v17 =	vpop (erf)  }
0x3a8: {  	(erf) = vpow2.f32 v14;
	v14 =	vsub.f32 v17, v19;
	v17 =	vsub.f32 v21, v36  }
0x3a9: {  	v5 =	vadd.f32 v15, v5;
	v15 =	vmul.f32 v16, v20;
	v16 =	vmul.f32 v23, v22  }
0x3aa: {  	v24 =	vbroadcast v8, $0x0;
	v18 =	vmov s26;
	v20 =	vpop (erf)  }
0x3ab: {  	v21 =	vpop (erf);
	v5 =	vadd.f32 v15, v5;
	v15 =	vmul.f32 v16, v23;
	v16 =	vmul.f32 v14, v17  }
0x3ac: {  	v8 =	vand.u32 $0xF, v18;
	v17 =	vperm.xlane v7, v24;
	v22 =	vmul.f32 $3.010262550e-02, v21  }
0x3ad: {  	v18 =	vperm.xlane v6, v24;
	v19 =	vpop (erf);
	v5 =	vadd.f32 v15, v5;
	v14 =	vmul.f32 v16, v14  }
0x3ae: {  	vm4 =	veq.s32 v17, v4;
	v15 =	vadd.f32 $-1.301194130e-01, v22;
	v16 =	vmul.f32 $3.010262550e-02, v19  }
0x3af: {  	vm3 =	veq.s32 v17, v3;
	v22 =	vmul.f32 $3.010262550e-02, v20;
	v23 =	vpop (erf);
	v5 =	vadd.f32 v14, v5  }
0x3b0: {  	vm0 =	veq.s32 v17, v2;
	v14 =	vmul.f32 v15, v21;
	v15 =	vadd.f32 $-1.301194130e-01, v16  }
0x3b1: {  	vm1 =	veq.s32 v17, v1;
	v16 =	vadd.f32 $-1.301194130e-01, v22;
	v22 =	vmul.f32 $3.010262550e-02, v23;
	v25 =	vpop (erf)  }
0x3b2: {  	vm2 =	veq.s32 v17, v0;
	v14 =	vadd.f32 $2.833043340e-01, v14;
	v15 =	vmul.f32 v15, v19  }
0x3b3: {  	v16 =	vmul.f32 v16, v20;
	v17 =	vadd.f32 $-1.301194130e-01, v22;
	v22 =	vmul.f32 $3.010262550e-02, v25  }
0x3b4: {  	v34 =	vmax.f32 v11, $0.0e+00;
	v14 =	vmul.f32 v14, v21;
	v15 =	vadd.f32 $2.833043340e-01, v15  }
0x3b5: {  	v16 =	vadd.f32 $2.833043340e-01, v16;
	v17 =	vmul.f32 v17, v23;
	v22 =	vadd.f32 $-1.301194130e-01, v22  }
0x3b6: {  	v27 =	vmax.f32 v9, $0.0e+00;
	v14 =	vadd.f32 $-4.891568420e-01, v14;
	v15 =	vmul.f32 v15, v19  }
0x3b7: {  	v16 =	vmul.f32 v16, v20;
	v17 =	vadd.f32 $2.833043340e-01, v17;
	v22 =	vmul.f32 v22, v25  }
0x3b8: {  	s25 =	sadd.s32 $0x80, s25;
	v31 =	vmax.f32 v10, $0.0e+00;
	v24 =	vmul.f32 v14, v21;
	v15 =	vadd.f32 $-4.891568420e-01, v15  }
0x3b9: {  	v16 =	vadd.f32 $-4.891568420e-01, v16;
	v17 =	vmul.f32 v17, v23;
	v22 =	vadd.f32 $2.833043340e-01, v22;
	v14 =	vld [tilespmem:s25+$0x20]  }
0x3ba: {  	v29 =	vmax.f32 v12, $0.0e+00;
	v24 =	vadd.f32 $9.990104430e-01, v24;
	v26 =	vmul.f32 v15, v19  }
0x3bb: {  	v28 =	vmul.f32 v16, v20;
	v17 =	vadd.f32 $-4.891568420e-01, v17;
	v22 =	vmul.f32 v22, v25;
	v15 =	vld [tilespmem:s25+$0x10]  }
0x3bc: {  	v21 =	vmul.f32 v24, v21;
	v24 =	vmax.f32 v13, $0.0e+00;
	v26 =	vadd.f32 $9.990104430e-01, v26  }
0x3bd: {  	v30 =	vadd.f32 $9.990104430e-01, v28;
	v32 =	vmul.f32 v17, v23;
	v22 =	vadd.f32 $-4.891568420e-01, v22;
	v16 =	vld [tilespmem:s25+$0x0]  }
0x3be: {  	v17 =	vld [tilespmem:s25+$0xFFFFFFE0];
	v28 =	vand.u32 $0x7FFFFFFF, v14;
	v21 =	vadd.f32 $2.211703030e-05, v21;
	v19 =	vmul.f32 v26, v19  }
0x3bf: {  	v20 =	vmul.f32 v30, v20;
	v30 =	vadd.f32 $9.990104430e-01, v32;
	v22 =	vmul.f32 v22, v25  }
0x3c0: {  	v26 =	vand.u32 $0x7FFFFFFF, v15;
	v24 =	vadd.f32 v21, v24;
	v19 =	vadd.f32 $2.211703030e-05, v19  }
0x3c1: {  	v20 =	vadd.f32 $2.211703030e-05, v20;
	v21 =	vmul.f32 v30, v23;
	v22 =	vadd.f32 $9.990104430e-01, v22  }
0x3c2: {  	v30 =	vand.u32 $0x7FFFFFFF, v16;
	v32 =	vsub.f32 v13, v24;
	v23 =	vadd.f32 v19, v29  }
.Ltmp10:
0x3c3: {  	v19 =	vadd.f32 $2.211703030e-05, v21;
	v21 =	vmul.f32 v22, v25;
	v29 =	vand.u32 $0x7FFFFFFF, v17;
	(pc) =	sbr.rel @p0 .LBB2_23-.Ltmp10, $4  }
0x3c4: {  	v25 =	vadd.f32 v20, v31;
	v32 =	vmul.f32 $1.442695020e+00, v32;
	v33 =	vsub.f32 v12, v23  }
0x3c5: {  	v22 =	vadd.f32 v19, v27;
	v20 =	vadd.f32 $2.211703030e-05, v21;
	v19 =	vnsel vm4, $0x0, v18  }
0x3c6: {  	v31 =	vmul.f32 $1.442695020e+00, v33;
	v33 =	vsub.f32 v10, v25;
	(erf) = vpow2.f32 v32  }
0x3c7: {  	s26 =	sadd.s32 $0x1, s26;
	v27 =	vnsel vm3, $0x0, v18;
	v32 =	vsub.f32 v9, v22;
	v21 =	vadd.f32 v20, v34  }
0x3c8: {  	v20 =	vld [tilespmem:s25+$0xFFFFFFF0];
	_ =	sdelay $0x1  }
0x3c9: {  	v33 =	vmul.f32 $1.442695020e+00, v33;
	v34 =	vsub.f32 v11, v21  }
0x3ca: {  	(erf) = vpow2.f32 v31;
	v30 =	vsub.f32 $0.0e+00, v30;
	v56 =	vmul.f32 $1.442695020e+00, v32  }
0x3cb: {  	v29 =	vsub.f32 $0.0e+00, v29;
	(erf) = vpow2.f32 v33;
	v57 =	vmul.f32 $1.442695020e+00, v34  }
0x3cc: {  	v30 =	vmul.f32 $1.442695020e+00, v30;
	(erf) = vpow2.f32 v56;
	v58 =	vand.u32 $0x7FFFFFFF, v20  }
0x3cd: {  	v29 =	vmul.f32 $1.442695020e+00, v29;
	(erf) = vpow2.f32 v57;
	v31 =	vsub.f32 $0.0e+00, v58  }
0x3ce: {  	(erf) = vpow2.f32 v30  }
0x3cf: {  	(erf) = vpow2.f32 v29;
	v59 =	vmul.f32 $1.442695020e+00, v31  }
0x3d0: {  	v26 =	vsub.f32 $0.0e+00, v26  }
0x3d1: {  	(erf) = vpow2.f32 v59  }
0x3d2: {  	v28 =	vsub.f32 $0.0e+00, v28;
	v26 =	vmul.f32 $1.442695020e+00, v26;
	v60 =	vpop (erf)  }
0x3d3: {  	v62 =	vpop (erf)  }
0x3d4: {  	v61 =	vnsel vm2, $0x0, v18;
	v28 =	vmul.f32 $1.442695020e+00, v28;
	v33 =	vpop (erf);
	(erf) = vpow2.f32 v26  }
0x3d5: {  	v63 =	vnsel vm1, $0x0, v18;
	v39 =	vmul.f32 v11, v19;
	v9 =	vmul.f32 v9, v27;
	v37 =	vpop (erf)  }
0x3d6: {  	v36 =	vnsel vm0, $0x0, v18;
	v13 =	vmul.f32 v61, v13;
	v38 =	vpop (erf);
	(erf) = vpow2.f32 v28  }
0x3d7: {  	v8 =	vbroadcast v8, $0x0;
	v35 =	vmax.f32 v14, $0.0e+00;
	v12 =	vmul.f32 v12, v63;
	v40 =	vpop (erf)  }
0x3d8: {  	v10 =	vmul.f32 v10, v36;
	v13 =	vsub.f32 v24, v13;
	v29 =	vsub.f32 v60, v61;
	v42 =	vpop (erf)  }
0x3d9: {  	v32 =	vmax.f32 v16, $0.0e+00;
	v9 =	vsub.f32 v22, v9;
	v43 =	vmul.f32 $3.010262550e-02, v42  }
0x3da: {  	v11 =	vsub.f32 v21, v39;
	v7 =	vperm.xlane v7, v8;
	v13 =	vmul.f32 v29, v13;
	v44 =	vpop (erf)  }
0x3db: {  	v10 =	vsub.f32 v25, v10;
	v25 =	vadd.f32 $-1.301194130e-01, v43;
	v45 =	vmul.f32 $3.010262550e-02, v44  }
0x3dc: {  	v12 =	vsub.f32 v23, v12;
	v13 =	vmul.f32 v13, v29;
	v46 =	vmul.f32 $3.010262550e-02, v40  }
0x3dd: {  	v26 =	vsub.f32 v37, v27;
	v47 =	vpop (erf);
	v25 =	vmul.f32 v25, v42;
	v27 =	vadd.f32 $-1.301194130e-01, v45  }
0x3de: {  	v5 =	vadd.f32 v13, v5;
	v13 =	vadd.f32 $-1.301194130e-01, v46;
	v48 =	vmul.f32 $3.010262550e-02, v47  }
0x3df: {  	v31 =	vmax.f32 v15, $0.0e+00;
	v50 =	vpop (erf);
	v25 =	vadd.f32 $2.833043340e-01, v25;
	v27 =	vmul.f32 v27, v44  }
0x3e0: {  	v13 =	vmul.f32 v13, v40;
	v30 =	vadd.f32 $-1.301194130e-01, v48;
	v51 =	vmul.f32 $3.010262550e-02, v50  }
0x3e1: {  	v18 =	vsub.f32 v33, v36;
	v52 =	vmul.f32 v25, v42;
	v53 =	vadd.f32 $2.833043340e-01, v27  }
0x3e2: {  	v13 =	vadd.f32 $2.833043340e-01, v13;
	v54 =	vmul.f32 v30, v47;
	v55 =	vadd.f32 $-1.301194130e-01, v51  }
0x3e3: {  	v10 =	vmul.f32 v18, v10;
	v56 =	vadd.f32 $-4.891568420e-01, v52;
	v57 =	vmul.f32 v53, v44  }
0x3e4: {  	v13 =	vmul.f32 v13, v40;
	v58 =	vadd.f32 $2.833043340e-01, v54;
	v59 =	vmul.f32 v55, v50  }
0x3e5: {  	v10 =	vmul.f32 v10, v18;
	v18 =	vmul.f32 v56, v42;
	v21 =	vadd.f32 $-4.891568420e-01, v57  }
0x3e6: {  	v13 =	vadd.f32 $-4.891568420e-01, v13;
	v25 =	vmul.f32 v58, v47;
	v27 =	vadd.f32 $2.833043340e-01, v59  }
0x3e7: {  	v41 =	vsub.f32 v62, v63;
	v18 =	vadd.f32 $9.990104430e-01, v18;
	v21 =	vmul.f32 v21, v44  }
0x3e8: {  	v13 =	vmul.f32 v13, v40;
	v25 =	vadd.f32 $-4.891568420e-01, v25;
	v27 =	vmul.f32 v27, v50  }
0x3e9: {  	v62 =	vmax.f32 v17, $0.0e+00;
	v18 =	vmul.f32 v18, v42;
	v21 =	vadd.f32 $9.990104430e-01, v21  }
0x3ea: {  	v13 =	vadd.f32 $9.990104430e-01, v13;
	v60 =	vmul.f32 v25, v47;
	v61 =	vadd.f32 $-4.891568420e-01, v27  }
0x3eb: {  	v63 =	vmax.f32 v20, $0.0e+00;
	v18 =	vadd.f32 $2.211703030e-05, v18;
	v21 =	vmul.f32 v21, v44  }
0x3ec: {  	v13 =	vmul.f32 v13, v40;
	v23 =	vadd.f32 $9.990104430e-01, v60;
	v25 =	vmul.f32 v61, v50  }
0x3ed: {  	v9 =	vmul.f32 v26, v9;
	v18 =	vadd.f32 v18, v62;
	v21 =	vadd.f32 $2.211703030e-05, v21  }
0x3ee: {  	v13 =	vadd.f32 $2.211703030e-05, v13;
	v22 =	vmul.f32 v23, v47;
	v30 =	vadd.f32 $9.990104430e-01, v25  }
0x3ef: {  	v9 =	vmul.f32 v9, v26;
	v26 =	vsub.f32 v17, v18;
	v21 =	vadd.f32 v21, v63  }
0x3f0: {  	v49 =	vsub.f32 v38, v19;
	v22 =	vadd.f32 $2.211703030e-05, v22;
	v23 =	vmul.f32 v30, v50  }
0x3f1: {  	v13 =	vadd.f32 v13, v32;
	v33 =	vmul.f32 $1.442695020e+00, v26;
	v34 =	vsub.f32 v20, v21  }
0x3f2: {  	v6 =	vperm.xlane v6, v8;
	v22 =	vadd.f32 v22, v31;
	v23 =	vadd.f32 $2.211703030e-05, v23  }
0x3f3: {  	v37 =	vsub.f32 v16, v13;
	(erf) = vpow2.f32 v33;
	v36 =	vmul.f32 $1.442695020e+00, v34  }
0x3f4: {  	v12 =	vmul.f32 v41, v12;
	v38 =	vsub.f32 v15, v22;
	v23 =	vadd.f32 v23, v35  }
0x3f5: {  	v39 =	vmul.f32 $1.442695020e+00, v37;
	(erf) = vpow2.f32 v36  }
0x3f6: {  	v12 =	vmul.f32 v12, v41;
	v24 =	vmul.f32 $1.442695020e+00, v38;
	v40 =	vsub.f32 v14, v23  }
0x3f7: {  	vm12 =	veq.s32 v7, v0;
	vm13 =	veq.s32 v7, v4;
	(erf) = vpow2.f32 v39  }
0x3f8: {  	v5 =	vadd.f32 v12, v5;
	v41 =	vmul.f32 $1.442695020e+00, v40;
	(erf) = vpow2.f32 v24  }
0x3f9: {  	vm14 =	veq.s32 v7, v2;
	vm15 =	veq.s32 v7, v1;
	vm3 =	veq.s32 v7, v3  }
0x3fa: {  	v5 =	vadd.f32 v10, v5;
	v43 =	vnsel vm12, $0x0, v6;
	(erf) = vpow2.f32 v41  }
0x3fb: {  	v7 =	vnsel vm14, $0x0, v6;
	v11 =	vmul.f32 v49, v11;
	v44 =	vmul.f32 v43, v17  }
0x3fc: {  	v5 =	vadd.f32 v9, v5;
	v45 =	vnsel vm15, $0x0, v6;
	v48 =	vnsel vm3, $0x0, v6;
	v46 =	vpop (erf)  }
0x3fd: {  	v47 =	vmul.f32 v20, v45;
	v8 =	vsub.f32 v18, v44;
	v10 =	vsub.f32 v46, v43  }
0x3fe: {  	v6 =	vnsel vm13, $0x0, v6;
	v42 =	vmul.f32 v11, v49;
	v49 =	vmul.f32 v16, v7;
	v50 =	vpop (erf)  }
0x3ff: {  	v51 =	vsub.f32 v21, v47;
	v8 =	vmul.f32 v10, v8;
	v11 =	vsub.f32 v50, v45  }
0x400: {  	v52 =	vmul.f32 v15, v48;
	v5 =	vadd.f32 v42, v5;
	v12 =	vsub.f32 v13, v49;
	v53 =	vpop (erf)  }
0x401: {  	v8 =	vmul.f32 v8, v10;
	v7 =	vsub.f32 v53, v7;
	v55 =	vpop (erf);
	v54 =	vmul.f32 v11, v51  }
0x402: {  	v56 =	vmul.f32 v14, v6;
	v57 =	vsub.f32 v22, v52;
	v9 =	vsub.f32 v55, v48  }
0x403: {  	v5 =	vadd.f32 v8, v5;
	v59 =	vmul.f32 v7, v12;
	v60 =	vpop (erf);
	v58 =	vmul.f32 v54, v11  }
0x404: {  	v61 =	vsub.f32 v23, v56;
	v6 =	vsub.f32 v60, v6  }
0x405: {  	s24 =	sadd.s32 $0x1, s24;
	v62 =	vmul.f32 v9, v57;
	v7 =	vmul.f32 v59, v7;
	v5 =	vadd.f32 v58, v5  }
0x406: {  	p0 =	sne.s32 s24, $0xA  }
.Ltmp11:
0x407: {  	v63 =	vmul.f32 v6, v61;
	v5 =	vadd.f32 v7, v5;
	v7 =	vmul.f32 v62, v9;
	(pc) =	sbr.rel @p0 .LBB2_22-.Ltmp11, $3  }
0x408: {  	_ = 	snop  }
0x409: {  	v6 =	vmul.f32 v63, v6;
	v5 =	vadd.f32 v7, v5;
	_ =	sdelay $0x1  }
0x40a: {  	s23 =	sadd.s32 $0x800, s23;
	v5 =	vadd.f32 v6, v5  }
0x40b: {  	s21 =	sadd.s32 $0x1, s21  }
0x40c: {  	p0 =	sne.s32 s21, s16  }
.Ltmp12:
0x40d: {  	[tilespmem:$0x5200] =	vst v5;
	(pc) =	sbr.rel @p0 .LBB2_1-.Ltmp12, $4  }
0x40e: {  	[hbm4b:s15+s2] =	stream.linear.scatter [tilespmem:s20], [sflag:$0x1], $0x10, $0x38;
	[tilespmem:$0x5280] =	vst v63  }
0x40f: {  	_ =	swait.ge [sflag:s18], $0x10  }
0x410: {  	[sflag:s18] =	ssyncset.done $0x0  }
0x411: {  	[sflag:s18] =	ssyncadd.s32 $0xFFFFFFF0  }
0x412: {  	_ =	sfence.sel $0x180000  }
0x413: {  	[bflag:$0x0] =	sbarrier.arrive $0xFFFF  }
0x414: {  	p0 =	sne.s32 s0, $0x0;
	_ =	strace $0x90000047  }
0x415: {  	s0 =	sadd.s32 @!p0 $0x100000, s1;
	[bflag:$0x2] =	sbarrier.arrive $0xFFFF  }
0x416: {  	[sflag:s0] =	ssyncadd.tile.s32 @!p0 $0x1;
	_ =	shalt  }
.Lfunc_end2:
_tile_overlayer_lowered:
.L_overlay_start_2:
0x417: {  	(tag) =	ssettag $0x2  }
0x418: {  	s0 =	rddreg [dreg:$0x0];
	s2 =	stileid.u32  }
0x419: {  	s1 =	rddreg [dreg:$0x1];
	p0 =	sne.s32 s2, $0x0  }
0x41a: {  	s3 =	rddreg [dreg:$0x2];
	[bflag:$0x3] =	sbarrier.arrive $0xFFFF;
	s2 =	simm.s32 @!p0 $0x1C01  }
0x41b: {  	[timem:s3], [sflag:s2] =	dma.local @!p0 [hbm:s0], s1  }
0x41c: {  	s0 =	simm.s32 @!p0 $0x1  }
0x41d: {  	_ =	swait.ge @!p0 [sflag:s0], s1  }
0x41e: {  	s1 =	ssub.s32 @!p0 $0x0, s1;
	[sflag:s0] =	ssyncset.done @!p0 $0x0  }
0x41f: {  	[sflag:s0] =	ssyncadd.s32 @!p0 s1  }
0x420: {  	[bflag:$0x3] =	sbarrier.arrive $0xFFFF  }
0x421: {  	_ =	shalt  }

</sc_bundles>
